<compile_context>
chip_gen: v7x
topology: tpu7x:2x2x1
jax: 0.10.2.dev20260603
libtpu: 0.0.44.dev20260713+nightly
codegen_flags: <defaults>
</compile_context>

<pallas_src>
import functools

import jax
import jax.numpy as jnp
from jax import lax
from jax.experimental import pallas as pl
from jax.experimental.pallas import tpu as pltpu
from jax.experimental.pallas import tpu_sc as plsc

N_NODES = 10000
IN_DIM = 128
OUT_DIM = 128
N_EDGES = 320000

NC, NS, L = 2, 16, 16
NW = NC * NS
IDXW = 128
ACC_ROWS = 10240
TILE_ACC = ACC_ROWS // NS
EDGES_PAD = NW * 10240
ROWS_PER_W = EDGES_PAD // NW // IDXW
SUB = 2
SUBW = IDXW // SUB
GR = 8
GROUPS = ROWS_PER_W // GR
QSTEPS = GROUPS // 2
OUT_CHUNK = 400
NCHUNK = N_NODES // OUT_CHUNK


@functools.partial(
    pl.kernel,
    out_type=[jax.ShapeDtypeStruct((N_NODES, IN_DIM), jnp.float32),
              jax.ShapeDtypeStruct((N_NODES, IN_DIM), jnp.float32)],
    mesh=plsc.VectorSubcoreMesh(core_axis_name="c", subcore_axis_name="s"),
    scratch_types=[
        pltpu.VMEM((2, IDXW, IN_DIM), jnp.float32),
        pltpu.VMEM((2, GR, IDXW), jnp.int32),
        pltpu.VMEM((2, GR, IDXW), jnp.int32),
        pltpu.VMEM_SHARED((ACC_ROWS, IN_DIM), jnp.float32),
        pltpu.SemaphoreType.DMA,
        pltpu.SemaphoreType.DMA,
        pltpu.SemaphoreType.DMA,
    ],
)
def _edge_scatter(x_hbm, src_hbm, dst_hbm, p0_hbm, p1_hbm,
                  rows, sidx, didx, acc, gsem, ssem, isem):
    cid = lax.axis_index("c")
    sid = lax.axis_index("s")
    wid = cid * NS + sid
    base = wid * ROWS_PER_W

    def idx_fire(q, p):
        rb = base + (2 * q + p) * GR
        pltpu.async_copy(src_hbm.at[pl.ds(rb, GR)], sidx.at[p], isem)
        pltpu.async_copy(dst_hbm.at[pl.ds(rb, GR)], didx.at[p], isem)

    def idx_wait():
        pltpu.make_async_copy(src_hbm.at[pl.ds(base, GR)],
                              sidx.at[0], isem).wait()

    idx_fire(0, 0)
    idx_fire(0, 1)

    z16 = jnp.zeros((L,), jnp.float32)

    def zrow(i, carry):
        for j in range(IN_DIM // L):
            rows[0, i, pl.ds(j * L, L)] = z16
        return carry

    lax.fori_loop(0, IDXW, zrow, 0)

    zc = [pltpu.async_copy(rows.at[0],
                           acc.at[pl.ds(sid * TILE_ACC + g * IDXW, IDXW)],
                           gsem)
          for g in range(TILE_ACC // IDXW)]
    for c in zc:
        c.wait()
    plsc.subcore_barrier()

    PK = 2 * GR

    def super_step(q, carry):
        for _ in range(4):
            idx_wait()

        def fg(k):
            p, r = (0, k) if k < GR else (1, k - GR)
            b = k % 2
            return [pltpu.async_copy(
                x_hbm.at[sidx.at[p, r, pl.ds(h * SUBW, SUBW)]],
                rows.at[b, pl.ds(h * SUBW, SUBW)], gsem)
                for h in range(SUB)]

        def fs(k):
            p, r = (0, k) if k < GR else (1, k - GR)
            return pltpu.async_copy(rows.at[k % 2],
                                    acc.at[didx.at[p, r]], ssem, add=True)

        g = {0: fg(0)}
        s = {}
        for k in range(PK):
            if k + 1 < PK:
                if k >= 1:
                    s[k - 1].wait()
                g[k + 1] = fg(k + 1)
            if k == GR + 1:
                @pl.when(q < QSTEPS - 1)
                def _():
                    idx_fire(q + 1, 0)
            for c in g[k]:
                c.wait()
            s[k] = fs(k)
        s[PK - 2].wait()
        s[PK - 1].wait()

        @pl.when(q < QSTEPS - 1)
        def _():
            idx_fire(q + 1, 1)

        return carry

    lax.fori_loop(0, QSTEPS, super_step, 0)
    plsc.subcore_barrier()

    def copy_chunk(c):
        @pl.when(cid == 0)
        def _():
            pltpu.async_copy(acc.at[pl.ds(c * OUT_CHUNK, OUT_CHUNK)],
                             p0_hbm.at[pl.ds(c * OUT_CHUNK, OUT_CHUNK)],
                             gsem)

        @pl.when(cid == 1)
        def _():
            pltpu.async_copy(acc.at[pl.ds(c * OUT_CHUNK, OUT_CHUNK)],
                             p1_hbm.at[pl.ds(c * OUT_CHUNK, OUT_CHUNK)],
                             gsem)

    NK = (NCHUNK + NS - 1) // NS
    for k in range(NK):
        c = sid + k * NS

        @pl.when(c < NCHUNK)
        def _(c=c):
            copy_chunk(c)

    for k in range(NK):
        c = sid + k * NS

        @pl.when(c < NCHUNK)
        def _():
            pltpu.make_async_copy(
                acc.at[pl.ds(0, OUT_CHUNK)],
                p0_hbm.at[pl.ds(0, OUT_CHUNK)], gsem).wait()


BLK = 2000


def _combine_body(x_ref, w_ref, a_ref, b_ref, o_ref):
    o_ref[...] = (jnp.dot(x_ref[...], w_ref[...],
                          preferred_element_type=jnp.float32)
                  + a_ref[...] + b_ref[...])


_combine = pl.pallas_call(
    _combine_body,
    grid=(N_NODES // BLK,),
    in_specs=[pl.BlockSpec((BLK, IN_DIM), lambda i: (i, 0)),
              pl.BlockSpec((IN_DIM, OUT_DIM), lambda i: (0, 0)),
              pl.BlockSpec((BLK, IN_DIM), lambda i: (i, 0)),
              pl.BlockSpec((BLK, IN_DIM), lambda i: (i, 0))],
    out_specs=pl.BlockSpec((BLK, OUT_DIM), lambda i: (i, 0)),
    out_shape=jax.ShapeDtypeStruct((N_NODES, OUT_DIM), jnp.float32),
)


def kernel(x, edge_index, loop_weight):
    src = edge_index[0].astype(jnp.int32)
    dst = edge_index[1].astype(jnp.int32)
    pad = EDGES_PAD - N_EDGES
    pad_ar = jnp.arange(pad, dtype=jnp.int32)
    src_p = jnp.concatenate([src, pad_ar % N_NODES])
    dst_p = jnp.concatenate([dst, N_NODES + pad_ar % (ACC_ROWS - N_NODES)])
    src2d = src_p.reshape(EDGES_PAD // IDXW, IDXW)
    dst2d = dst_p.reshape(EDGES_PAD // IDXW, IDXW)
    p0, p1 = _edge_scatter(x, src2d, dst2d)
    return _combine(x, loop_weight, p0, p1)

# --- scband reference (transcript-rebuilt; emitter-appended) ---
"""Pipeline reference for scband-rgcnlayer-48524540510308 (READ-ONLY COPY).

The authoritative reference and input builder live on the scoring server;
editing this copy changes nothing except your own understanding.
"""

import jax, jax.numpy as jnp
import numpy as np

N_NODES = 10000
N_EDGES = 320000
IN_DIM = 128
OUT_DIM = 128


def setup_inputs(seed: int = 0) -> dict:
    key = jax.random.key(seed)
    k1, k2, k3 = jax.random.split(key, 3)
    x = jax.random.normal(k1, (N_NODES, IN_DIM), dtype=jnp.float32)
    edge_index = jax.random.randint(k2, (2, N_EDGES), 0, N_NODES, dtype=jnp.int64)
    # Xavier-uniform init for self-loop weight with relu gain
    gain = float(np.sqrt(2.0))
    bound = gain * float(np.sqrt(6.0 / (IN_DIM + OUT_DIM)))
    loop_weight = jax.random.uniform(k3, (IN_DIM, OUT_DIM), dtype=jnp.float32, minval=-bound, maxval=bound)
    return {"x": x, "edge_index": edge_index, "loop_weight": loop_weight}


def reference(x, edge_index, loop_weight):
    # Self-loop message: dense matmul (dropout disabled, bias disabled, no activation)
    loop_message = jnp.dot(x, loop_weight)
    # propagate: sum-aggregation message passing over edges
    src = edge_index[0]
    dst = edge_index[1]
    msgs = jnp.take(x, src, axis=0)  # gather source node features per edge
    agg = jax.ops.segment_sum(msgs, dst, num_segments=x.shape[0])  # scatter-add to dst
    node_repr = agg + loop_message
    return node_repr

if __name__ == "__main__":
    import jax
    _d = setup_inputs()
    print(jax.jit(kernel)(*tuple(_d.values())))

</pallas_src>

<mosaic_0001>
#map = affine_map<(d0, d1) -> (0, 0)>
module attributes {stable_mosaic.version = 14 : i64} {
  func.func @_edge_scatter(%arg0: i32, %arg1: i32, %arg2: memref<10000x128xf32, #tpu.memory_space<hbm>>, %arg3: memref<2560x128xi32, #tpu.memory_space<hbm>>, %arg4: memref<2560x128xi32, #tpu.memory_space<hbm>>, %arg5: memref<10000x128xf32, #tpu.memory_space<hbm>>, %arg6: memref<10000x128xf32, #tpu.memory_space<hbm>>, %arg7: memref<2x128x128xf32, #tpu.memory_space<vmem>>, %arg8: memref<2x8x128xi32, #tpu.memory_space<vmem>>, %arg9: memref<2x8x128xi32, #tpu.memory_space<vmem>>, %arg10: memref<10240x128xf32, #tpu.memory_space<vmem_shared>>, %arg11: memref<!tpu.dma_semaphore, #tpu.memory_space<semaphore_mem>>, %arg12: memref<!tpu.dma_semaphore, #tpu.memory_space<semaphore_mem>>, %arg13: memref<!tpu.dma_semaphore, #tpu.memory_space<semaphore_mem>>) attributes {dimension_semantics = [#tpu.dimension_semantics<core_parallel>, #tpu.dimension_semantics<subcore_parallel>], iteration_bounds = array<i64: 2, 16>, scalar_prefetch = 0 : i64, scratch_operands = 7 : i64, tpu.core_type = #tpu.core_type<sc_vector_subcore>, window_params = [{transform_indices = #map}, {transform_indices = #map}, {transform_indices = #map}, {transform_indices = #map}, {transform_indices = #map}]} {
    %mul3A = arith.constant 16 : i32
    %mul3A_0 = arith.muli %arg0, %mul3A : i32
    %add3A = arith.addi %mul3A_0, %arg1 : i32
    %mul3A_1 = arith.constant 80 : i32
    %mul3A_2 = arith.muli %add3A, %mul3A_1 : i32
    %add3A_3 = arith.constant 0 : i32
    %add3A_4 = arith.addi %mul3A_2, %add3A_3 : i32
    %dma_start3A = arith.constant 0 : i32
    %dma_start3A_5 = arith.constant 0 : i32
    %dma_start3A_6 = arith.constant 0 : i32
    %dma_start3A_7 = tpu.memref_slice %arg8[%dma_start3A, %dma_start3A_5, %dma_start3A_6] : memref<2x8x128xi32, #tpu.memory_space<vmem>> -> memref<1x8x128xi32, #tpu.memory_space<vmem>>
    %dma_start3A_8 = tpu.memref_squeeze %dma_start3A_7 : memref<1x8x128xi32, #tpu.memory_space<vmem>> -> memref<8x128xi32, #tpu.memory_space<vmem>>
    %dma_start3A_9 = arith.constant 0 : i32
    %dma_start3A_10 = tpu.memref_slice %arg3[%add3A_4, %dma_start3A_9] : memref<2560x128xi32, #tpu.memory_space<hbm>> -> memref<8x128xi32, #tpu.memory_space<hbm>>
    %dma_start3A_11 = arith.constant 0 : i32
    %dma_start3A_12 = arith.constant 0 : i32
    %dma_start3A_13 = tpu.memref_slice %arg8[%dma_start3A, %dma_start3A_11, %dma_start3A_12] : memref<2x8x128xi32, #tpu.memory_space<vmem>> -> memref<1x8x128xi32, #tpu.memory_space<vmem>>
    %dma_start3A_14 = tpu.memref_squeeze %dma_start3A_13 : memref<1x8x128xi32, #tpu.memory_space<vmem>> -> memref<8x128xi32, #tpu.memory_space<vmem>>
    %dma_start3A_15 = arith.constant 0 : i32
    %dma_start3A_16 = tpu.memref_slice %arg3[%add3A_4, %dma_start3A_15] : memref<2560x128xi32, #tpu.memory_space<hbm>> -> memref<8x128xi32, #tpu.memory_space<hbm>>
    tpu.enqueue_dma source(%dma_start3A_16 : memref<8x128xi32, #tpu.memory_space<hbm>>) target(%dma_start3A_14 : memref<8x128xi32, #tpu.memory_space<vmem>>) target_semaphore(%arg13 : memref<!tpu.dma_semaphore, #tpu.memory_space<semaphore_mem>>)
    %dma_start3A_17 = arith.constant 0 : i32
    %dma_start3A_18 = arith.constant 0 : i32
    %dma_start3A_19 = arith.constant 0 : i32
    %dma_start3A_20 = tpu.memref_slice %arg9[%dma_start3A_17, %dma_start3A_18, %dma_start3A_19] : memref<2x8x128xi32, #tpu.memory_space<vmem>> -> memref<1x8x128xi32, #tpu.memory_space<vmem>>
    %dma_start3A_21 = tpu.memref_squeeze %dma_start3A_20 : memref<1x8x128xi32, #tpu.memory_space<vmem>> -> memref<8x128xi32, #tpu.memory_space<vmem>>
    %dma_start3A_22 = arith.constant 0 : i32
    %dma_start3A_23 = tpu.memref_slice %arg4[%add3A_4, %dma_start3A_22] : memref<2560x128xi32, #tpu.memory_space<hbm>> -> memref<8x128xi32, #tpu.memory_space<hbm>>
    %dma_start3A_24 = arith.constant 0 : i32
    %dma_start3A_25 = arith.constant 0 : i32
    %dma_start3A_26 = tpu.memref_slice %arg9[%dma_start3A_17, %dma_start3A_24, %dma_start3A_25] : memref<2x8x128xi32, #tpu.memory_space<vmem>> -> memref<1x8x128xi32, #tpu.memory_space<vmem>>
    %dma_start3A_27 = tpu.memref_squeeze %dma_start3A_26 : memref<1x8x128xi32, #tpu.memory_space<vmem>> -> memref<8x128xi32, #tpu.memory_space<vmem>>
    %dma_start3A_28 = arith.constant 0 : i32
    %dma_start3A_29 = tpu.memref_slice %arg4[%add3A_4, %dma_start3A_28] : memref<2560x128xi32, #tpu.memory_space<hbm>> -> memref<8x128xi32, #tpu.memory_space<hbm>>
    tpu.enqueue_dma source(%dma_start3A_29 : memref<8x128xi32, #tpu.memory_space<hbm>>) target(%dma_start3A_27 : memref<8x128xi32, #tpu.memory_space<vmem>>) target_semaphore(%arg13 : memref<!tpu.dma_semaphore, #tpu.memory_space<semaphore_mem>>)
    %add3A_30 = arith.constant 8 : i32
    %add3A_31 = arith.addi %mul3A_2, %add3A_30 : i32
    %dma_start3A_32 = arith.constant 1 : i32
    %dma_start3A_33 = arith.constant 0 : i32
    %dma_start3A_34 = arith.constant 0 : i32
    %dma_start3A_35 = tpu.memref_slice %arg8[%dma_start3A_32, %dma_start3A_33, %dma_start3A_34] : memref<2x8x128xi32, #tpu.memory_space<vmem>> -> memref<1x8x128xi32, #tpu.memory_space<vmem>>
    %dma_start3A_36 = tpu.memref_squeeze %dma_start3A_35 : memref<1x8x128xi32, #tpu.memory_space<vmem>> -> memref<8x128xi32, #tpu.memory_space<vmem>>
    %dma_start3A_37 = arith.constant 0 : i32
    %dma_start3A_38 = tpu.memref_slice %arg3[%add3A_31, %dma_start3A_37] : memref<2560x128xi32, #tpu.memory_space<hbm>> -> memref<8x128xi32, #tpu.memory_space<hbm>>
    %dma_start3A_39 = arith.constant 0 : i32
    %dma_start3A_40 = arith.constant 0 : i32
    %dma_start3A_41 = tpu.memref_slice %arg8[%dma_start3A_32, %dma_start3A_39, %dma_start3A_40] : memref<2x8x128xi32, #tpu.memory_space<vmem>> -> memref<1x8x128xi32, #tpu.memory_space<vmem>>
    %dma_start3A_42 = tpu.memref_squeeze %dma_start3A_41 : memref<1x8x128xi32, #tpu.memory_space<vmem>> -> memref<8x128xi32, #tpu.memory_space<vmem>>
    %dma_start3A_43 = arith.constant 0 : i32
    %dma_start3A_44 = tpu.memref_slice %arg3[%add3A_31, %dma_start3A_43] : memref<2560x128xi32, #tpu.memory_space<hbm>> -> memref<8x128xi32, #tpu.memory_space<hbm>>
    tpu.enqueue_dma source(%dma_start3A_44 : memref<8x128xi32, #tpu.memory_space<hbm>>) target(%dma_start3A_42 : memref<8x128xi32, #tpu.memory_space<vmem>>) target_semaphore(%arg13 : memref<!tpu.dma_semaphore, #tpu.memory_space<semaphore_mem>>)
    %dma_start3A_45 = arith.constant 1 : i32
    %dma_start3A_46 = arith.constant 0 : i32
    %dma_start3A_47 = arith.constant 0 : i32
    %dma_start3A_48 = tpu.memref_slice %arg9[%dma_start3A_45, %dma_start3A_46, %dma_start3A_47] : memref<2x8x128xi32, #tpu.memory_space<vmem>> -> memref<1x8x128xi32, #tpu.memory_space<vmem>>
    %dma_start3A_49 = tpu.memref_squeeze %dma_start3A_48 : memref<1x8x128xi32, #tpu.memory_space<vmem>> -> memref<8x128xi32, #tpu.memory_space<vmem>>
    %dma_start3A_50 = arith.constant 0 : i32
    %dma_start3A_51 = tpu.memref_slice %arg4[%add3A_31, %dma_start3A_50] : memref<2560x128xi32, #tpu.memory_space<hbm>> -> memref<8x128xi32, #tpu.memory_space<hbm>>
    %dma_start3A_52 = arith.constant 0 : i32
    %dma_start3A_53 = arith.constant 0 : i32
    %dma_start3A_54 = tpu.memref_slice %arg9[%dma_start3A_45, %dma_start3A_52, %dma_start3A_53] : memref<2x8x128xi32, #tpu.memory_space<vmem>> -> memref<1x8x128xi32, #tpu.memory_space<vmem>>
    %dma_start3A_55 = tpu.memref_squeeze %dma_start3A_54 : memref<1x8x128xi32, #tpu.memory_space<vmem>> -> memref<8x128xi32, #tpu.memory_space<vmem>>
    %dma_start3A_56 = arith.constant 0 : i32
    %dma_start3A_57 = tpu.memref_slice %arg4[%add3A_31, %dma_start3A_56] : memref<2560x128xi32, #tpu.memory_space<hbm>> -> memref<8x128xi32, #tpu.memory_space<hbm>>
    tpu.enqueue_dma source(%dma_start3A_57 : memref<8x128xi32, #tpu.memory_space<hbm>>) target(%dma_start3A_55 : memref<8x128xi32, #tpu.memory_space<vmem>>) target_semaphore(%arg13 : memref<!tpu.dma_semaphore, #tpu.memory_space<semaphore_mem>>)
    %broadcast_in_dim3A = arith.constant 0.000000e+00 : f32
    %broadcast_in_dim3A_58 = vector.broadcast %broadcast_in_dim3A : f32 to vector<16xf32>
    %scan3A = arith.constant 0 : i32
    %scan3A_59 = arith.constant 0 : i32
    %scan3A_60 = arith.constant 128 : i32
    %scan3A_61 = arith.addi %scan3A_59, %scan3A_60 : i32
    %scan3A_62 = arith.constant 1 : i32
    scf.for %scan3A_245 = %scan3A_59 to %scan3A_61 step %scan3A_62  : i32 {
      %swap3A = arith.constant 0 : i32
      %swap3A_246 = arith.index_cast %swap3A : i32 to index
      %swap3A_247 = arith.index_cast %scan3A_245 : i32 to index
      %swap3A_248 = arith.constant 0 : index
      %swap3A_249 = tpu.vector_load %arg7[%swap3A_246, %swap3A_247, %swap3A_248] {strides = array<i32>} : memref<2x128x128xf32, #tpu.memory_space<vmem>>, vector<1x1x16xf32>,
      %swap3A_250 = vector.shape_cast %swap3A_249 : vector<1x1x16xf32> to vector<16xf32>
      %swap3A_251 = vector.shape_cast %broadcast_in_dim3A_58 : vector<16xf32> to vector<1x1x16xf32>
      tpu.vector_store %arg7[%swap3A_246, %swap3A_247, %swap3A_248], %swap3A_251 {strides = array<i32>} : memref<2x128x128xf32, #tpu.memory_space<vmem>>, vector<1x1x16xf32>,
      %swap3A_252 = arith.constant 0 : i32
      %swap3A_253 = arith.index_cast %swap3A_252 : i32 to index
      %swap3A_254 = arith.index_cast %scan3A_245 : i32 to index
      %swap3A_255 = arith.constant 16 : index
      %swap3A_256 = tpu.vector_load %arg7[%swap3A_253, %swap3A_254, %swap3A_255] {strides = array<i32>} : memref<2x128x128xf32, #tpu.memory_space<vmem>>, vector<1x1x16xf32>,
      %swap3A_257 = vector.shape_cast %swap3A_256 : vector<1x1x16xf32> to vector<16xf32>
      %swap3A_258 = vector.shape_cast %broadcast_in_dim3A_58 : vector<16xf32> to vector<1x1x16xf32>
      tpu.vector_store %arg7[%swap3A_253, %swap3A_254, %swap3A_255], %swap3A_258 {strides = array<i32>} : memref<2x128x128xf32, #tpu.memory_space<vmem>>, vector<1x1x16xf32>,
      %swap3A_259 = arith.constant 0 : i32
      %swap3A_260 = arith.index_cast %swap3A_259 : i32 to index
      %swap3A_261 = arith.index_cast %scan3A_245 : i32 to index
      %swap3A_262 = arith.constant 32 : index
      %swap3A_263 = tpu.vector_load %arg7[%swap3A_260, %swap3A_261, %swap3A_262] {strides = array<i32>} : memref<2x128x128xf32, #tpu.memory_space<vmem>>, vector<1x1x16xf32>,
      %swap3A_264 = vector.shape_cast %swap3A_263 : vector<1x1x16xf32> to vector<16xf32>
      %swap3A_265 = vector.shape_cast %broadcast_in_dim3A_58 : vector<16xf32> to vector<1x1x16xf32>
      tpu.vector_store %arg7[%swap3A_260, %swap3A_261, %swap3A_262], %swap3A_265 {strides = array<i32>} : memref<2x128x128xf32, #tpu.memory_space<vmem>>, vector<1x1x16xf32>,
      %swap3A_266 = arith.constant 0 : i32
      %swap3A_267 = arith.index_cast %swap3A_266 : i32 to index
      %swap3A_268 = arith.index_cast %scan3A_245 : i32 to index
      %swap3A_269 = arith.constant 48 : index
      %swap3A_270 = tpu.vector_load %arg7[%swap3A_267, %swap3A_268, %swap3A_269] {strides = array<i32>} : memref<2x128x128xf32, #tpu.memory_space<vmem>>, vector<1x1x16xf32>,
      %swap3A_271 = vector.shape_cast %swap3A_270 : vector<1x1x16xf32> to vector<16xf32>
      %swap3A_272 = vector.shape_cast %broadcast_in_dim3A_58 : vector<16xf32> to vector<1x1x16xf32>
      tpu.vector_store %arg7[%swap3A_267, %swap3A_268, %swap3A_269], %swap3A_272 {strides = array<i32>} : memref<2x128x128xf32, #tpu.memory_space<vmem>>, vector<1x1x16xf32>,
      %swap3A_273 = arith.constant 0 : i32
      %swap3A_274 = arith.index_cast %swap3A_273 : i32 to index
      %swap3A_275 = arith.index_cast %scan3A_245 : i32 to index
      %swap3A_276 = arith.constant 64 : index
      %swap3A_277 = tpu.vector_load %arg7[%swap3A_274, %swap3A_275, %swap3A_276] {strides = array<i32>} : memref<2x128x128xf32, #tpu.memory_space<vmem>>, vector<1x1x16xf32>,
      %swap3A_278 = vector.shape_cast %swap3A_277 : vector<1x1x16xf32> to vector<16xf32>
      %swap3A_279 = vector.shape_cast %broadcast_in_dim3A_58 : vector<16xf32> to vector<1x1x16xf32>
      tpu.vector_store %arg7[%swap3A_274, %swap3A_275, %swap3A_276], %swap3A_279 {strides = array<i32>} : memref<2x128x128xf32, #tpu.memory_space<vmem>>, vector<1x1x16xf32>,
      %swap3A_280 = arith.constant 0 : i32
      %swap3A_281 = arith.index_cast %swap3A_280 : i32 to index
      %swap3A_282 = arith.index_cast %scan3A_245 : i32 to index
      %swap3A_283 = arith.constant 80 : index
      %swap3A_284 = tpu.vector_load %arg7[%swap3A_281, %swap3A_282, %swap3A_283] {strides = array<i32>} : memref<2x128x128xf32, #tpu.memory_space<vmem>>, vector<1x1x16xf32>,
      %swap3A_285 = vector.shape_cast %swap3A_284 : vector<1x1x16xf32> to vector<16xf32>
      %swap3A_286 = vector.shape_cast %broadcast_in_dim3A_58 : vector<16xf32> to vector<1x1x16xf32>
      tpu.vector_store %arg7[%swap3A_281, %swap3A_282, %swap3A_283], %swap3A_286 {strides = array<i32>} : memref<2x128x128xf32, #tpu.memory_space<vmem>>, vector<1x1x16xf32>,
      %swap3A_287 = arith.constant 0 : i32
      %swap3A_288 = arith.index_cast %swap3A_287 : i32 to index
      %swap3A_289 = arith.index_cast %scan3A_245 : i32 to index
      %swap3A_290 = arith.constant 96 : index
      %swap3A_291 = tpu.vector_load %arg7[%swap3A_288, %swap3A_289, %swap3A_290] {strides = array<i32>} : memref<2x128x128xf32, #tpu.memory_space<vmem>>, vector<1x1x16xf32>,
      %swap3A_292 = vector.shape_cast %swap3A_291 : vector<1x1x16xf32> to vector<16xf32>
      %swap3A_293 = vector.shape_cast %broadcast_in_dim3A_58 : vector<16xf32> to vector<1x1x16xf32>
      tpu.vector_store %arg7[%swap3A_288, %swap3A_289, %swap3A_290], %swap3A_293 {strides = array<i32>} : memref<2x128x128xf32, #tpu.memory_space<vmem>>, vector<1x1x16xf32>,
      %swap3A_294 = arith.constant 0 : i32
      %swap3A_295 = arith.index_cast %swap3A_294 : i32 to index
      %swap3A_296 = arith.index_cast %scan3A_245 : i32 to index
      %swap3A_297 = arith.constant 112 : index
      %swap3A_298 = tpu.vector_load %arg7[%swap3A_295, %swap3A_296, %swap3A_297] {strides = array<i32>} : memref<2x128x128xf32, #tpu.memory_space<vmem>>, vector<1x1x16xf32>,
      %swap3A_299 = vector.shape_cast %swap3A_298 : vector<1x1x16xf32> to vector<16xf32>
      %swap3A_300 = vector.shape_cast %broadcast_in_dim3A_58 : vector<16xf32> to vector<1x1x16xf32>
      tpu.vector_store %arg7[%swap3A_295, %swap3A_296, %swap3A_297], %swap3A_300 {strides = array<i32>} : memref<2x128x128xf32, #tpu.memory_space<vmem>>, vector<1x1x16xf32>,
    }
    %scan3A_63 = arith.constant 128 : i32
    %mul3A_64 = arith.constant 640 : i32
    %mul3A_65 = arith.muli %arg1, %mul3A_64 : i32
    %add3A_66 = arith.constant 0 : i32
    %add3A_67 = arith.addi %mul3A_65, %add3A_66 : i32
    %dma_start3A_68 = arith.constant 0 : i32
    %dma_start3A_69 = arith.constant 0 : i32
    %dma_start3A_70 = arith.constant 0 : i32
    %dma_start3A_71 = tpu.memref_slice %arg7[%dma_start3A_68, %dma_start3A_69, %dma_start3A_70] : memref<2x128x128xf32, #tpu.memory_space<vmem>> -> memref<1x128x128xf32, #tpu.memory_space<vmem>>
    %dma_start3A_72 = tpu.memref_squeeze %dma_start3A_71 : memref<1x128x128xf32, #tpu.memory_space<vmem>> -> memref<128x128xf32, #tpu.memory_space<vmem>>
    %dma_start3A_73 = arith.constant 0 : i32
    %dma_start3A_74 = tpu.memref_slice %arg10[%add3A_67, %dma_start3A_73] : memref<10240x128xf32, #tpu.memory_space<vmem_shared>> -> memref<128x128xf32, #tpu.memory_space<vmem_shared>>
    %dma_start3A_75 = arith.constant 0 : i32
    %dma_start3A_76 = tpu.memref_slice %arg10[%add3A_67, %dma_start3A_75] : memref<10240x128xf32, #tpu.memory_space<vmem_shared>> -> memref<128x128xf32, #tpu.memory_space<vmem_shared>>
    %dma_start3A_77 = arith.constant 0 : i32
    %dma_start3A_78 = arith.constant 0 : i32
    %dma_start3A_79 = tpu.memref_slice %arg7[%dma_start3A_68, %dma_start3A_77, %dma_start3A_78] : memref<2x128x128xf32, #tpu.memory_space<vmem>> -> memref<1x128x128xf32, #tpu.memory_space<vmem>>
    %dma_start3A_80 = tpu.memref_squeeze %dma_start3A_79 : memref<1x128x128xf32, #tpu.memory_space<vmem>> -> memref<128x128xf32, #tpu.memory_space<vmem>>
    tpu.enqueue_dma source(%dma_start3A_80 : memref<128x128xf32, #tpu.memory_space<vmem>>) target(%dma_start3A_76 : memref<128x128xf32, #tpu.memory_space<vmem_shared>>) target_semaphore(%arg11 : memref<!tpu.dma_semaphore, #tpu.memory_space<semaphore_mem>>)
    %mul3A_81 = arith.constant 640 : i32
    %mul3A_82 = arith.muli %arg1, %mul3A_81 : i32
    %add3A_83 = arith.constant 128 : i32
    %add3A_84 = arith.addi %mul3A_82, %add3A_83 : i32
    %dma_start3A_85 = arith.constant 0 : i32
    %dma_start3A_86 = arith.constant 0 : i32
    %dma_start3A_87 = arith.constant 0 : i32
    %dma_start3A_88 = tpu.memref_slice %arg7[%dma_start3A_85, %dma_start3A_86, %dma_start3A_87] : memref<2x128x128xf32, #tpu.memory_space<vmem>> -> memref<1x128x128xf32, #tpu.memory_space<vmem>>
    %dma_start3A_89 = tpu.memref_squeeze %dma_start3A_88 : memref<1x128x128xf32, #tpu.memory_space<vmem>> -> memref<128x128xf32, #tpu.memory_space<vmem>>
    %dma_start3A_90 = arith.constant 0 : i32
    %dma_start3A_91 = tpu.memref_slice %arg10[%add3A_84, %dma_start3A_90] : memref<10240x128xf32, #tpu.memory_space<vmem_shared>> -> memref<128x128xf32, #tpu.memory_space<vmem_shared>>
    %dma_start3A_92 = arith.constant 0 : i32
    %dma_start3A_93 = tpu.memref_slice %arg10[%add3A_84, %dma_start3A_92] : memref<10240x128xf32, #tpu.memory_space<vmem_shared>> -> memref<128x128xf32, #tpu.memory_space<vmem_shared>>
    %dma_start3A_94 = arith.constant 0 : i32
    %dma_start3A_95 = arith.constant 0 : i32
    %dma_start3A_96 = tpu.memref_slice %arg7[%dma_start3A_85, %dma_start3A_94, %dma_start3A_95] : memref<2x128x128xf32, #tpu.memory_space<vmem>> -> memref<1x128x128xf32, #tpu.memory_space<vmem>>
    %dma_start3A_97 = tpu.memref_squeeze %dma_start3A_96 : memref<1x128x128xf32, #tpu.memory_space<vmem>> -> memref<128x128xf32, #tpu.memory_space<vmem>>
    tpu.enqueue_dma source(%dma_start3A_97 : memref<128x128xf32, #tpu.memory_space<vmem>>) target(%dma_start3A_93 : memref<128x128xf32, #tpu.memory_space<vmem_shared>>) target_semaphore(%arg11 : memref<!tpu.dma_semaphore, #tpu.memory_space<semaphore_mem>>)
    %mul3A_98 = arith.constant 640 : i32
    %mul3A_99 = arith.muli %arg1, %mul3A_98 : i32
    %add3A_100 = arith.constant 256 : i32
    %add3A_101 = arith.addi %mul3A_99, %add3A_100 : i32
    %dma_start3A_102 = arith.constant 0 : i32
    %dma_start3A_103 = arith.constant 0 : i32
    %dma_start3A_104 = arith.constant 0 : i32
    %dma_start3A_105 = tpu.memref_slice %arg7[%dma_start3A_102, %dma_start3A_103, %dma_start3A_104] : memref<2x128x128xf32, #tpu.memory_space<vmem>> -> memref<1x128x128xf32, #tpu.memory_space<vmem>>
    %dma_start3A_106 = tpu.memref_squeeze %dma_start3A_105 : memref<1x128x128xf32, #tpu.memory_space<vmem>> -> memref<128x128xf32, #tpu.memory_space<vmem>>
    %dma_start3A_107 = arith.constant 0 : i32
    %dma_start3A_108 = tpu.memref_slice %arg10[%add3A_101, %dma_start3A_107] : memref<10240x128xf32, #tpu.memory_space<vmem_shared>> -> memref<128x128xf32, #tpu.memory_space<vmem_shared>>
    %dma_start3A_109 = arith.constant 0 : i32
    %dma_start3A_110 = tpu.memref_slice %arg10[%add3A_101, %dma_start3A_109] : memref<10240x128xf32, #tpu.memory_space<vmem_shared>> -> memref<128x128xf32, #tpu.memory_space<vmem_shared>>
    %dma_start3A_111 = arith.constant 0 : i32
    %dma_start3A_112 = arith.constant 0 : i32
    %dma_start3A_113 = tpu.memref_slice %arg7[%dma_start3A_102, %dma_start3A_111, %dma_start3A_112] : memref<2x128x128xf32, #tpu.memory_space<vmem>> -> memref<1x128x128xf32, #tpu.memory_space<vmem>>
    %dma_start3A_114 = tpu.memref_squeeze %dma_start3A_113 : memref<1x128x128xf32, #tpu.memory_space<vmem>> -> memref<128x128xf32, #tpu.memory_space<vmem>>
    tpu.enqueue_dma source(%dma_start3A_114 : memref<128x128xf32, #tpu.memory_space<vmem>>) target(%dma_start3A_110 : memref<128x128xf32, #tpu.memory_space<vmem_shared>>) target_semaphore(%arg11 : memref<!tpu.dma_semaphore, #tpu.memory_space<semaphore_mem>>)
    %mul3A_115 = arith.constant 640 : i32
    %mul3A_116 = arith.muli %arg1, %mul3A_115 : i32
    %add3A_117 = arith.constant 384 : i32
    %add3A_118 = arith.addi %mul3A_116, %add3A_117 : i32
    %dma_start3A_119 = arith.constant 0 : i32
    %dma_start3A_120 = arith.constant 0 : i32
    %dma_start3A_121 = arith.constant 0 : i32
    %dma_start3A_122 = tpu.memref_slice %arg7[%dma_start3A_119, %dma_start3A_120, %dma_start3A_121] : memref<2x128x128xf32, #tpu.memory_space<vmem>> -> memref<1x128x128xf32, #tpu.memory_space<vmem>>
    %dma_start3A_123 = tpu.memref_squeeze %dma_start3A_122 : memref<1x128x128xf32, #tpu.memory_space<vmem>> -> memref<128x128xf32, #tpu.memory_space<vmem>>
    %dma_start3A_124 = arith.constant 0 : i32
    %dma_start3A_125 = tpu.memref_slice %arg10[%add3A_118, %dma_start3A_124] : memref<10240x128xf32, #tpu.memory_space<vmem_shared>> -> memref<128x128xf32, #tpu.memory_space<vmem_shared>>
    %dma_start3A_126 = arith.constant 0 : i32
    %dma_start3A_127 = tpu.memref_slice %arg10[%add3A_118, %dma_start3A_126] : memref<10240x128xf32, #tpu.memory_space<vmem_shared>> -> memref<128x128xf32, #tpu.memory_space<vmem_shared>>
    %dma_start3A_128 = arith.constant 0 : i32
    %dma_start3A_129 = arith.constant 0 : i32
    %dma_start3A_130 = tpu.memref_slice %arg7[%dma_start3A_119, %dma_start3A_128, %dma_start3A_129] : memref<2x128x128xf32, #tpu.memory_space<vmem>> -> memref<1x128x128xf32, #tpu.memory_space<vmem>>
    %dma_start3A_131 = tpu.memref_squeeze %dma_start3A_130 : memref<1x128x128xf32, #tpu.memory_space<vmem>> -> memref<128x128xf32, #tpu.memory_space<vmem>>
    tpu.enqueue_dma source(%dma_start3A_131 : memref<128x128xf32, #tpu.memory_space<vmem>>) target(%dma_start3A_127 : memref<128x128xf32, #tpu.memory_space<vmem_shared>>) target_semaphore(%arg11 : memref<!tpu.dma_semaphore, #tpu.memory_space<semaphore_mem>>)
    %mul3A_132 = arith.constant 640 : i32
    %mul3A_133 = arith.muli %arg1, %mul3A_132 : i32
    %add3A_134 = arith.constant 512 : i32
    %add3A_135 = arith.addi %mul3A_133, %add3A_134 : i32
    %dma_start3A_136 = arith.constant 0 : i32
    %dma_start3A_137 = arith.constant 0 : i32
    %dma_start3A_138 = arith.constant 0 : i32
    %dma_start3A_139 = tpu.memref_slice %arg7[%dma_start3A_136, %dma_start3A_137, %dma_start3A_138] : memref<2x128x128xf32, #tpu.memory_space<vmem>> -> memref<1x128x128xf32, #tpu.memory_space<vmem>>
    %dma_start3A_140 = tpu.memref_squeeze %dma_start3A_139 : memref<1x128x128xf32, #tpu.memory_space<vmem>> -> memref<128x128xf32, #tpu.memory_space<vmem>>
    %dma_start3A_141 = arith.constant 0 : i32
    %dma_start3A_142 = tpu.memref_slice %arg10[%add3A_135, %dma_start3A_141] : memref<10240x128xf32, #tpu.memory_space<vmem_shared>> -> memref<128x128xf32, #tpu.memory_space<vmem_shared>>
    %dma_start3A_143 = arith.constant 0 : i32
    %dma_start3A_144 = tpu.memref_slice %arg10[%add3A_135, %dma_start3A_143] : memref<10240x128xf32, #tpu.memory_space<vmem_shared>> -> memref<128x128xf32, #tpu.memory_space<vmem_shared>>
    %dma_start3A_145 = arith.constant 0 : i32
    %dma_start3A_146 = arith.constant 0 : i32
    %dma_start3A_147 = tpu.memref_slice %arg7[%dma_start3A_136, %dma_start3A_145, %dma_start3A_146] : memref<2x128x128xf32, #tpu.memory_space<vmem>> -> memref<1x128x128xf32, #tpu.memory_space<vmem>>
    %dma_start3A_148 = tpu.memref_squeeze %dma_start3A_147 : memref<1x128x128xf32, #tpu.memory_space<vmem>> -> memref<128x128xf32, #tpu.memory_space<vmem>>
    tpu.enqueue_dma source(%dma_start3A_148 : memref<128x128xf32, #tpu.memory_space<vmem>>) target(%dma_start3A_144 : memref<128x128xf32, #tpu.memory_space<vmem_shared>>) target_semaphore(%arg11 : memref<!tpu.dma_semaphore, #tpu.memory_space<semaphore_mem>>)
    %dma_wait3A = arith.constant 0 : i32
    %dma_wait3A_149 = arith.constant 0 : i32
    %dma_wait3A_150 = arith.constant 0 : i32
    %dma_wait3A_151 = tpu.memref_slice %arg7[%dma_wait3A, %dma_wait3A_149, %dma_wait3A_150] : memref<2x128x128xf32, #tpu.memory_space<vmem>> -> memref<1x128x128xf32, #tpu.memory_space<vmem>>
    %dma_wait3A_152 = tpu.memref_squeeze %dma_wait3A_151 : memref<1x128x128xf32, #tpu.memory_space<vmem>> -> memref<128x128xf32, #tpu.memory_space<vmem>>
    %dma_wait3A_153 = arith.constant 0 : i32
    %dma_wait3A_154 = tpu.memref_slice %arg10[%add3A_67, %dma_wait3A_153] : memref<10240x128xf32, #tpu.memory_space<vmem_shared>> -> memref<128x128xf32, #tpu.memory_space<vmem_shared>>
    %dma_wait3A_155 = arith.constant 0 : i32
    %dma_wait3A_156 = tpu.memref_slice %arg10[%add3A_67, %dma_wait3A_155] : memref<10240x128xf32, #tpu.memory_space<vmem_shared>> -> memref<128x128xf32, #tpu.memory_space<vmem_shared>>
    %dma_wait3A_157 = arith.constant 0 : i32
    %dma_wait3A_158 = arith.constant 0 : i32
    %dma_wait3A_159 = tpu.memref_slice %arg7[%dma_wait3A, %dma_wait3A_157, %dma_wait3A_158] : memref<2x128x128xf32, #tpu.memory_space<vmem>> -> memref<1x128x128xf32, #tpu.memory_space<vmem>>
    %dma_wait3A_160 = tpu.memref_squeeze %dma_wait3A_159 : memref<1x128x128xf32, #tpu.memory_space<vmem>> -> memref<128x128xf32, #tpu.memory_space<vmem>>
    tpu.wait_dma2 semaphore(%arg11 : memref<!tpu.dma_semaphore, #tpu.memory_space<semaphore_mem>>) src(%dma_wait3A_160 : memref<128x128xf32, #tpu.memory_space<vmem>>) dst(%dma_wait3A_156 : memref<128x128xf32, #tpu.memory_space<vmem_shared>>)
    %dma_wait3A_161 = arith.constant 0 : i32
    %dma_wait3A_162 = arith.constant 0 : i32
    %dma_wait3A_163 = arith.constant 0 : i32
    %dma_wait3A_164 = tpu.memref_slice %arg7[%dma_wait3A_161, %dma_wait3A_162, %dma_wait3A_163] : memref<2x128x128xf32, #tpu.memory_space<vmem>> -> memref<1x128x128xf32, #tpu.memory_space<vmem>>
    %dma_wait3A_165 = tpu.memref_squeeze %dma_wait3A_164 : memref<1x128x128xf32, #tpu.memory_space<vmem>> -> memref<128x128xf32, #tpu.memory_space<vmem>>
    %dma_wait3A_166 = arith.constant 0 : i32
    %dma_wait3A_167 = tpu.memref_slice %arg10[%add3A_84, %dma_wait3A_166] : memref<10240x128xf32, #tpu.memory_space<vmem_shared>> -> memref<128x128xf32, #tpu.memory_space<vmem_shared>>
    %dma_wait3A_168 = arith.constant 0 : i32
    %dma_wait3A_169 = tpu.memref_slice %arg10[%add3A_84, %dma_wait3A_168] : memref<10240x128xf32, #tpu.memory_space<vmem_shared>> -> memref<128x128xf32, #tpu.memory_space<vmem_shared>>
    %dma_wait3A_170 = arith.constant 0 : i32
    %dma_wait3A_171 = arith.constant 0 : i32
    %dma_wait3A_172 = tpu.memref_slice %arg7[%dma_wait3A_161, %dma_wait3A_170, %dma_wait3A_171] : memref<2x128x128xf32, #tpu.memory_space<vmem>> -> memref<1x128x128xf32, #tpu.memory_space<vmem>>
    %dma_wait3A_173 = tpu.memref_squeeze %dma_wait3A_172 : memref<1x128x128xf32, #tpu.memory_space<vmem>> -> memref<128x128xf32, #tpu.memory_space<vmem>>
    tpu.wait_dma2 semaphore(%arg11 : memref<!tpu.dma_semaphore, #tpu.memory_space<semaphore_mem>>) src(%dma_wait3A_173 : memref<128x128xf32, #tpu.memory_space<vmem>>) dst(%dma_wait3A_169 : memref<128x128xf32, #tpu.memory_space<vmem_shared>>)
    %dma_wait3A_174 = arith.constant 0 : i32
    %dma_wait3A_175 = arith.constant 0 : i32
    %dma_wait3A_176 = arith.constant 0 : i32
    %dma_wait3A_177 = tpu.memref_slice %arg7[%dma_wait3A_174, %dma_wait3A_175, %dma_wait3A_176] : memref<2x128x128xf32, #tpu.memory_space<vmem>> -> memref<1x128x128xf32, #tpu.memory_space<vmem>>
    %dma_wait3A_178 = tpu.memref_squeeze %dma_wait3A_177 : memref<1x128x128xf32, #tpu.memory_space<vmem>> -> memref<128x128xf32, #tpu.memory_space<vmem>>
    %dma_wait3A_179 = arith.constant 0 : i32
    %dma_wait3A_180 = tpu.memref_slice %arg10[%add3A_101, %dma_wait3A_179] : memref<10240x128xf32, #tpu.memory_space<vmem_shared>> -> memref<128x128xf32, #tpu.memory_space<vmem_shared>>
    %dma_wait3A_181 = arith.constant 0 : i32
    %dma_wait3A_182 = tpu.memref_slice %arg10[%add3A_101, %dma_wait3A_181] : memref<10240x128xf32, #tpu.memory_space<vmem_shared>> -> memref<128x128xf32, #tpu.memory_space<vmem_shared>>
    %dma_wait3A_183 = arith.constant 0 : i32
    %dma_wait3A_184 = arith.constant 0 : i32
    %dma_wait3A_185 = tpu.memref_slice %arg7[%dma_wait3A_174, %dma_wait3A_183, %dma_wait3A_184] : memref<2x128x128xf32, #tpu.memory_space<vmem>> -> memref<1x128x128xf32, #tpu.memory_space<vmem>>
    %dma_wait3A_186 = tpu.memref_squeeze %dma_wait3A_185 : memref<1x128x128xf32, #tpu.memory_space<vmem>> -> memref<128x128xf32, #tpu.memory_space<vmem>>
    tpu.wait_dma2 semaphore(%arg11 : memref<!tpu.dma_semaphore, #tpu.memory_space<semaphore_mem>>) src(%dma_wait3A_186 : memref<128x128xf32, #tpu.memory_space<vmem>>) dst(%dma_wait3A_182 : memref<128x128xf32, #tpu.memory_space<vmem_shared>>)
    %dma_wait3A_187 = arith.constant 0 : i32
    %dma_wait3A_188 = arith.constant 0 : i32
    %dma_wait3A_189 = arith.constant 0 : i32
    %dma_wait3A_190 = tpu.memref_slice %arg7[%dma_wait3A_187, %dma_wait3A_188, %dma_wait3A_189] : memref<2x128x128xf32, #tpu.memory_space<vmem>> -> memref<1x128x128xf32, #tpu.memory_space<vmem>>
    %dma_wait3A_191 = tpu.memref_squeeze %dma_wait3A_190 : memref<1x128x128xf32, #tpu.memory_space<vmem>> -> memref<128x128xf32, #tpu.memory_space<vmem>>
    %dma_wait3A_192 = arith.constant 0 : i32
    %dma_wait3A_193 = tpu.memref_slice %arg10[%add3A_118, %dma_wait3A_192] : memref<10240x128xf32, #tpu.memory_space<vmem_shared>> -> memref<128x128xf32, #tpu.memory_space<vmem_shared>>
    %dma_wait3A_194 = arith.constant 0 : i32
    %dma_wait3A_195 = tpu.memref_slice %arg10[%add3A_118, %dma_wait3A_194] : memref<10240x128xf32, #tpu.memory_space<vmem_shared>> -> memref<128x128xf32, #tpu.memory_space<vmem_shared>>
    %dma_wait3A_196 = arith.constant 0 : i32
    %dma_wait3A_197 = arith.constant 0 : i32
    %dma_wait3A_198 = tpu.memref_slice %arg7[%dma_wait3A_187, %dma_wait3A_196, %dma_wait3A_197] : memref<2x128x128xf32, #tpu.memory_space<vmem>> -> memref<1x128x128xf32, #tpu.memory_space<vmem>>
    %dma_wait3A_199 = tpu.memref_squeeze %dma_wait3A_198 : memref<1x128x128xf32, #tpu.memory_space<vmem>> -> memref<128x128xf32, #tpu.memory_space<vmem>>
    tpu.wait_dma2 semaphore(%arg11 : memref<!tpu.dma_semaphore, #tpu.memory_space<semaphore_mem>>) src(%dma_wait3A_199 : memref<128x128xf32, #tpu.memory_space<vmem>>) dst(%dma_wait3A_195 : memref<128x128xf32, #tpu.memory_space<vmem_shared>>)
    %dma_wait3A_200 = arith.constant 0 : i32
    %dma_wait3A_201 = arith.constant 0 : i32
    %dma_wait3A_202 = arith.constant 0 : i32
    %dma_wait3A_203 = tpu.memref_slice %arg7[%dma_wait3A_200, %dma_wait3A_201, %dma_wait3A_202] : memref<2x128x128xf32, #tpu.memory_space<vmem>> -> memref<1x128x128xf32, #tpu.memory_space<vmem>>
    %dma_wait3A_204 = tpu.memref_squeeze %dma_wait3A_203 : memref<1x128x128xf32, #tpu.memory_space<vmem>> -> memref<128x128xf32, #tpu.memory_space<vmem>>
    %dma_wait3A_205 = arith.constant 0 : i32
    %dma_wait3A_206 = tpu.memref_slice %arg10[%add3A_135, %dma_wait3A_205] : memref<10240x128xf32, #tpu.memory_space<vmem_shared>> -> memref<128x128xf32, #tpu.memory_space<vmem_shared>>
    %dma_wait3A_207 = arith.constant 0 : i32
    %dma_wait3A_208 = tpu.memref_slice %arg10[%add3A_135, %dma_wait3A_207] : memref<10240x128xf32, #tpu.memory_space<vmem_shared>> -> memref<128x128xf32, #tpu.memory_space<vmem_shared>>
    %dma_wait3A_209 = arith.constant 0 : i32
    %dma_wait3A_210 = arith.constant 0 : i32
    %dma_wait3A_211 = tpu.memref_slice %arg7[%dma_wait3A_200, %dma_wait3A_209, %dma_wait3A_210] : memref<2x128x128xf32, #tpu.memory_space<vmem>> -> memref<1x128x128xf32, #tpu.memory_space<vmem>>
    %dma_wait3A_212 = tpu.memref_squeeze %dma_wait3A_211 : memref<1x128x128xf32, #tpu.memory_space<vmem>> -> memref<128x128xf32, #tpu.memory_space<vmem>>
    tpu.wait_dma2 semaphore(%arg11 : memref<!tpu.dma_semaphore, #tpu.memory_space<semaphore_mem>>) src(%dma_wait3A_212 : memref<128x128xf32, #tpu.memory_space<vmem>>) dst(%dma_wait3A_208 : memref<128x128xf32, #tpu.memory_space<vmem_shared>>)
    %barrier3A = arith.constant 0 : index
    tpu.barrier barrier_id(%barrier3A)
    %scan3A_213 = arith.constant 0 : i32
    %scan3A_214 = arith.constant 0 : i32
    %scan3A_215 = arith.constant 5 : i32
    %scan3A_216 = arith.addi %scan3A_214, %scan3A_215 : i32
    %scan3A_217 = arith.constant 1 : i32
    scf.for %scan3A_245 = %scan3A_214 to %scan3A_216 step %scan3A_217  : i32 {
      %dma_wait3A_246 = arith.constant 0 : i32
      %dma_wait3A_247 = arith.constant 0 : i32
      %dma_wait3A_248 = arith.constant 0 : i32
      %dma_wait3A_249 = tpu.memref_slice %arg8[%dma_wait3A_246, %dma_wait3A_247, %dma_wait3A_248] : memref<2x8x128xi32, #tpu.memory_space<vmem>> -> memref<1x8x128xi32, #tpu.memory_space<vmem>>
      %dma_wait3A_250 = tpu.memref_squeeze %dma_wait3A_249 : memref<1x8x128xi32, #tpu.memory_space<vmem>> -> memref<8x128xi32, #tpu.memory_space<vmem>>
      %dma_wait3A_251 = arith.constant 0 : i32
      %dma_wait3A_252 = tpu.memref_slice %arg3[%mul3A_2, %dma_wait3A_251] : memref<2560x128xi32, #tpu.memory_space<hbm>> -> memref<8x128xi32, #tpu.memory_space<hbm>>
      %dma_wait3A_253 = arith.constant 0 : i32
      %dma_wait3A_254 = arith.constant 0 : i32
      %dma_wait3A_255 = tpu.memref_slice %arg8[%dma_wait3A_246, %dma_wait3A_253, %dma_wait3A_254] : memref<2x8x128xi32, #tpu.memory_space<vmem>> -> memref<1x8x128xi32, #tpu.memory_space<vmem>>
      %dma_wait3A_256 = tpu.memref_squeeze %dma_wait3A_255 : memref<1x8x128xi32, #tpu.memory_space<vmem>> -> memref<8x128xi32, #tpu.memory_space<vmem>>
      %dma_wait3A_257 = arith.constant 0 : i32
      %dma_wait3A_258 = tpu.memref_slice %arg3[%mul3A_2, %dma_wait3A_257] : memref<2560x128xi32, #tpu.memory_space<hbm>> -> memref<8x128xi32, #tpu.memory_space<hbm>>
      tpu.wait_dma2 semaphore(%arg13 : memref<!tpu.dma_semaphore, #tpu.memory_space<semaphore_mem>>) src(%dma_wait3A_258 : memref<8x128xi32, #tpu.memory_space<hbm>>) dst(%dma_wait3A_256 : memref<8x128xi32, #tpu.memory_space<vmem>>)
      %dma_wait3A_259 = arith.constant 0 : i32
      %dma_wait3A_260 = arith.constant 0 : i32
      %dma_wait3A_261 = arith.constant 0 : i32
      %dma_wait3A_262 = tpu.memref_slice %arg8[%dma_wait3A_259, %dma_wait3A_260, %dma_wait3A_261] : memref<2x8x128xi32, #tpu.memory_space<vmem>> -> memref<1x8x128xi32, #tpu.memory_space<vmem>>
      %dma_wait3A_263 = tpu.memref_squeeze %dma_wait3A_262 : memref<1x8x128xi32, #tpu.memory_space<vmem>> -> memref<8x128xi32, #tpu.memory_space<vmem>>
      %dma_wait3A_264 = arith.constant 0 : i32
      %dma_wait3A_265 = tpu.memref_slice %arg3[%mul3A_2, %dma_wait3A_264] : memref<2560x128xi32, #tpu.memory_space<hbm>> -> memref<8x128xi32, #tpu.memory_space<hbm>>
      %dma_wait3A_266 = arith.constant 0 : i32
      %dma_wait3A_267 = arith.constant 0 : i32
      %dma_wait3A_268 = tpu.memref_slice %arg8[%dma_wait3A_259, %dma_wait3A_266, %dma_wait3A_267] : memref<2x8x128xi32, #tpu.memory_space<vmem>> -> memref<1x8x128xi32, #tpu.memory_space<vmem>>
      %dma_wait3A_269 = tpu.memref_squeeze %dma_wait3A_268 : memref<1x8x128xi32, #tpu.memory_space<vmem>> -> memref<8x128xi32, #tpu.memory_space<vmem>>
      %dma_wait3A_270 = arith.constant 0 : i32
      %dma_wait3A_271 = tpu.memref_slice %arg3[%mul3A_2, %dma_wait3A_270] : memref<2560x128xi32, #tpu.memory_space<hbm>> -> memref<8x128xi32, #tpu.memory_space<hbm>>
      tpu.wait_dma2 semaphore(%arg13 : memref<!tpu.dma_semaphore, #tpu.memory_space<semaphore_mem>>) src(%dma_wait3A_271 : memref<8x128xi32, #tpu.memory_space<hbm>>) dst(%dma_wait3A_269 : memref<8x128xi32, #tpu.memory_space<vmem>>)
      %dma_wait3A_272 = arith.constant 0 : i32
      %dma_wait3A_273 = arith.constant 0 : i32
      %dma_wait3A_274 = arith.constant 0 : i32
      %dma_wait3A_275 = tpu.memref_slice %arg8[%dma_wait3A_272, %dma_wait3A_273, %dma_wait3A_274] : memref<2x8x128xi32, #tpu.memory_space<vmem>> -> memref<1x8x128xi32, #tpu.memory_space<vmem>>
      %dma_wait3A_276 = tpu.memref_squeeze %dma_wait3A_275 : memref<1x8x128xi32, #tpu.memory_space<vmem>> -> memref<8x128xi32, #tpu.memory_space<vmem>>
      %dma_wait3A_277 = arith.constant 0 : i32
      %dma_wait3A_278 = tpu.memref_slice %arg3[%mul3A_2, %dma_wait3A_277] : memref<2560x128xi32, #tpu.memory_space<hbm>> -> memref<8x128xi32, #tpu.memory_space<hbm>>
      %dma_wait3A_279 = arith.constant 0 : i32
      %dma_wait3A_280 = arith.constant 0 : i32
      %dma_wait3A_281 = tpu.memref_slice %arg8[%dma_wait3A_272, %dma_wait3A_279, %dma_wait3A_280] : memref<2x8x128xi32, #tpu.memory_space<vmem>> -> memref<1x8x128xi32, #tpu.memory_space<vmem>>
      %dma_wait3A_282 = tpu.memref_squeeze %dma_wait3A_281 : memref<1x8x128xi32, #tpu.memory_space<vmem>> -> memref<8x128xi32, #tpu.memory_space<vmem>>
      %dma_wait3A_283 = arith.constant 0 : i32
      %dma_wait3A_284 = tpu.memref_slice %arg3[%mul3A_2, %dma_wait3A_283] : memref<2560x128xi32, #tpu.memory_space<hbm>> -> memref<8x128xi32, #tpu.memory_space<hbm>>
      tpu.wait_dma2 semaphore(%arg13 : memref<!tpu.dma_semaphore, #tpu.memory_space<semaphore_mem>>) src(%dma_wait3A_284 : memref<8x128xi32, #tpu.memory_space<hbm>>) dst(%dma_wait3A_282 : memref<8x128xi32, #tpu.memory_space<vmem>>)
      %dma_wait3A_285 = arith.constant 0 : i32
      %dma_wait3A_286 = arith.constant 0 : i32
      %dma_wait3A_287 = arith.constant 0 : i32
      %dma_wait3A_288 = tpu.memref_slice %arg8[%dma_wait3A_285, %dma_wait3A_286, %dma_wait3A_287] : memref<2x8x128xi32, #tpu.memory_space<vmem>> -> memref<1x8x128xi32, #tpu.memory_space<vmem>>
      %dma_wait3A_289 = tpu.memref_squeeze %dma_wait3A_288 : memref<1x8x128xi32, #tpu.memory_space<vmem>> -> memref<8x128xi32, #tpu.memory_space<vmem>>
      %dma_wait3A_290 = arith.constant 0 : i32
      %dma_wait3A_291 = tpu.memref_slice %arg3[%mul3A_2, %dma_wait3A_290] : memref<2560x128xi32, #tpu.memory_space<hbm>> -> memref<8x128xi32, #tpu.memory_space<hbm>>
      %dma_wait3A_292 = arith.constant 0 : i32
      %dma_wait3A_293 = arith.constant 0 : i32
      %dma_wait3A_294 = tpu.memref_slice %arg8[%dma_wait3A_285, %dma_wait3A_292, %dma_wait3A_293] : memref<2x8x128xi32, #tpu.memory_space<vmem>> -> memref<1x8x128xi32, #tpu.memory_space<vmem>>
      %dma_wait3A_295 = tpu.memref_squeeze %dma_wait3A_294 : memref<1x8x128xi32, #tpu.memory_space<vmem>> -> memref<8x128xi32, #tpu.memory_space<vmem>>
      %dma_wait3A_296 = arith.constant 0 : i32
      %dma_wait3A_297 = tpu.memref_slice %arg3[%mul3A_2, %dma_wait3A_296] : memref<2560x128xi32, #tpu.memory_space<hbm>> -> memref<8x128xi32, #tpu.memory_space<hbm>>
      tpu.wait_dma2 semaphore(%arg13 : memref<!tpu.dma_semaphore, #tpu.memory_space<semaphore_mem>>) src(%dma_wait3A_297 : memref<8x128xi32, #tpu.memory_space<hbm>>) dst(%dma_wait3A_295 : memref<8x128xi32, #tpu.memory_space<vmem>>)
      %dma_start3A_298 = arith.constant 0 : i32
      %dma_start3A_299 = arith.constant 0 : i32
      %dma_start3A_300 = arith.constant 0 : i32
      %dma_start3A_301 = arith.constant 0 : i32
      %dma_start3A_302 = arith.constant 0 : i32
      %dma_start3A_303 = tpu.memref_slice %arg7[%dma_start3A_300, %dma_start3A_301, %dma_start3A_302] : memref<2x128x128xf32, #tpu.memory_space<vmem>> -> memref<1x64x128xf32, #tpu.memory_space<vmem>>
      %dma_start3A_304 = tpu.memref_squeeze %dma_start3A_303 : memref<1x64x128xf32, #tpu.memory_space<vmem>> -> memref<64x128xf32, #tpu.memory_space<vmem>>
      %dma_start3A_305 = arith.constant 0 : i32
      %dma_start3A_306 = tpu.memref_slice %arg8[%dma_start3A_298, %dma_start3A_299, %dma_start3A_305] : memref<2x8x128xi32, #tpu.memory_space<vmem>> -> memref<1x1x64xi32, #tpu.memory_space<vmem>>
      %dma_start3A_307 = tpu.memref_squeeze %dma_start3A_306 : memref<1x1x64xi32, #tpu.memory_space<vmem>> -> memref<64xi32, #tpu.memory_space<vmem>>
      %dma_start3A_308 = arith.constant 0 : i32
      %dma_start3A_309 = arith.constant 0 : i32
      %dma_start3A_310 = tpu.memref_slice %arg2[%dma_start3A_308, %dma_start3A_309] : memref<10000x128xf32, #tpu.memory_space<hbm>> -> memref<10000x128xf32, #tpu.memory_space<hbm>>
      tpu.enqueue_indirect_dma source(%dma_start3A_310 : memref<10000x128xf32, #tpu.memory_space<hbm>>) target(%dma_start3A_304 : memref<64x128xf32, #tpu.memory_space<vmem>>) offsets(%dma_start3A_307 : memref<64xi32, #tpu.memory_space<vmem>>) semaphore(%arg11 : memref<!tpu.dma_semaphore, #tpu.memory_space<semaphore_mem>>)
      %dma_start3A_311 = arith.constant 0 : i32
      %dma_start3A_312 = arith.constant 0 : i32
      %dma_start3A_313 = arith.constant 0 : i32
      %dma_start3A_314 = arith.constant 64 : i32
      %dma_start3A_315 = arith.constant 0 : i32
      %dma_start3A_316 = tpu.memref_slice %arg7[%dma_start3A_313, %dma_start3A_314, %dma_start3A_315] : memref<2x128x128xf32, #tpu.memory_space<vmem>> -> memref<1x64x128xf32, #tpu.memory_space<vmem>>
      %dma_start3A_317 = tpu.memref_squeeze %dma_start3A_316 : memref<1x64x128xf32, #tpu.memory_space<vmem>> -> memref<64x128xf32, #tpu.memory_space<vmem>>
      %dma_start3A_318 = arith.constant 64 : i32
      %dma_start3A_319 = tpu.memref_slice %arg8[%dma_start3A_311, %dma_start3A_312, %dma_start3A_318] : memref<2x8x128xi32, #tpu.memory_space<vmem>> -> memref<1x1x64xi32, #tpu.memory_space<vmem>>
      %dma_start3A_320 = tpu.memref_squeeze %dma_start3A_319 : memref<1x1x64xi32, #tpu.memory_space<vmem>> -> memref<64xi32, #tpu.memory_space<vmem>>
      %dma_start3A_321 = arith.constant 0 : i32
      %dma_start3A_322 = arith.constant 0 : i32
      %dma_start3A_323 = tpu.memref_slice %arg2[%dma_start3A_321, %dma_start3A_322] : memref<10000x128xf32, #tpu.memory_space<hbm>> -> memref<10000x128xf32, #tpu.memory_space<hbm>>
      tpu.enqueue_indirect_dma source(%dma_start3A_323 : memref<10000x128xf32, #tpu.memory_space<hbm>>) target(%dma_start3A_317 : memref<64x128xf32, #tpu.memory_space<vmem>>) offsets(%dma_start3A_320 : memref<64xi32, #tpu.memory_space<vmem>>) semaphore(%arg11 : memref<!tpu.dma_semaphore, #tpu.memory_space<semaphore_mem>>)
      %dma_start3A_324 = arith.constant 0 : i32
      %dma_start3A_325 = arith.constant 1 : i32
      %dma_start3A_326 = arith.constant 1 : i32
      %dma_start3A_327 = arith.constant 0 : i32
      %dma_start3A_328 = arith.constant 0 : i32
      %dma_start3A_329 = tpu.memref_slice %arg7[%dma_start3A_326, %dma_start3A_327, %dma_start3A_328] : memref<2x128x128xf32, #tpu.memory_space<vmem>> -> memref<1x64x128xf32, #tpu.memory_space<vmem>>
      %dma_start3A_330 = tpu.memref_squeeze %dma_start3A_329 : memref<1x64x128xf32, #tpu.memory_space<vmem>> -> memref<64x128xf32, #tpu.memory_space<vmem>>
      %dma_start3A_331 = arith.constant 0 : i32
      %dma_start3A_332 = tpu.memref_slice %arg8[%dma_start3A_324, %dma_start3A_325, %dma_start3A_331] : memref<2x8x128xi32, #tpu.memory_space<vmem>> -> memref<1x1x64xi32, #tpu.memory_space<vmem>>
      %dma_start3A_333 = tpu.memref_squeeze %dma_start3A_332 : memref<1x1x64xi32, #tpu.memory_space<vmem>> -> memref<64xi32, #tpu.memory_space<vmem>>
      %dma_start3A_334 = arith.constant 0 : i32
      %dma_start3A_335 = arith.constant 0 : i32
      %dma_start3A_336 = tpu.memref_slice %arg2[%dma_start3A_334, %dma_start3A_335] : memref<10000x128xf32, #tpu.memory_space<hbm>> -> memref<10000x128xf32, #tpu.memory_space<hbm>>
      tpu.enqueue_indirect_dma source(%dma_start3A_336 : memref<10000x128xf32, #tpu.memory_space<hbm>>) target(%dma_start3A_330 : memref<64x128xf32, #tpu.memory_space<vmem>>) offsets(%dma_start3A_333 : memref<64xi32, #tpu.memory_space<vmem>>) semaphore(%arg11 : memref<!tpu.dma_semaphore, #tpu.memory_space<semaphore_mem>>)
      %dma_start3A_337 = arith.constant 0 : i32
      %dma_start3A_338 = arith.constant 1 : i32
      %dma_start3A_339 = arith.constant 1 : i32
      %dma_start3A_340 = arith.constant 64 : i32
      %dma_start3A_341 = arith.constant 0 : i32
      %dma_start3A_342 = tpu.memref_slice %arg7[%dma_start3A_339, %dma_start3A_340, %dma_start3A_341] : memref<2x128x128xf32, #tpu.memory_space<vmem>> -> memref<1x64x128xf32, #tpu.memory_space<vmem>>
      %dma_start3A_343 = tpu.memref_squeeze %dma_start3A_342 : memref<1x64x128xf32, #tpu.memory_space<vmem>> -> memref<64x128xf32, #tpu.memory_space<vmem>>
      %dma_start3A_344 = arith.constant 64 : i32
      %dma_start3A_345 = tpu.memref_slice %arg8[%dma_start3A_337, %dma_start3A_338, %dma_start3A_344] : memref<2x8x128xi32, #tpu.memory_space<vmem>> -> memref<1x1x64xi32, #tpu.memory_space<vmem>>
      %dma_start3A_346 = tpu.memref_squeeze %dma_start3A_345 : memref<1x1x64xi32, #tpu.memory_space<vmem>> -> memref<64xi32, #tpu.memory_space<vmem>>
      %dma_start3A_347 = arith.constant 0 : i32
      %dma_start3A_348 = arith.constant 0 : i32
      %dma_start3A_349 = tpu.memref_slice %arg2[%dma_start3A_347, %dma_start3A_348] : memref<10000x128xf32, #tpu.memory_space<hbm>> -> memref<10000x128xf32, #tpu.memory_space<hbm>>
      tpu.enqueue_indirect_dma source(%dma_start3A_349 : memref<10000x128xf32, #tpu.memory_space<hbm>>) target(%dma_start3A_343 : memref<64x128xf32, #tpu.memory_space<vmem>>) offsets(%dma_start3A_346 : memref<64xi32, #tpu.memory_space<vmem>>) semaphore(%arg11 : memref<!tpu.dma_semaphore, #tpu.memory_space<semaphore_mem>>)
      %dma_wait3A_350 = arith.constant 0 : i32
      %dma_wait3A_351 = arith.constant 0 : i32
      %dma_wait3A_352 = arith.constant 0 : i32
      %dma_wait3A_353 = arith.constant 0 : i32
      %dma_wait3A_354 = arith.constant 0 : i32
      %dma_wait3A_355 = tpu.memref_slice %arg7[%dma_wait3A_352, %dma_wait3A_353, %dma_wait3A_354] : memref<2x128x128xf32, #tpu.memory_space<vmem>> -> memref<1x64x128xf32, #tpu.memory_space<vmem>>
      %dma_wait3A_356 = tpu.memref_squeeze %dma_wait3A_355 : memref<1x64x128xf32, #tpu.memory_space<vmem>> -> memref<64x128xf32, #tpu.memory_space<vmem>>
      %dma_wait3A_357 = arith.constant 0 : i32
      %dma_wait3A_358 = tpu.memref_slice %arg8[%dma_wait3A_350, %dma_wait3A_351, %dma_wait3A_357] : memref<2x8x128xi32, #tpu.memory_space<vmem>> -> memref<1x1x64xi32, #tpu.memory_space<vmem>>
      %dma_wait3A_359 = tpu.memref_squeeze %dma_wait3A_358 : memref<1x1x64xi32, #tpu.memory_space<vmem>> -> memref<64xi32, #tpu.memory_space<vmem>>
      %dma_wait3A_360 = arith.constant 0 : i32
      %dma_wait3A_361 = arith.constant 0 : i32
      %dma_wait3A_362 = tpu.memref_slice %arg2[%dma_wait3A_360, %dma_wait3A_361] : memref<10000x128xf32, #tpu.memory_space<hbm>> -> memref<10000x128xf32, #tpu.memory_space<hbm>>
      tpu.wait_indirect_dma semaphore(%arg11 : memref<!tpu.dma_semaphore, #tpu.memory_space<semaphore_mem>>) src(%dma_wait3A_362 : memref<10000x128xf32, #tpu.memory_space<hbm>>) dst(%dma_wait3A_356 : memref<64x128xf32, #tpu.memory_space<vmem>>)
      %dma_wait3A_363 = arith.constant 0 : i32
      %dma_wait3A_364 = arith.constant 0 : i32
      %dma_wait3A_365 = arith.constant 0 : i32
      %dma_wait3A_366 = arith.constant 64 : i32
      %dma_wait3A_367 = arith.constant 0 : i32
      %dma_wait3A_368 = tpu.memref_slice %arg7[%dma_wait3A_365, %dma_wait3A_366, %dma_wait3A_367] : memref<2x128x128xf32, #tpu.memory_space<vmem>> -> memref<1x64x128xf32, #tpu.memory_space<vmem>>
      %dma_wait3A_369 = tpu.memref_squeeze %dma_wait3A_368 : memref<1x64x128xf32, #tpu.memory_space<vmem>> -> memref<64x128xf32, #tpu.memory_space<vmem>>
      %dma_wait3A_370 = arith.constant 64 : i32
      %dma_wait3A_371 = tpu.memref_slice %arg8[%dma_wait3A_363, %dma_wait3A_364, %dma_wait3A_370] : memref<2x8x128xi32, #tpu.memory_space<vmem>> -> memref<1x1x64xi32, #tpu.memory_space<vmem>>
      %dma_wait3A_372 = tpu.memref_squeeze %dma_wait3A_371 : memref<1x1x64xi32, #tpu.memory_space<vmem>> -> memref<64xi32, #tpu.memory_space<vmem>>
      %dma_wait3A_373 = arith.constant 0 : i32
      %dma_wait3A_374 = arith.constant 0 : i32
      %dma_wait3A_375 = tpu.memref_slice %arg2[%dma_wait3A_373, %dma_wait3A_374] : memref<10000x128xf32, #tpu.memory_space<hbm>> -> memref<10000x128xf32, #tpu.memory_space<hbm>>
      tpu.wait_indirect_dma semaphore(%arg11 : memref<!tpu.dma_semaphore, #tpu.memory_space<semaphore_mem>>) src(%dma_wait3A_375 : memref<10000x128xf32, #tpu.memory_space<hbm>>) dst(%dma_wait3A_369 : memref<64x128xf32, #tpu.memory_space<vmem>>)
      %dma_start3A_376 = arith.constant 0 : i32
      %dma_start3A_377 = arith.constant 0 : i32
      %dma_start3A_378 = arith.constant 0 : i32
      %dma_start3A_379 = arith.constant 0 : i32
      %dma_start3A_380 = arith.constant 0 : i32
      %dma_start3A_381 = tpu.memref_slice %arg7[%dma_start3A_376, %dma_start3A_379, %dma_start3A_380] : memref<2x128x128xf32, #tpu.memory_space<vmem>> -> memref<1x128x128xf32, #tpu.memory_space<vmem>>
      %dma_start3A_382 = tpu.memref_squeeze %dma_start3A_381 : memref<1x128x128xf32, #tpu.memory_space<vmem>> -> memref<128x128xf32, #tpu.memory_space<vmem>>
      %dma_start3A_383 = arith.constant 0 : i32
      %dma_start3A_384 = tpu.memref_slice %arg9[%dma_start3A_377, %dma_start3A_378, %dma_start3A_383] : memref<2x8x128xi32, #tpu.memory_space<vmem>> -> memref<1x1x128xi32, #tpu.memory_space<vmem>>
      %dma_start3A_385 = tpu.memref_squeeze %dma_start3A_384 : memref<1x1x128xi32, #tpu.memory_space<vmem>> -> memref<128xi32, #tpu.memory_space<vmem>>
      %dma_start3A_386 = arith.constant 0 : i32
      %dma_start3A_387 = arith.constant 0 : i32
      %dma_start3A_388 = tpu.memref_slice %arg10[%dma_start3A_386, %dma_start3A_387] : memref<10240x128xf32, #tpu.memory_space<vmem_shared>> -> memref<10240x128xf32, #tpu.memory_space<vmem_shared>>
      tpu.enqueue_indirect_dma source(%dma_start3A_382 : memref<128x128xf32, #tpu.memory_space<vmem>>) target(%dma_start3A_388 : memref<10240x128xf32, #tpu.memory_space<vmem_shared>>) offsets(%dma_start3A_385 : memref<128xi32, #tpu.memory_space<vmem>>) semaphore(%arg12 : memref<!tpu.dma_semaphore, #tpu.memory_space<semaphore_mem>>) {add = true}
      %dma_wait3A_389 = arith.constant 0 : i32
      %dma_wait3A_390 = arith.constant 0 : i32
      %dma_wait3A_391 = arith.constant 0 : i32
      %dma_wait3A_392 = arith.constant 0 : i32
      %dma_wait3A_393 = arith.constant 0 : i32
      %dma_wait3A_394 = tpu.memref_slice %arg7[%dma_wait3A_389, %dma_wait3A_392, %dma_wait3A_393] : memref<2x128x128xf32, #tpu.memory_space<vmem>> -> memref<1x128x128xf32, #tpu.memory_space<vmem>>
      %dma_wait3A_395 = tpu.memref_squeeze %dma_wait3A_394 : memref<1x128x128xf32, #tpu.memory_space<vmem>> -> memref<128x128xf32, #tpu.memory_space<vmem>>
      %dma_wait3A_396 = arith.constant 0 : i32
      %dma_wait3A_397 = tpu.memref_slice %arg9[%dma_wait3A_390, %dma_wait3A_391, %dma_wait3A_396] : memref<2x8x128xi32, #tpu.memory_space<vmem>> -> memref<1x1x128xi32, #tpu.memory_space<vmem>>
      %dma_wait3A_398 = tpu.memref_squeeze %dma_wait3A_397 : memref<1x1x128xi32, #tpu.memory_space<vmem>> -> memref<128xi32, #tpu.memory_space<vmem>>
      %dma_wait3A_399 = arith.constant 0 : i32
      %dma_wait3A_400 = arith.constant 0 : i32
      %dma_wait3A_401 = tpu.memref_slice %arg10[%dma_wait3A_399, %dma_wait3A_400] : memref<10240x128xf32, #tpu.memory_space<vmem_shared>> -> memref<10240x128xf32, #tpu.memory_space<vmem_shared>>
      tpu.wait_indirect_dma semaphore(%arg12 : memref<!tpu.dma_semaphore, #tpu.memory_space<semaphore_mem>>) src(%dma_wait3A_395 : memref<128x128xf32, #tpu.memory_space<vmem>>) dst(%dma_wait3A_401 : memref<10240x128xf32, #tpu.memory_space<vmem_shared>>)
      %dma_start3A_402 = arith.constant 0 : i32
      %dma_start3A_403 = arith.constant 2 : i32
      %dma_start3A_404 = arith.constant 0 : i32
      %dma_start3A_405 = arith.constant 0 : i32
      %dma_start3A_406 = arith.constant 0 : i32
      %dma_start3A_407 = tpu.memref_slice %arg7[%dma_start3A_404, %dma_start3A_405, %dma_start3A_406] : memref<2x128x128xf32, #tpu.memory_space<vmem>> -> memref<1x64x128xf32, #tpu.memory_space<vmem>>
      %dma_start3A_408 = tpu.memref_squeeze %dma_start3A_407 : memref<1x64x128xf32, #tpu.memory_space<vmem>> -> memref<64x128xf32, #tpu.memory_space<vmem>>
      %dma_start3A_409 = arith.constant 0 : i32
      %dma_start3A_410 = tpu.memref_slice %arg8[%dma_start3A_402, %dma_start3A_403, %dma_start3A_409] : memref<2x8x128xi32, #tpu.memory_space<vmem>> -> memref<1x1x64xi32, #tpu.memory_space<vmem>>
      %dma_start3A_411 = tpu.memref_squeeze %dma_start3A_410 : memref<1x1x64xi32, #tpu.memory_space<vmem>> -> memref<64xi32, #tpu.memory_space<vmem>>
      %dma_start3A_412 = arith.constant 0 : i32
      %dma_start3A_413 = arith.constant 0 : i32
      %dma_start3A_414 = tpu.memref_slice %arg2[%dma_start3A_412, %dma_start3A_413] : memref<10000x128xf32, #tpu.memory_space<hbm>> -> memref<10000x128xf32, #tpu.memory_space<hbm>>
      tpu.enqueue_indirect_dma source(%dma_start3A_414 : memref<10000x128xf32, #tpu.memory_space<hbm>>) target(%dma_start3A_408 : memref<64x128xf32, #tpu.memory_space<vmem>>) offsets(%dma_start3A_411 : memref<64xi32, #tpu.memory_space<vmem>>) semaphore(%arg11 : memref<!tpu.dma_semaphore, #tpu.memory_space<semaphore_mem>>)
      %dma_start3A_415 = arith.constant 0 : i32
      %dma_start3A_416 = arith.constant 2 : i32
      %dma_start3A_417 = arith.constant 0 : i32
      %dma_start3A_418 = arith.constant 64 : i32
      %dma_start3A_419 = arith.constant 0 : i32
      %dma_start3A_420 = tpu.memref_slice %arg7[%dma_start3A_417, %dma_start3A_418, %dma_start3A_419] : memref<2x128x128xf32, #tpu.memory_space<vmem>> -> memref<1x64x128xf32, #tpu.memory_space<vmem>>
      %dma_start3A_421 = tpu.memref_squeeze %dma_start3A_420 : memref<1x64x128xf32, #tpu.memory_space<vmem>> -> memref<64x128xf32, #tpu.memory_space<vmem>>
      %dma_start3A_422 = arith.constant 64 : i32
      %dma_start3A_423 = tpu.memref_slice %arg8[%dma_start3A_415, %dma_start3A_416, %dma_start3A_422] : memref<2x8x128xi32, #tpu.memory_space<vmem>> -> memref<1x1x64xi32, #tpu.memory_space<vmem>>
      %dma_start3A_424 = tpu.memref_squeeze %dma_start3A_423 : memref<1x1x64xi32, #tpu.memory_space<vmem>> -> memref<64xi32, #tpu.memory_space<vmem>>
      %dma_start3A_425 = arith.constant 0 : i32
      %dma_start3A_426 = arith.constant 0 : i32
      %dma_start3A_427 = tpu.memref_slice %arg2[%dma_start3A_425, %dma_start3A_426] : memref<10000x128xf32, #tpu.memory_space<hbm>> -> memref<10000x128xf32, #tpu.memory_space<hbm>>
      tpu.enqueue_indirect_dma source(%dma_start3A_427 : memref<10000x128xf32, #tpu.memory_space<hbm>>) target(%dma_start3A_421 : memref<64x128xf32, #tpu.memory_space<vmem>>) offsets(%dma_start3A_424 : memref<64xi32, #tpu.memory_space<vmem>>) semaphore(%arg11 : memref<!tpu.dma_semaphore, #tpu.memory_space<semaphore_mem>>)
      %dma_wait3A_428 = arith.constant 0 : i32
      %dma_wait3A_429 = arith.constant 1 : i32
      %dma_wait3A_430 = arith.constant 1 : i32
      %dma_wait3A_431 = arith.constant 0 : i32
      %dma_wait3A_432 = arith.constant 0 : i32
      %dma_wait3A_433 = tpu.memref_slice %arg7[%dma_wait3A_430, %dma_wait3A_431, %dma_wait3A_432] : memref<2x128x128xf32, #tpu.memory_space<vmem>> -> memref<1x64x128xf32, #tpu.memory_space<vmem>>
      %dma_wait3A_434 = tpu.memref_squeeze %dma_wait3A_433 : memref<1x64x128xf32, #tpu.memory_space<vmem>> -> memref<64x128xf32, #tpu.memory_space<vmem>>
      %dma_wait3A_435 = arith.constant 0 : i32
      %dma_wait3A_436 = tpu.memref_slice %arg8[%dma_wait3A_428, %dma_wait3A_429, %dma_wait3A_435] : memref<2x8x128xi32, #tpu.memory_space<vmem>> -> memref<1x1x64xi32, #tpu.memory_space<vmem>>
      %dma_wait3A_437 = tpu.memref_squeeze %dma_wait3A_436 : memref<1x1x64xi32, #tpu.memory_space<vmem>> -> memref<64xi32, #tpu.memory_space<vmem>>
      %dma_wait3A_438 = arith.constant 0 : i32
      %dma_wait3A_439 = arith.constant 0 : i32
      %dma_wait3A_440 = tpu.memref_slice %arg2[%dma_wait3A_438, %dma_wait3A_439] : memref<10000x128xf32, #tpu.memory_space<hbm>> -> memref<10000x128xf32, #tpu.memory_space<hbm>>
      tpu.wait_indirect_dma semaphore(%arg11 : memref<!tpu.dma_semaphore, #tpu.memory_space<semaphore_mem>>) src(%dma_wait3A_440 : memref<10000x128xf32, #tpu.memory_space<hbm>>) dst(%dma_wait3A_434 : memref<64x128xf32, #tpu.memory_space<vmem>>)
      %dma_wait3A_441 = arith.constant 0 : i32
      %dma_wait3A_442 = arith.constant 1 : i32
      %dma_wait3A_443 = arith.constant 1 : i32
      %dma_wait3A_444 = arith.constant 64 : i32
      %dma_wait3A_445 = arith.constant 0 : i32
      %dma_wait3A_446 = tpu.memref_slice %arg7[%dma_wait3A_443, %dma_wait3A_444, %dma_wait3A_445] : memref<2x128x128xf32, #tpu.memory_space<vmem>> -> memref<1x64x128xf32, #tpu.memory_space<vmem>>
      %dma_wait3A_447 = tpu.memref_squeeze %dma_wait3A_446 : memref<1x64x128xf32, #tpu.memory_space<vmem>> -> memref<64x128xf32, #tpu.memory_space<vmem>>
      %dma_wait3A_448 = arith.constant 64 : i32
      %dma_wait3A_449 = tpu.memref_slice %arg8[%dma_wait3A_441, %dma_wait3A_442, %dma_wait3A_448] : memref<2x8x128xi32, #tpu.memory_space<vmem>> -> memref<1x1x64xi32, #tpu.memory_space<vmem>>
      %dma_wait3A_450 = tpu.memref_squeeze %dma_wait3A_449 : memref<1x1x64xi32, #tpu.memory_space<vmem>> -> memref<64xi32, #tpu.memory_space<vmem>>
      %dma_wait3A_451 = arith.constant 0 : i32
      %dma_wait3A_452 = arith.constant 0 : i32
      %dma_wait3A_453 = tpu.memref_slice %arg2[%dma_wait3A_451, %dma_wait3A_452] : memref<10000x128xf32, #tpu.memory_space<hbm>> -> memref<10000x128xf32, #tpu.memory_space<hbm>>
      tpu.wait_indirect_dma semaphore(%arg11 : memref<!tpu.dma_semaphore, #tpu.memory_space<semaphore_mem>>) src(%dma_wait3A_453 : memref<10000x128xf32, #tpu.memory_space<hbm>>) dst(%dma_wait3A_447 : memref<64x128xf32, #tpu.memory_space<vmem>>)
      %dma_start3A_454 = arith.constant 1 : i32
      %dma_start3A_455 = arith.constant 0 : i32
      %dma_start3A_456 = arith.constant 1 : i32
      %dma_start3A_457 = arith.constant 0 : i32
      %dma_start3A_458 = arith.constant 0 : i32
      %dma_start3A_459 = tpu.memref_slice %arg7[%dma_start3A_454, %dma_start3A_457, %dma_start3A_458] : memref<2x128x128xf32, #tpu.memory_space<vmem>> -> memref<1x128x128xf32, #tpu.memory_space<vmem>>
      %dma_start3A_460 = tpu.memref_squeeze %dma_start3A_459 : memref<1x128x128xf32, #tpu.memory_space<vmem>> -> memref<128x128xf32, #tpu.memory_space<vmem>>
      %dma_start3A_461 = arith.constant 0 : i32
      %dma_start3A_462 = tpu.memref_slice %arg9[%dma_start3A_455, %dma_start3A_456, %dma_start3A_461] : memref<2x8x128xi32, #tpu.memory_space<vmem>> -> memref<1x1x128xi32, #tpu.memory_space<vmem>>
      %dma_start3A_463 = tpu.memref_squeeze %dma_start3A_462 : memref<1x1x128xi32, #tpu.memory_space<vmem>> -> memref<128xi32, #tpu.memory_space<vmem>>
      %dma_start3A_464 = arith.constant 0 : i32
      %dma_start3A_465 = arith.constant 0 : i32
      %dma_start3A_466 = tpu.memref_slice %arg10[%dma_start3A_464, %dma_start3A_465] : memref<10240x128xf32, #tpu.memory_space<vmem_shared>> -> memref<10240x128xf32, #tpu.memory_space<vmem_shared>>
      tpu.enqueue_indirect_dma source(%dma_start3A_460 : memref<128x128xf32, #tpu.memory_space<vmem>>) target(%dma_start3A_466 : memref<10240x128xf32, #tpu.memory_space<vmem_shared>>) offsets(%dma_start3A_463 : memref<128xi32, #tpu.memory_space<vmem>>) semaphore(%arg12 : memref<!tpu.dma_semaphore, #tpu.memory_space<semaphore_mem>>) {add = true}
      %dma_wait3A_467 = arith.constant 1 : i32
      %dma_wait3A_468 = arith.constant 0 : i32
      %dma_wait3A_469 = arith.constant 1 : i32
      %dma_wait3A_470 = arith.constant 0 : i32
      %dma_wait3A_471 = arith.constant 0 : i32
      %dma_wait3A_472 = tpu.memref_slice %arg7[%dma_wait3A_467, %dma_wait3A_470, %dma_wait3A_471] : memref<2x128x128xf32, #tpu.memory_space<vmem>> -> memref<1x128x128xf32, #tpu.memory_space<vmem>>
      %dma_wait3A_473 = tpu.memref_squeeze %dma_wait3A_472 : memref<1x128x128xf32, #tpu.memory_space<vmem>> -> memref<128x128xf32, #tpu.memory_space<vmem>>
      %dma_wait3A_474 = arith.constant 0 : i32
      %dma_wait3A_475 = tpu.memref_slice %arg9[%dma_wait3A_468, %dma_wait3A_469, %dma_wait3A_474] : memref<2x8x128xi32, #tpu.memory_space<vmem>> -> memref<1x1x128xi32, #tpu.memory_space<vmem>>
      %dma_wait3A_476 = tpu.memref_squeeze %dma_wait3A_475 : memref<1x1x128xi32, #tpu.memory_space<vmem>> -> memref<128xi32, #tpu.memory_space<vmem>>
      %dma_wait3A_477 = arith.constant 0 : i32
      %dma_wait3A_478 = arith.constant 0 : i32
      %dma_wait3A_479 = tpu.memref_slice %arg10[%dma_wait3A_477, %dma_wait3A_478] : memref<10240x128xf32, #tpu.memory_space<vmem_shared>> -> memref<10240x128xf32, #tpu.memory_space<vmem_shared>>
      tpu.wait_indirect_dma semaphore(%arg12 : memref<!tpu.dma_semaphore, #tpu.memory_space<semaphore_mem>>) src(%dma_wait3A_473 : memref<128x128xf32, #tpu.memory_space<vmem>>) dst(%dma_wait3A_479 : memref<10240x128xf32, #tpu.memory_space<vmem_shared>>)
      %dma_start3A_480 = arith.constant 0 : i32
      %dma_start3A_481 = arith.constant 3 : i32
      %dma_start3A_482 = arith.constant 1 : i32
      %dma_start3A_483 = arith.constant 0 : i32
      %dma_start3A_484 = arith.constant 0 : i32
      %dma_start3A_485 = tpu.memref_slice %arg7[%dma_start3A_482, %dma_start3A_483, %dma_start3A_484] : memref<2x128x128xf32, #tpu.memory_space<vmem>> -> memref<1x64x128xf32, #tpu.memory_space<vmem>>
      %dma_start3A_486 = tpu.memref_squeeze %dma_start3A_485 : memref<1x64x128xf32, #tpu.memory_space<vmem>> -> memref<64x128xf32, #tpu.memory_space<vmem>>
      %dma_start3A_487 = arith.constant 0 : i32
      %dma_start3A_488 = tpu.memref_slice %arg8[%dma_start3A_480, %dma_start3A_481, %dma_start3A_487] : memref<2x8x128xi32, #tpu.memory_space<vmem>> -> memref<1x1x64xi32, #tpu.memory_space<vmem>>
      %dma_start3A_489 = tpu.memref_squeeze %dma_start3A_488 : memref<1x1x64xi32, #tpu.memory_space<vmem>> -> memref<64xi32, #tpu.memory_space<vmem>>
      %dma_start3A_490 = arith.constant 0 : i32
      %dma_start3A_491 = arith.constant 0 : i32
      %dma_start3A_492 = tpu.memref_slice %arg2[%dma_start3A_490, %dma_start3A_491] : memref<10000x128xf32, #tpu.memory_space<hbm>> -> memref<10000x128xf32, #tpu.memory_space<hbm>>
      tpu.enqueue_indirect_dma source(%dma_start3A_492 : memref<10000x128xf32, #tpu.memory_space<hbm>>) target(%dma_start3A_486 : memref<64x128xf32, #tpu.memory_space<vmem>>) offsets(%dma_start3A_489 : memref<64xi32, #tpu.memory_space<vmem>>) semaphore(%arg11 : memref<!tpu.dma_semaphore, #tpu.memory_space<semaphore_mem>>)
      %dma_start3A_493 = arith.constant 0 : i32
      %dma_start3A_494 = arith.constant 3 : i32
      %dma_start3A_495 = arith.constant 1 : i32
      %dma_start3A_496 = arith.constant 64 : i32
      %dma_start3A_497 = arith.constant 0 : i32
      %dma_start3A_498 = tpu.memref_slice %arg7[%dma_start3A_495, %dma_start3A_496, %dma_start3A_497] : memref<2x128x128xf32, #tpu.memory_space<vmem>> -> memref<1x64x128xf32, #tpu.memory_space<vmem>>
      %dma_start3A_499 = tpu.memref_squeeze %dma_start3A_498 : memref<1x64x128xf32, #tpu.memory_space<vmem>> -> memref<64x128xf32, #tpu.memory_space<vmem>>
      %dma_start3A_500 = arith.constant 64 : i32
      %dma_start3A_501 = tpu.memref_slice %arg8[%dma_start3A_493, %dma_start3A_494, %dma_start3A_500] : memref<2x8x128xi32, #tpu.memory_space<vmem>> -> memref<1x1x64xi32, #tpu.memory_space<vmem>>
      %dma_start3A_502 = tpu.memref_squeeze %dma_start3A_501 : memref<1x1x64xi32, #tpu.memory_space<vmem>> -> memref<64xi32, #tpu.memory_space<vmem>>
      %dma_start3A_503 = arith.constant 0 : i32
      %dma_start3A_504 = arith.constant 0 : i32
      %dma_start3A_505 = tpu.memref_slice %arg2[%dma_start3A_503, %dma_start3A_504] : memref<10000x128xf32, #tpu.memory_space<hbm>> -> memref<10000x128xf32, #tpu.memory_space<hbm>>
      tpu.enqueue_indirect_dma source(%dma_start3A_505 : memref<10000x128xf32, #tpu.memory_space<hbm>>) target(%dma_start3A_499 : memref<64x128xf32, #tpu.memory_space<vmem>>) offsets(%dma_start3A_502 : memref<64xi32, #tpu.memory_space<vmem>>) semaphore(%arg11 : memref<!tpu.dma_semaphore, #tpu.memory_space<semaphore_mem>>)
      %dma_wait3A_506 = arith.constant 0 : i32
      %dma_wait3A_507 = arith.constant 2 : i32
      %dma_wait3A_508 = arith.constant 0 : i32
      %dma_wait3A_509 = arith.constant 0 : i32
      %dma_wait3A_510 = arith.constant 0 : i32
      %dma_wait3A_511 = tpu.memref_slice %arg7[%dma_wait3A_508, %dma_wait3A_509, %dma_wait3A_510] : memref<2x128x128xf32, #tpu.memory_space<vmem>> -> memref<1x64x128xf32, #tpu.memory_space<vmem>>
      %dma_wait3A_512 = tpu.memref_squeeze %dma_wait3A_511 : memref<1x64x128xf32, #tpu.memory_space<vmem>> -> memref<64x128xf32, #tpu.memory_space<vmem>>
      %dma_wait3A_513 = arith.constant 0 : i32
      %dma_wait3A_514 = tpu.memref_slice %arg8[%dma_wait3A_506, %dma_wait3A_507, %dma_wait3A_513] : memref<2x8x128xi32, #tpu.memory_space<vmem>> -> memref<1x1x64xi32, #tpu.memory_space<vmem>>
      %dma_wait3A_515 = tpu.memref_squeeze %dma_wait3A_514 : memref<1x1x64xi32, #tpu.memory_space<vmem>> -> memref<64xi32, #tpu.memory_space<vmem>>
      %dma_wait3A_516 = arith.constant 0 : i32
      %dma_wait3A_517 = arith.constant 0 : i32
      %dma_wait3A_518 = tpu.memref_slice %arg2[%dma_wait3A_516, %dma_wait3A_517] : memref<10000x128xf32, #tpu.memory_space<hbm>> -> memref<10000x128xf32, #tpu.memory_space<hbm>>
      tpu.wait_indirect_dma semaphore(%arg11 : memref<!tpu.dma_semaphore, #tpu.memory_space<semaphore_mem>>) src(%dma_wait3A_518 : memref<10000x128xf32, #tpu.memory_space<hbm>>) dst(%dma_wait3A_512 : memref<64x128xf32, #tpu.memory_space<vmem>>)
      %dma_wait3A_519 = arith.constant 0 : i32
      %dma_wait3A_520 = arith.constant 2 : i32
      %dma_wait3A_521 = arith.constant 0 : i32
      %dma_wait3A_522 = arith.constant 64 : i32
      %dma_wait3A_523 = arith.constant 0 : i32
      %dma_wait3A_524 = tpu.memref_slice %arg7[%dma_wait3A_521, %dma_wait3A_522, %dma_wait3A_523] : memref<2x128x128xf32, #tpu.memory_space<vmem>> -> memref<1x64x128xf32, #tpu.memory_space<vmem>>
      %dma_wait3A_525 = tpu.memref_squeeze %dma_wait3A_524 : memref<1x64x128xf32, #tpu.memory_space<vmem>> -> memref<64x128xf32, #tpu.memory_space<vmem>>
      %dma_wait3A_526 = arith.constant 64 : i32
      %dma_wait3A_527 = tpu.memref_slice %arg8[%dma_wait3A_519, %dma_wait3A_520, %dma_wait3A_526] : memref<2x8x128xi32, #tpu.memory_space<vmem>> -> memref<1x1x64xi32, #tpu.memory_space<vmem>>
      %dma_wait3A_528 = tpu.memref_squeeze %dma_wait3A_527 : memref<1x1x64xi32, #tpu.memory_space<vmem>> -> memref<64xi32, #tpu.memory_space<vmem>>
      %dma_wait3A_529 = arith.constant 0 : i32
      %dma_wait3A_530 = arith.constant 0 : i32
      %dma_wait3A_531 = tpu.memref_slice %arg2[%dma_wait3A_529, %dma_wait3A_530] : memref<10000x128xf32, #tpu.memory_space<hbm>> -> memref<10000x128xf32, #tpu.memory_space<hbm>>
      tpu.wait_indirect_dma semaphore(%arg11 : memref<!tpu.dma_semaphore, #tpu.memory_space<semaphore_mem>>) src(%dma_wait3A_531 : memref<10000x128xf32, #tpu.memory_space<hbm>>) dst(%dma_wait3A_525 : memref<64x128xf32, #tpu.memory_space<vmem>>)
      %dma_start3A_532 = arith.constant 0 : i32
      %dma_start3A_533 = arith.constant 0 : i32
      %dma_start3A_534 = arith.constant 2 : i32
      %dma_start3A_535 = arith.constant 0 : i32
      %dma_start3A_536 = arith.constant 0 : i32
      %dma_start3A_537 = tpu.memref_slice %arg7[%dma_start3A_532, %dma_start3A_535, %dma_start3A_536] : memref<2x128x128xf32, #tpu.memory_space<vmem>> -> memref<1x128x128xf32, #tpu.memory_space<vmem>>
      %dma_start3A_538 = tpu.memref_squeeze %dma_start3A_537 : memref<1x128x128xf32, #tpu.memory_space<vmem>> -> memref<128x128xf32, #tpu.memory_space<vmem>>
      %dma_start3A_539 = arith.constant 0 : i32
      %dma_start3A_540 = tpu.memref_slice %arg9[%dma_start3A_533, %dma_start3A_534, %dma_start3A_539] : memref<2x8x128xi32, #tpu.memory_space<vmem>> -> memref<1x1x128xi32, #tpu.memory_space<vmem>>
      %dma_start3A_541 = tpu.memref_squeeze %dma_start3A_540 : memref<1x1x128xi32, #tpu.memory_space<vmem>> -> memref<128xi32, #tpu.memory_space<vmem>>
      %dma_start3A_542 = arith.constant 0 : i32
      %dma_start3A_543 = arith.constant 0 : i32
      %dma_start3A_544 = tpu.memref_slice %arg10[%dma_start3A_542, %dma_start3A_543] : memref<10240x128xf32, #tpu.memory_space<vmem_shared>> -> memref<10240x128xf32, #tpu.memory_space<vmem_shared>>
      tpu.enqueue_indirect_dma source(%dma_start3A_538 : memref<128x128xf32, #tpu.memory_space<vmem>>) target(%dma_start3A_544 : memref<10240x128xf32, #tpu.memory_space<vmem_shared>>) offsets(%dma_start3A_541 : memref<128xi32, #tpu.memory_space<vmem>>) semaphore(%arg12 : memref<!tpu.dma_semaphore, #tpu.memory_space<semaphore_mem>>) {add = true}
      %dma_wait3A_545 = arith.constant 0 : i32
      %dma_wait3A_546 = arith.constant 0 : i32
      %dma_wait3A_547 = arith.constant 2 : i32
      %dma_wait3A_548 = arith.constant 0 : i32
      %dma_wait3A_549 = arith.constant 0 : i32
      %dma_wait3A_550 = tpu.memref_slice %arg7[%dma_wait3A_545, %dma_wait3A_548, %dma_wait3A_549] : memref<2x128x128xf32, #tpu.memory_space<vmem>> -> memref<1x128x128xf32, #tpu.memory_space<vmem>>
      %dma_wait3A_551 = tpu.memref_squeeze %dma_wait3A_550 : memref<1x128x128xf32, #tpu.memory_space<vmem>> -> memref<128x128xf32, #tpu.memory_space<vmem>>
      %dma_wait3A_552 = arith.constant 0 : i32
      %dma_wait3A_553 = tpu.memref_slice %arg9[%dma_wait3A_546, %dma_wait3A_547, %dma_wait3A_552] : memref<2x8x128xi32, #tpu.memory_space<vmem>> -> memref<1x1x128xi32, #tpu.memory_space<vmem>>
      %dma_wait3A_554 = tpu.memref_squeeze %dma_wait3A_553 : memref<1x1x128xi32, #tpu.memory_space<vmem>> -> memref<128xi32, #tpu.memory_space<vmem>>
      %dma_wait3A_555 = arith.constant 0 : i32
      %dma_wait3A_556 = arith.constant 0 : i32
      %dma_wait3A_557 = tpu.memref_slice %arg10[%dma_wait3A_555, %dma_wait3A_556] : memref<10240x128xf32, #tpu.memory_space<vmem_shared>> -> memref<10240x128xf32, #tpu.memory_space<vmem_shared>>
      tpu.wait_indirect_dma semaphore(%arg12 : memref<!tpu.dma_semaphore, #tpu.memory_space<semaphore_mem>>) src(%dma_wait3A_551 : memref<128x128xf32, #tpu.memory_space<vmem>>) dst(%dma_wait3A_557 : memref<10240x128xf32, #tpu.memory_space<vmem_shared>>)
      %dma_start3A_558 = arith.constant 0 : i32
      %dma_start3A_559 = arith.constant 4 : i32
      %dma_start3A_560 = arith.constant 0 : i32
      %dma_start3A_561 = arith.constant 0 : i32
      %dma_start3A_562 = arith.constant 0 : i32
      %dma_start3A_563 = tpu.memref_slice %arg7[%dma_start3A_560, %dma_start3A_561, %dma_start3A_562] : memref<2x128x128xf32, #tpu.memory_space<vmem>> -> memref<1x64x128xf32, #tpu.memory_space<vmem>>
      %dma_start3A_564 = tpu.memref_squeeze %dma_start3A_563 : memref<1x64x128xf32, #tpu.memory_space<vmem>> -> memref<64x128xf32, #tpu.memory_space<vmem>>
      %dma_start3A_565 = arith.constant 0 : i32
      %dma_start3A_566 = tpu.memref_slice %arg8[%dma_start3A_558, %dma_start3A_559, %dma_start3A_565] : memref<2x8x128xi32, #tpu.memory_space<vmem>> -> memref<1x1x64xi32, #tpu.memory_space<vmem>>
      %dma_start3A_567 = tpu.memref_squeeze %dma_start3A_566 : memref<1x1x64xi32, #tpu.memory_space<vmem>> -> memref<64xi32, #tpu.memory_space<vmem>>
      %dma_start3A_568 = arith.constant 0 : i32
      %dma_start3A_569 = arith.constant 0 : i32
      %dma_start3A_570 = tpu.memref_slice %arg2[%dma_start3A_568, %dma_start3A_569] : memref<10000x128xf32, #tpu.memory_space<hbm>> -> memref<10000x128xf32, #tpu.memory_space<hbm>>
      tpu.enqueue_indirect_dma source(%dma_start3A_570 : memref<10000x128xf32, #tpu.memory_space<hbm>>) target(%dma_start3A_564 : memref<64x128xf32, #tpu.memory_space<vmem>>) offsets(%dma_start3A_567 : memref<64xi32, #tpu.memory_space<vmem>>) semaphore(%arg11 : memref<!tpu.dma_semaphore, #tpu.memory_space<semaphore_mem>>)
      %dma_start3A_571 = arith.constant 0 : i32
      %dma_start3A_572 = arith.constant 4 : i32
      %dma_start3A_573 = arith.constant 0 : i32
      %dma_start3A_574 = arith.constant 64 : i32
      %dma_start3A_575 = arith.constant 0 : i32
      %dma_start3A_576 = tpu.memref_slice %arg7[%dma_start3A_573, %dma_start3A_574, %dma_start3A_575] : memref<2x128x128xf32, #tpu.memory_space<vmem>> -> memref<1x64x128xf32, #tpu.memory_space<vmem>>
      %dma_start3A_577 = tpu.memref_squeeze %dma_start3A_576 : memref<1x64x128xf32, #tpu.memory_space<vmem>> -> memref<64x128xf32, #tpu.memory_space<vmem>>
      %dma_start3A_578 = arith.constant 64 : i32
      %dma_start3A_579 = tpu.memref_slice %arg8[%dma_start3A_571, %dma_start3A_572, %dma_start3A_578] : memref<2x8x128xi32, #tpu.memory_space<vmem>> -> memref<1x1x64xi32, #tpu.memory_space<vmem>>
      %dma_start3A_580 = tpu.memref_squeeze %dma_start3A_579 : memref<1x1x64xi32, #tpu.memory_space<vmem>> -> memref<64xi32, #tpu.memory_space<vmem>>
      %dma_start3A_581 = arith.constant 0 : i32
      %dma_start3A_582 = arith.constant 0 : i32
      %dma_start3A_583 = tpu.memref_slice %arg2[%dma_start3A_581, %dma_start3A_582] : memref<10000x128xf32, #tpu.memory_space<hbm>> -> memref<10000x128xf32, #tpu.memory_space<hbm>>
      tpu.enqueue_indirect_dma source(%dma_start3A_583 : memref<10000x128xf32, #tpu.memory_space<hbm>>) target(%dma_start3A_577 : memref<64x128xf32, #tpu.memory_space<vmem>>) offsets(%dma_start3A_580 : memref<64xi32, #tpu.memory_space<vmem>>) semaphore(%arg11 : memref<!tpu.dma_semaphore, #tpu.memory_space<semaphore_mem>>)
      %dma_wait3A_584 = arith.constant 0 : i32
      %dma_wait3A_585 = arith.constant 3 : i32
      %dma_wait3A_586 = arith.constant 1 : i32
      %dma_wait3A_587 = arith.constant 0 : i32
      %dma_wait3A_588 = arith.constant 0 : i32
      %dma_wait3A_589 = tpu.memref_slice %arg7[%dma_wait3A_586, %dma_wait3A_587, %dma_wait3A_588] : memref<2x128x128xf32, #tpu.memory_space<vmem>> -> memref<1x64x128xf32, #tpu.memory_space<vmem>>
      %dma_wait3A_590 = tpu.memref_squeeze %dma_wait3A_589 : memref<1x64x128xf32, #tpu.memory_space<vmem>> -> memref<64x128xf32, #tpu.memory_space<vmem>>
      %dma_wait3A_591 = arith.constant 0 : i32
      %dma_wait3A_592 = tpu.memref_slice %arg8[%dma_wait3A_584, %dma_wait3A_585, %dma_wait3A_591] : memref<2x8x128xi32, #tpu.memory_space<vmem>> -> memref<1x1x64xi32, #tpu.memory_space<vmem>>
      %dma_wait3A_593 = tpu.memref_squeeze %dma_wait3A_592 : memref<1x1x64xi32, #tpu.memory_space<vmem>> -> memref<64xi32, #tpu.memory_space<vmem>>
      %dma_wait3A_594 = arith.constant 0 : i32
      %dma_wait3A_595 = arith.constant 0 : i32
      %dma_wait3A_596 = tpu.memref_slice %arg2[%dma_wait3A_594, %dma_wait3A_595] : memref<10000x128xf32, #tpu.memory_space<hbm>> -> memref<10000x128xf32, #tpu.memory_space<hbm>>
      tpu.wait_indirect_dma semaphore(%arg11 : memref<!tpu.dma_semaphore, #tpu.memory_space<semaphore_mem>>) src(%dma_wait3A_596 : memref<10000x128xf32, #tpu.memory_space<hbm>>) dst(%dma_wait3A_590 : memref<64x128xf32, #tpu.memory_space<vmem>>)
      %dma_wait3A_597 = arith.constant 0 : i32
      %dma_wait3A_598 = arith.constant 3 : i32
      %dma_wait3A_599 = arith.constant 1 : i32
      %dma_wait3A_600 = arith.constant 64 : i32
      %dma_wait3A_601 = arith.constant 0 : i32
      %dma_wait3A_602 = tpu.memref_slice %arg7[%dma_wait3A_599, %dma_wait3A_600, %dma_wait3A_601] : memref<2x128x128xf32, #tpu.memory_space<vmem>> -> memref<1x64x128xf32, #tpu.memory_space<vmem>>
      %dma_wait3A_603 = tpu.memref_squeeze %dma_wait3A_602 : memref<1x64x128xf32, #tpu.memory_space<vmem>> -> memref<64x128xf32, #tpu.memory_space<vmem>>
      %dma_wait3A_604 = arith.constant 64 : i32
      %dma_wait3A_605 = tpu.memref_slice %arg8[%dma_wait3A_597, %dma_wait3A_598, %dma_wait3A_604] : memref<2x8x128xi32, #tpu.memory_space<vmem>> -> memref<1x1x64xi32, #tpu.memory_space<vmem>>
      %dma_wait3A_606 = tpu.memref_squeeze %dma_wait3A_605 : memref<1x1x64xi32, #tpu.memory_space<vmem>> -> memref<64xi32, #tpu.memory_space<vmem>>
      %dma_wait3A_607 = arith.constant 0 : i32
      %dma_wait3A_608 = arith.constant 0 : i32
      %dma_wait3A_609 = tpu.memref_slice %arg2[%dma_wait3A_607, %dma_wait3A_608] : memref<10000x128xf32, #tpu.memory_space<hbm>> -> memref<10000x128xf32, #tpu.memory_space<hbm>>
      tpu.wait_indirect_dma semaphore(%arg11 : memref<!tpu.dma_semaphore, #tpu.memory_space<semaphore_mem>>) src(%dma_wait3A_609 : memref<10000x128xf32, #tpu.memory_space<hbm>>) dst(%dma_wait3A_603 : memref<64x128xf32, #tpu.memory_space<vmem>>)
      %dma_start3A_610 = arith.constant 1 : i32
      %dma_start3A_611 = arith.constant 0 : i32
      %dma_start3A_612 = arith.constant 3 : i32
      %dma_start3A_613 = arith.constant 0 : i32
      %dma_start3A_614 = arith.constant 0 : i32
      %dma_start3A_615 = tpu.memref_slice %arg7[%dma_start3A_610, %dma_start3A_613, %dma_start3A_614] : memref<2x128x128xf32, #tpu.memory_space<vmem>> -> memref<1x128x128xf32, #tpu.memory_space<vmem>>
      %dma_start3A_616 = tpu.memref_squeeze %dma_start3A_615 : memref<1x128x128xf32, #tpu.memory_space<vmem>> -> memref<128x128xf32, #tpu.memory_space<vmem>>
      %dma_start3A_617 = arith.constant 0 : i32
      %dma_start3A_618 = tpu.memref_slice %arg9[%dma_start3A_611, %dma_start3A_612, %dma_start3A_617] : memref<2x8x128xi32, #tpu.memory_space<vmem>> -> memref<1x1x128xi32, #tpu.memory_space<vmem>>
      %dma_start3A_619 = tpu.memref_squeeze %dma_start3A_618 : memref<1x1x128xi32, #tpu.memory_space<vmem>> -> memref<128xi32, #tpu.memory_space<vmem>>
      %dma_start3A_620 = arith.constant 0 : i32
      %dma_start3A_621 = arith.constant 0 : i32
      %dma_start3A_622 = tpu.memref_slice %arg10[%dma_start3A_620, %dma_start3A_621] : memref<10240x128xf32, #tpu.memory_space<vmem_shared>> -> memref<10240x128xf32, #tpu.memory_space<vmem_shared>>
      tpu.enqueue_indirect_dma source(%dma_start3A_616 : memref<128x128xf32, #tpu.memory_space<vmem>>) target(%dma_start3A_622 : memref<10240x128xf32, #tpu.memory_space<vmem_shared>>) offsets(%dma_start3A_619 : memref<128xi32, #tpu.memory_space<vmem>>) semaphore(%arg12 : memref<!tpu.dma_semaphore, #tpu.memory_space<semaphore_mem>>) {add = true}
      %dma_wait3A_623 = arith.constant 1 : i32
      %dma_wait3A_624 = arith.constant 0 : i32
      %dma_wait3A_625 = arith.constant 3 : i32
      %dma_wait3A_626 = arith.constant 0 : i32
      %dma_wait3A_627 = arith.constant 0 : i32
      %dma_wait3A_628 = tpu.memref_slice %arg7[%dma_wait3A_623, %dma_wait3A_626, %dma_wait3A_627] : memref<2x128x128xf32, #tpu.memory_space<vmem>> -> memref<1x128x128xf32, #tpu.memory_space<vmem>>
      %dma_wait3A_629 = tpu.memref_squeeze %dma_wait3A_628 : memref<1x128x128xf32, #tpu.memory_space<vmem>> -> memref<128x128xf32, #tpu.memory_space<vmem>>
      %dma_wait3A_630 = arith.constant 0 : i32
      %dma_wait3A_631 = tpu.memref_slice %arg9[%dma_wait3A_624, %dma_wait3A_625, %dma_wait3A_630] : memref<2x8x128xi32, #tpu.memory_space<vmem>> -> memref<1x1x128xi32, #tpu.memory_space<vmem>>
      %dma_wait3A_632 = tpu.memref_squeeze %dma_wait3A_631 : memref<1x1x128xi32, #tpu.memory_space<vmem>> -> memref<128xi32, #tpu.memory_space<vmem>>
      %dma_wait3A_633 = arith.constant 0 : i32
      %dma_wait3A_634 = arith.constant 0 : i32
      %dma_wait3A_635 = tpu.memref_slice %arg10[%dma_wait3A_633, %dma_wait3A_634] : memref<10240x128xf32, #tpu.memory_space<vmem_shared>> -> memref<10240x128xf32, #tpu.memory_space<vmem_shared>>
      tpu.wait_indirect_dma semaphore(%arg12 : memref<!tpu.dma_semaphore, #tpu.memory_space<semaphore_mem>>) src(%dma_wait3A_629 : memref<128x128xf32, #tpu.memory_space<vmem>>) dst(%dma_wait3A_635 : memref<10240x128xf32, #tpu.memory_space<vmem_shared>>)
      %dma_start3A_636 = arith.constant 0 : i32
      %dma_start3A_637 = arith.constant 5 : i32
      %dma_start3A_638 = arith.constant 1 : i32
      %dma_start3A_639 = arith.constant 0 : i32
      %dma_start3A_640 = arith.constant 0 : i32
      %dma_start3A_641 = tpu.memref_slice %arg7[%dma_start3A_638, %dma_start3A_639, %dma_start3A_640] : memref<2x128x128xf32, #tpu.memory_space<vmem>> -> memref<1x64x128xf32, #tpu.memory_space<vmem>>
      %dma_start3A_642 = tpu.memref_squeeze %dma_start3A_641 : memref<1x64x128xf32, #tpu.memory_space<vmem>> -> memref<64x128xf32, #tpu.memory_space<vmem>>
      %dma_start3A_643 = arith.constant 0 : i32
      %dma_start3A_644 = tpu.memref_slice %arg8[%dma_start3A_636, %dma_start3A_637, %dma_start3A_643] : memref<2x8x128xi32, #tpu.memory_space<vmem>> -> memref<1x1x64xi32, #tpu.memory_space<vmem>>
      %dma_start3A_645 = tpu.memref_squeeze %dma_start3A_644 : memref<1x1x64xi32, #tpu.memory_space<vmem>> -> memref<64xi32, #tpu.memory_space<vmem>>
      %dma_start3A_646 = arith.constant 0 : i32
      %dma_start3A_647 = arith.constant 0 : i32
      %dma_start3A_648 = tpu.memref_slice %arg2[%dma_start3A_646, %dma_start3A_647] : memref<10000x128xf32, #tpu.memory_space<hbm>> -> memref<10000x128xf32, #tpu.memory_space<hbm>>
      tpu.enqueue_indirect_dma source(%dma_start3A_648 : memref<10000x128xf32, #tpu.memory_space<hbm>>) target(%dma_start3A_642 : memref<64x128xf32, #tpu.memory_space<vmem>>) offsets(%dma_start3A_645 : memref<64xi32, #tpu.memory_space<vmem>>) semaphore(%arg11 : memref<!tpu.dma_semaphore, #tpu.memory_space<semaphore_mem>>)
      %dma_start3A_649 = arith.constant 0 : i32
      %dma_start3A_650 = arith.constant 5 : i32
      %dma_start3A_651 = arith.constant 1 : i32
      %dma_start3A_652 = arith.constant 64 : i32
      %dma_start3A_653 = arith.constant 0 : i32
      %dma_start3A_654 = tpu.memref_slice %arg7[%dma_start3A_651, %dma_start3A_652, %dma_start3A_653] : memref<2x128x128xf32, #tpu.memory_space<vmem>> -> memref<1x64x128xf32, #tpu.memory_space<vmem>>
      %dma_start3A_655 = tpu.memref_squeeze %dma_start3A_654 : memref<1x64x128xf32, #tpu.memory_space<vmem>> -> memref<64x128xf32, #tpu.memory_space<vmem>>
      %dma_start3A_656 = arith.constant 64 : i32
      %dma_start3A_657 = tpu.memref_slice %arg8[%dma_start3A_649, %dma_start3A_650, %dma_start3A_656] : memref<2x8x128xi32, #tpu.memory_space<vmem>> -> memref<1x1x64xi32, #tpu.memory_space<vmem>>
      %dma_start3A_658 = tpu.memref_squeeze %dma_start3A_657 : memref<1x1x64xi32, #tpu.memory_space<vmem>> -> memref<64xi32, #tpu.memory_space<vmem>>
      %dma_start3A_659 = arith.constant 0 : i32
      %dma_start3A_660 = arith.constant 0 : i32
      %dma_start3A_661 = tpu.memref_slice %arg2[%dma_start3A_659, %dma_start3A_660] : memref<10000x128xf32, #tpu.memory_space<hbm>> -> memref<10000x128xf32, #tpu.memory_space<hbm>>
      tpu.enqueue_indirect_dma source(%dma_start3A_661 : memref<10000x128xf32, #tpu.memory_space<hbm>>) target(%dma_start3A_655 : memref<64x128xf32, #tpu.memory_space<vmem>>) offsets(%dma_start3A_658 : memref<64xi32, #tpu.memory_space<vmem>>) semaphore(%arg11 : memref<!tpu.dma_semaphore, #tpu.memory_space<semaphore_mem>>)
      %dma_wait3A_662 = arith.constant 0 : i32
      %dma_wait3A_663 = arith.constant 4 : i32
      %dma_wait3A_664 = arith.constant 0 : i32
      %dma_wait3A_665 = arith.constant 0 : i32
      %dma_wait3A_666 = arith.constant 0 : i32
      %dma_wait3A_667 = tpu.memref_slice %arg7[%dma_wait3A_664, %dma_wait3A_665, %dma_wait3A_666] : memref<2x128x128xf32, #tpu.memory_space<vmem>> -> memref<1x64x128xf32, #tpu.memory_space<vmem>>
      %dma_wait3A_668 = tpu.memref_squeeze %dma_wait3A_667 : memref<1x64x128xf32, #tpu.memory_space<vmem>> -> memref<64x128xf32, #tpu.memory_space<vmem>>
      %dma_wait3A_669 = arith.constant 0 : i32
      %dma_wait3A_670 = tpu.memref_slice %arg8[%dma_wait3A_662, %dma_wait3A_663, %dma_wait3A_669] : memref<2x8x128xi32, #tpu.memory_space<vmem>> -> memref<1x1x64xi32, #tpu.memory_space<vmem>>
      %dma_wait3A_671 = tpu.memref_squeeze %dma_wait3A_670 : memref<1x1x64xi32, #tpu.memory_space<vmem>> -> memref<64xi32, #tpu.memory_space<vmem>>
      %dma_wait3A_672 = arith.constant 0 : i32
      %dma_wait3A_673 = arith.constant 0 : i32
      %dma_wait3A_674 = tpu.memref_slice %arg2[%dma_wait3A_672, %dma_wait3A_673] : memref<10000x128xf32, #tpu.memory_space<hbm>> -> memref<10000x128xf32, #tpu.memory_space<hbm>>
      tpu.wait_indirect_dma semaphore(%arg11 : memref<!tpu.dma_semaphore, #tpu.memory_space<semaphore_mem>>) src(%dma_wait3A_674 : memref<10000x128xf32, #tpu.memory_space<hbm>>) dst(%dma_wait3A_668 : memref<64x128xf32, #tpu.memory_space<vmem>>)
      %dma_wait3A_675 = arith.constant 0 : i32
      %dma_wait3A_676 = arith.constant 4 : i32
      %dma_wait3A_677 = arith.constant 0 : i32
      %dma_wait3A_678 = arith.constant 64 : i32
      %dma_wait3A_679 = arith.constant 0 : i32
      %dma_wait3A_680 = tpu.memref_slice %arg7[%dma_wait3A_677, %dma_wait3A_678, %dma_wait3A_679] : memref<2x128x128xf32, #tpu.memory_space<vmem>> -> memref<1x64x128xf32, #tpu.memory_space<vmem>>
      %dma_wait3A_681 = tpu.memref_squeeze %dma_wait3A_680 : memref<1x64x128xf32, #tpu.memory_space<vmem>> -> memref<64x128xf32, #tpu.memory_space<vmem>>
      %dma_wait3A_682 = arith.constant 64 : i32
      %dma_wait3A_683 = tpu.memref_slice %arg8[%dma_wait3A_675, %dma_wait3A_676, %dma_wait3A_682] : memref<2x8x128xi32, #tpu.memory_space<vmem>> -> memref<1x1x64xi32, #tpu.memory_space<vmem>>
      %dma_wait3A_684 = tpu.memref_squeeze %dma_wait3A_683 : memref<1x1x64xi32, #tpu.memory_space<vmem>> -> memref<64xi32, #tpu.memory_space<vmem>>
      %dma_wait3A_685 = arith.constant 0 : i32
      %dma_wait3A_686 = arith.constant 0 : i32
      %dma_wait3A_687 = tpu.memref_slice %arg2[%dma_wait3A_685, %dma_wait3A_686] : memref<10000x128xf32, #tpu.memory_space<hbm>> -> memref<10000x128xf32, #tpu.memory_space<hbm>>
      tpu.wait_indirect_dma semaphore(%arg11 : memref<!tpu.dma_semaphore, #tpu.memory_space<semaphore_mem>>) src(%dma_wait3A_687 : memref<10000x128xf32, #tpu.memory_space<hbm>>) dst(%dma_wait3A_681 : memref<64x128xf32, #tpu.memory_space<vmem>>)
      %dma_start3A_688 = arith.constant 0 : i32
      %dma_start3A_689 = arith.constant 0 : i32
      %dma_start3A_690 = arith.constant 4 : i32
      %dma_start3A_691 = arith.constant 0 : i32
      %dma_start3A_692 = arith.constant 0 : i32
      %dma_start3A_693 = tpu.memref_slice %arg7[%dma_start3A_688, %dma_start3A_691, %dma_start3A_692] : memref<2x128x128xf32, #tpu.memory_space<vmem>> -> memref<1x128x128xf32, #tpu.memory_space<vmem>>
      %dma_start3A_694 = tpu.memref_squeeze %dma_start3A_693 : memref<1x128x128xf32, #tpu.memory_space<vmem>> -> memref<128x128xf32, #tpu.memory_space<vmem>>
      %dma_start3A_695 = arith.constant 0 : i32
      %dma_start3A_696 = tpu.memref_slice %arg9[%dma_start3A_689, %dma_start3A_690, %dma_start3A_695] : memref<2x8x128xi32, #tpu.memory_space<vmem>> -> memref<1x1x128xi32, #tpu.memory_space<vmem>>
      %dma_start3A_697 = tpu.memref_squeeze %dma_start3A_696 : memref<1x1x128xi32, #tpu.memory_space<vmem>> -> memref<128xi32, #tpu.memory_space<vmem>>
      %dma_start3A_698 = arith.constant 0 : i32
      %dma_start3A_699 = arith.constant 0 : i32
      %dma_start3A_700 = tpu.memref_slice %arg10[%dma_start3A_698, %dma_start3A_699] : memref<10240x128xf32, #tpu.memory_space<vmem_shared>> -> memref<10240x128xf32, #tpu.memory_space<vmem_shared>>
      tpu.enqueue_indirect_dma source(%dma_start3A_694 : memref<128x128xf32, #tpu.memory_space<vmem>>) target(%dma_start3A_700 : memref<10240x128xf32, #tpu.memory_space<vmem_shared>>) offsets(%dma_start3A_697 : memref<128xi32, #tpu.memory_space<vmem>>) semaphore(%arg12 : memref<!tpu.dma_semaphore, #tpu.memory_space<semaphore_mem>>) {add = true}
      %dma_wait3A_701 = arith.constant 0 : i32
      %dma_wait3A_702 = arith.constant 0 : i32
      %dma_wait3A_703 = arith.constant 4 : i32
      %dma_wait3A_704 = arith.constant 0 : i32
      %dma_wait3A_705 = arith.constant 0 : i32
      %dma_wait3A_706 = tpu.memref_slice %arg7[%dma_wait3A_701, %dma_wait3A_704, %dma_wait3A_705] : memref<2x128x128xf32, #tpu.memory_space<vmem>> -> memref<1x128x128xf32, #tpu.memory_space<vmem>>
      %dma_wait3A_707 = tpu.memref_squeeze %dma_wait3A_706 : memref<1x128x128xf32, #tpu.memory_space<vmem>> -> memref<128x128xf32, #tpu.memory_space<vmem>>
      %dma_wait3A_708 = arith.constant 0 : i32
      %dma_wait3A_709 = tpu.memref_slice %arg9[%dma_wait3A_702, %dma_wait3A_703, %dma_wait3A_708] : memref<2x8x128xi32, #tpu.memory_space<vmem>> -> memref<1x1x128xi32, #tpu.memory_space<vmem>>
      %dma_wait3A_710 = tpu.memref_squeeze %dma_wait3A_709 : memref<1x1x128xi32, #tpu.memory_space<vmem>> -> memref<128xi32, #tpu.memory_space<vmem>>
      %dma_wait3A_711 = arith.constant 0 : i32
      %dma_wait3A_712 = arith.constant 0 : i32
      %dma_wait3A_713 = tpu.memref_slice %arg10[%dma_wait3A_711, %dma_wait3A_712] : memref<10240x128xf32, #tpu.memory_space<vmem_shared>> -> memref<10240x128xf32, #tpu.memory_space<vmem_shared>>
      tpu.wait_indirect_dma semaphore(%arg12 : memref<!tpu.dma_semaphore, #tpu.memory_space<semaphore_mem>>) src(%dma_wait3A_707 : memref<128x128xf32, #tpu.memory_space<vmem>>) dst(%dma_wait3A_713 : memref<10240x128xf32, #tpu.memory_space<vmem_shared>>)
      %dma_start3A_714 = arith.constant 0 : i32
      %dma_start3A_715 = arith.constant 6 : i32
      %dma_start3A_716 = arith.constant 0 : i32
      %dma_start3A_717 = arith.constant 0 : i32
      %dma_start3A_718 = arith.constant 0 : i32
      %dma_start3A_719 = tpu.memref_slice %arg7[%dma_start3A_716, %dma_start3A_717, %dma_start3A_718] : memref<2x128x128xf32, #tpu.memory_space<vmem>> -> memref<1x64x128xf32, #tpu.memory_space<vmem>>
      %dma_start3A_720 = tpu.memref_squeeze %dma_start3A_719 : memref<1x64x128xf32, #tpu.memory_space<vmem>> -> memref<64x128xf32, #tpu.memory_space<vmem>>
      %dma_start3A_721 = arith.constant 0 : i32
      %dma_start3A_722 = tpu.memref_slice %arg8[%dma_start3A_714, %dma_start3A_715, %dma_start3A_721] : memref<2x8x128xi32, #tpu.memory_space<vmem>> -> memref<1x1x64xi32, #tpu.memory_space<vmem>>
      %dma_start3A_723 = tpu.memref_squeeze %dma_start3A_722 : memref<1x1x64xi32, #tpu.memory_space<vmem>> -> memref<64xi32, #tpu.memory_space<vmem>>
      %dma_start3A_724 = arith.constant 0 : i32
      %dma_start3A_725 = arith.constant 0 : i32
      %dma_start3A_726 = tpu.memref_slice %arg2[%dma_start3A_724, %dma_start3A_725] : memref<10000x128xf32, #tpu.memory_space<hbm>> -> memref<10000x128xf32, #tpu.memory_space<hbm>>
      tpu.enqueue_indirect_dma source(%dma_start3A_726 : memref<10000x128xf32, #tpu.memory_space<hbm>>) target(%dma_start3A_720 : memref<64x128xf32, #tpu.memory_space<vmem>>) offsets(%dma_start3A_723 : memref<64xi32, #tpu.memory_space<vmem>>) semaphore(%arg11 : memref<!tpu.dma_semaphore, #tpu.memory_space<semaphore_mem>>)
      %dma_start3A_727 = arith.constant 0 : i32
      %dma_start3A_728 = arith.constant 6 : i32
      %dma_start3A_729 = arith.constant 0 : i32
      %dma_start3A_730 = arith.constant 64 : i32
      %dma_start3A_731 = arith.constant 0 : i32
      %dma_start3A_732 = tpu.memref_slice %arg7[%dma_start3A_729, %dma_start3A_730, %dma_start3A_731] : memref<2x128x128xf32, #tpu.memory_space<vmem>> -> memref<1x64x128xf32, #tpu.memory_space<vmem>>
      %dma_start3A_733 = tpu.memref_squeeze %dma_start3A_732 : memref<1x64x128xf32, #tpu.memory_space<vmem>> -> memref<64x128xf32, #tpu.memory_space<vmem>>
      %dma_start3A_734 = arith.constant 64 : i32
      %dma_start3A_735 = tpu.memref_slice %arg8[%dma_start3A_727, %dma_start3A_728, %dma_start3A_734] : memref<2x8x128xi32, #tpu.memory_space<vmem>> -> memref<1x1x64xi32, #tpu.memory_space<vmem>>
      %dma_start3A_736 = tpu.memref_squeeze %dma_start3A_735 : memref<1x1x64xi32, #tpu.memory_space<vmem>> -> memref<64xi32, #tpu.memory_space<vmem>>
      %dma_start3A_737 = arith.constant 0 : i32
      %dma_start3A_738 = arith.constant 0 : i32
      %dma_start3A_739 = tpu.memref_slice %arg2[%dma_start3A_737, %dma_start3A_738] : memref<10000x128xf32, #tpu.memory_space<hbm>> -> memref<10000x128xf32, #tpu.memory_space<hbm>>
      tpu.enqueue_indirect_dma source(%dma_start3A_739 : memref<10000x128xf32, #tpu.memory_space<hbm>>) target(%dma_start3A_733 : memref<64x128xf32, #tpu.memory_space<vmem>>) offsets(%dma_start3A_736 : memref<64xi32, #tpu.memory_space<vmem>>) semaphore(%arg11 : memref<!tpu.dma_semaphore, #tpu.memory_space<semaphore_mem>>)
      %dma_wait3A_740 = arith.constant 0 : i32
      %dma_wait3A_741 = arith.constant 5 : i32
      %dma_wait3A_742 = arith.constant 1 : i32
      %dma_wait3A_743 = arith.constant 0 : i32
      %dma_wait3A_744 = arith.constant 0 : i32
      %dma_wait3A_745 = tpu.memref_slice %arg7[%dma_wait3A_742, %dma_wait3A_743, %dma_wait3A_744] : memref<2x128x128xf32, #tpu.memory_space<vmem>> -> memref<1x64x128xf32, #tpu.memory_space<vmem>>
      %dma_wait3A_746 = tpu.memref_squeeze %dma_wait3A_745 : memref<1x64x128xf32, #tpu.memory_space<vmem>> -> memref<64x128xf32, #tpu.memory_space<vmem>>
      %dma_wait3A_747 = arith.constant 0 : i32
      %dma_wait3A_748 = tpu.memref_slice %arg8[%dma_wait3A_740, %dma_wait3A_741, %dma_wait3A_747] : memref<2x8x128xi32, #tpu.memory_space<vmem>> -> memref<1x1x64xi32, #tpu.memory_space<vmem>>
      %dma_wait3A_749 = tpu.memref_squeeze %dma_wait3A_748 : memref<1x1x64xi32, #tpu.memory_space<vmem>> -> memref<64xi32, #tpu.memory_space<vmem>>
      %dma_wait3A_750 = arith.constant 0 : i32
      %dma_wait3A_751 = arith.constant 0 : i32
      %dma_wait3A_752 = tpu.memref_slice %arg2[%dma_wait3A_750, %dma_wait3A_751] : memref<10000x128xf32, #tpu.memory_space<hbm>> -> memref<10000x128xf32, #tpu.memory_space<hbm>>
      tpu.wait_indirect_dma semaphore(%arg11 : memref<!tpu.dma_semaphore, #tpu.memory_space<semaphore_mem>>) src(%dma_wait3A_752 : memref<10000x128xf32, #tpu.memory_space<hbm>>) dst(%dma_wait3A_746 : memref<64x128xf32, #tpu.memory_space<vmem>>)
      %dma_wait3A_753 = arith.constant 0 : i32
      %dma_wait3A_754 = arith.constant 5 : i32
      %dma_wait3A_755 = arith.constant 1 : i32
      %dma_wait3A_756 = arith.constant 64 : i32
      %dma_wait3A_757 = arith.constant 0 : i32
      %dma_wait3A_758 = tpu.memref_slice %arg7[%dma_wait3A_755, %dma_wait3A_756, %dma_wait3A_757] : memref<2x128x128xf32, #tpu.memory_space<vmem>> -> memref<1x64x128xf32, #tpu.memory_space<vmem>>
      %dma_wait3A_759 = tpu.memref_squeeze %dma_wait3A_758 : memref<1x64x128xf32, #tpu.memory_space<vmem>> -> memref<64x128xf32, #tpu.memory_space<vmem>>
      %dma_wait3A_760 = arith.constant 64 : i32
      %dma_wait3A_761 = tpu.memref_slice %arg8[%dma_wait3A_753, %dma_wait3A_754, %dma_wait3A_760] : memref<2x8x128xi32, #tpu.memory_space<vmem>> -> memref<1x1x64xi32, #tpu.memory_space<vmem>>
      %dma_wait3A_762 = tpu.memref_squeeze %dma_wait3A_761 : memref<1x1x64xi32, #tpu.memory_space<vmem>> -> memref<64xi32, #tpu.memory_space<vmem>>
      %dma_wait3A_763 = arith.constant 0 : i32
      %dma_wait3A_764 = arith.constant 0 : i32
      %dma_wait3A_765 = tpu.memref_slice %arg2[%dma_wait3A_763, %dma_wait3A_764] : memref<10000x128xf32, #tpu.memory_space<hbm>> -> memref<10000x128xf32, #tpu.memory_space<hbm>>
      tpu.wait_indirect_dma semaphore(%arg11 : memref<!tpu.dma_semaphore, #tpu.memory_space<semaphore_mem>>) src(%dma_wait3A_765 : memref<10000x128xf32, #tpu.memory_space<hbm>>) dst(%dma_wait3A_759 : memref<64x128xf32, #tpu.memory_space<vmem>>)
      %dma_start3A_766 = arith.constant 1 : i32
      %dma_start3A_767 = arith.constant 0 : i32
      %dma_start3A_768 = arith.constant 5 : i32
      %dma_start3A_769 = arith.constant 0 : i32
      %dma_start3A_770 = arith.constant 0 : i32
      %dma_start3A_771 = tpu.memref_slice %arg7[%dma_start3A_766, %dma_start3A_769, %dma_start3A_770] : memref<2x128x128xf32, #tpu.memory_space<vmem>> -> memref<1x128x128xf32, #tpu.memory_space<vmem>>
      %dma_start3A_772 = tpu.memref_squeeze %dma_start3A_771 : memref<1x128x128xf32, #tpu.memory_space<vmem>> -> memref<128x128xf32, #tpu.memory_space<vmem>>
      %dma_start3A_773 = arith.constant 0 : i32
      %dma_start3A_774 = tpu.memref_slice %arg9[%dma_start3A_767, %dma_start3A_768, %dma_start3A_773] : memref<2x8x128xi32, #tpu.memory_space<vmem>> -> memref<1x1x128xi32, #tpu.memory_space<vmem>>
      %dma_start3A_775 = tpu.memref_squeeze %dma_start3A_774 : memref<1x1x128xi32, #tpu.memory_space<vmem>> -> memref<128xi32, #tpu.memory_space<vmem>>
      %dma_start3A_776 = arith.constant 0 : i32
      %dma_start3A_777 = arith.constant 0 : i32
      %dma_start3A_778 = tpu.memref_slice %arg10[%dma_start3A_776, %dma_start3A_777] : memref<10240x128xf32, #tpu.memory_space<vmem_shared>> -> memref<10240x128xf32, #tpu.memory_space<vmem_shared>>
      tpu.enqueue_indirect_dma source(%dma_start3A_772 : memref<128x128xf32, #tpu.memory_space<vmem>>) target(%dma_start3A_778 : memref<10240x128xf32, #tpu.memory_space<vmem_shared>>) offsets(%dma_start3A_775 : memref<128xi32, #tpu.memory_space<vmem>>) semaphore(%arg12 : memref<!tpu.dma_semaphore, #tpu.memory_space<semaphore_mem>>) {add = true}
      %dma_wait3A_779 = arith.constant 1 : i32
      %dma_wait3A_780 = arith.constant 0 : i32
      %dma_wait3A_781 = arith.constant 5 : i32
      %dma_wait3A_782 = arith.constant 0 : i32
      %dma_wait3A_783 = arith.constant 0 : i32
      %dma_wait3A_784 = tpu.memref_slice %arg7[%dma_wait3A_779, %dma_wait3A_782, %dma_wait3A_783] : memref<2x128x128xf32, #tpu.memory_space<vmem>> -> memref<1x128x128xf32, #tpu.memory_space<vmem>>
      %dma_wait3A_785 = tpu.memref_squeeze %dma_wait3A_784 : memref<1x128x128xf32, #tpu.memory_space<vmem>> -> memref<128x128xf32, #tpu.memory_space<vmem>>
      %dma_wait3A_786 = arith.constant 0 : i32
      %dma_wait3A_787 = tpu.memref_slice %arg9[%dma_wait3A_780, %dma_wait3A_781, %dma_wait3A_786] : memref<2x8x128xi32, #tpu.memory_space<vmem>> -> memref<1x1x128xi32, #tpu.memory_space<vmem>>
      %dma_wait3A_788 = tpu.memref_squeeze %dma_wait3A_787 : memref<1x1x128xi32, #tpu.memory_space<vmem>> -> memref<128xi32, #tpu.memory_space<vmem>>
      %dma_wait3A_789 = arith.constant 0 : i32
      %dma_wait3A_790 = arith.constant 0 : i32
      %dma_wait3A_791 = tpu.memref_slice %arg10[%dma_wait3A_789, %dma_wait3A_790] : memref<10240x128xf32, #tpu.memory_space<vmem_shared>> -> memref<10240x128xf32, #tpu.memory_space<vmem_shared>>
      tpu.wait_indirect_dma semaphore(%arg12 : memref<!tpu.dma_semaphore, #tpu.memory_space<semaphore_mem>>) src(%dma_wait3A_785 : memref<128x128xf32, #tpu.memory_space<vmem>>) dst(%dma_wait3A_791 : memref<10240x128xf32, #tpu.memory_space<vmem_shared>>)
      %dma_start3A_792 = arith.constant 0 : i32
      %dma_start3A_793 = arith.constant 7 : i32
      %dma_start3A_794 = arith.constant 1 : i32
      %dma_start3A_795 = arith.constant 0 : i32
      %dma_start3A_796 = arith.constant 0 : i32
      %dma_start3A_797 = tpu.memref_slice %arg7[%dma_start3A_794, %dma_start3A_795, %dma_start3A_796] : memref<2x128x128xf32, #tpu.memory_space<vmem>> -> memref<1x64x128xf32, #tpu.memory_space<vmem>>
      %dma_start3A_798 = tpu.memref_squeeze %dma_start3A_797 : memref<1x64x128xf32, #tpu.memory_space<vmem>> -> memref<64x128xf32, #tpu.memory_space<vmem>>
      %dma_start3A_799 = arith.constant 0 : i32
      %dma_start3A_800 = tpu.memref_slice %arg8[%dma_start3A_792, %dma_start3A_793, %dma_start3A_799] : memref<2x8x128xi32, #tpu.memory_space<vmem>> -> memref<1x1x64xi32, #tpu.memory_space<vmem>>
      %dma_start3A_801 = tpu.memref_squeeze %dma_start3A_800 : memref<1x1x64xi32, #tpu.memory_space<vmem>> -> memref<64xi32, #tpu.memory_space<vmem>>
      %dma_start3A_802 = arith.constant 0 : i32
      %dma_start3A_803 = arith.constant 0 : i32
      %dma_start3A_804 = tpu.memref_slice %arg2[%dma_start3A_802, %dma_start3A_803] : memref<10000x128xf32, #tpu.memory_space<hbm>> -> memref<10000x128xf32, #tpu.memory_space<hbm>>
      tpu.enqueue_indirect_dma source(%dma_start3A_804 : memref<10000x128xf32, #tpu.memory_space<hbm>>) target(%dma_start3A_798 : memref<64x128xf32, #tpu.memory_space<vmem>>) offsets(%dma_start3A_801 : memref<64xi32, #tpu.memory_space<vmem>>) semaphore(%arg11 : memref<!tpu.dma_semaphore, #tpu.memory_space<semaphore_mem>>)
      %dma_start3A_805 = arith.constant 0 : i32
      %dma_start3A_806 = arith.constant 7 : i32
      %dma_start3A_807 = arith.constant 1 : i32
      %dma_start3A_808 = arith.constant 64 : i32
      %dma_start3A_809 = arith.constant 0 : i32
      %dma_start3A_810 = tpu.memref_slice %arg7[%dma_start3A_807, %dma_start3A_808, %dma_start3A_809] : memref<2x128x128xf32, #tpu.memory_space<vmem>> -> memref<1x64x128xf32, #tpu.memory_space<vmem>>
      %dma_start3A_811 = tpu.memref_squeeze %dma_start3A_810 : memref<1x64x128xf32, #tpu.memory_space<vmem>> -> memref<64x128xf32, #tpu.memory_space<vmem>>
      %dma_start3A_812 = arith.constant 64 : i32
      %dma_start3A_813 = tpu.memref_slice %arg8[%dma_start3A_805, %dma_start3A_806, %dma_start3A_812] : memref<2x8x128xi32, #tpu.memory_space<vmem>> -> memref<1x1x64xi32, #tpu.memory_space<vmem>>
      %dma_start3A_814 = tpu.memref_squeeze %dma_start3A_813 : memref<1x1x64xi32, #tpu.memory_space<vmem>> -> memref<64xi32, #tpu.memory_space<vmem>>
      %dma_start3A_815 = arith.constant 0 : i32
      %dma_start3A_816 = arith.constant 0 : i32
      %dma_start3A_817 = tpu.memref_slice %arg2[%dma_start3A_815, %dma_start3A_816] : memref<10000x128xf32, #tpu.memory_space<hbm>> -> memref<10000x128xf32, #tpu.memory_space<hbm>>
      tpu.enqueue_indirect_dma source(%dma_start3A_817 : memref<10000x128xf32, #tpu.memory_space<hbm>>) target(%dma_start3A_811 : memref<64x128xf32, #tpu.memory_space<vmem>>) offsets(%dma_start3A_814 : memref<64xi32, #tpu.memory_space<vmem>>) semaphore(%arg11 : memref<!tpu.dma_semaphore, #tpu.memory_space<semaphore_mem>>)
      %dma_wait3A_818 = arith.constant 0 : i32
      %dma_wait3A_819 = arith.constant 6 : i32
      %dma_wait3A_820 = arith.constant 0 : i32
      %dma_wait3A_821 = arith.constant 0 : i32
      %dma_wait3A_822 = arith.constant 0 : i32
      %dma_wait3A_823 = tpu.memref_slice %arg7[%dma_wait3A_820, %dma_wait3A_821, %dma_wait3A_822] : memref<2x128x128xf32, #tpu.memory_space<vmem>> -> memref<1x64x128xf32, #tpu.memory_space<vmem>>
      %dma_wait3A_824 = tpu.memref_squeeze %dma_wait3A_823 : memref<1x64x128xf32, #tpu.memory_space<vmem>> -> memref<64x128xf32, #tpu.memory_space<vmem>>
      %dma_wait3A_825 = arith.constant 0 : i32
      %dma_wait3A_826 = tpu.memref_slice %arg8[%dma_wait3A_818, %dma_wait3A_819, %dma_wait3A_825] : memref<2x8x128xi32, #tpu.memory_space<vmem>> -> memref<1x1x64xi32, #tpu.memory_space<vmem>>
      %dma_wait3A_827 = tpu.memref_squeeze %dma_wait3A_826 : memref<1x1x64xi32, #tpu.memory_space<vmem>> -> memref<64xi32, #tpu.memory_space<vmem>>
      %dma_wait3A_828 = arith.constant 0 : i32
      %dma_wait3A_829 = arith.constant 0 : i32
      %dma_wait3A_830 = tpu.memref_slice %arg2[%dma_wait3A_828, %dma_wait3A_829] : memref<10000x128xf32, #tpu.memory_space<hbm>> -> memref<10000x128xf32, #tpu.memory_space<hbm>>
      tpu.wait_indirect_dma semaphore(%arg11 : memref<!tpu.dma_semaphore, #tpu.memory_space<semaphore_mem>>) src(%dma_wait3A_830 : memref<10000x128xf32, #tpu.memory_space<hbm>>) dst(%dma_wait3A_824 : memref<64x128xf32, #tpu.memory_space<vmem>>)
      %dma_wait3A_831 = arith.constant 0 : i32
      %dma_wait3A_832 = arith.constant 6 : i32
      %dma_wait3A_833 = arith.constant 0 : i32
      %dma_wait3A_834 = arith.constant 64 : i32
      %dma_wait3A_835 = arith.constant 0 : i32
      %dma_wait3A_836 = tpu.memref_slice %arg7[%dma_wait3A_833, %dma_wait3A_834, %dma_wait3A_835] : memref<2x128x128xf32, #tpu.memory_space<vmem>> -> memref<1x64x128xf32, #tpu.memory_space<vmem>>
      %dma_wait3A_837 = tpu.memref_squeeze %dma_wait3A_836 : memref<1x64x128xf32, #tpu.memory_space<vmem>> -> memref<64x128xf32, #tpu.memory_space<vmem>>
      %dma_wait3A_838 = arith.constant 64 : i32
      %dma_wait3A_839 = tpu.memref_slice %arg8[%dma_wait3A_831, %dma_wait3A_832, %dma_wait3A_838] : memref<2x8x128xi32, #tpu.memory_space<vmem>> -> memref<1x1x64xi32, #tpu.memory_space<vmem>>
      %dma_wait3A_840 = tpu.memref_squeeze %dma_wait3A_839 : memref<1x1x64xi32, #tpu.memory_space<vmem>> -> memref<64xi32, #tpu.memory_space<vmem>>
      %dma_wait3A_841 = arith.constant 0 : i32
      %dma_wait3A_842 = arith.constant 0 : i32
      %dma_wait3A_843 = tpu.memref_slice %arg2[%dma_wait3A_841, %dma_wait3A_842] : memref<10000x128xf32, #tpu.memory_space<hbm>> -> memref<10000x128xf32, #tpu.memory_space<hbm>>
      tpu.wait_indirect_dma semaphore(%arg11 : memref<!tpu.dma_semaphore, #tpu.memory_space<semaphore_mem>>) src(%dma_wait3A_843 : memref<10000x128xf32, #tpu.memory_space<hbm>>) dst(%dma_wait3A_837 : memref<64x128xf32, #tpu.memory_space<vmem>>)
      %dma_start3A_844 = arith.constant 0 : i32
      %dma_start3A_845 = arith.constant 0 : i32
      %dma_start3A_846 = arith.constant 6 : i32
      %dma_start3A_847 = arith.constant 0 : i32
      %dma_start3A_848 = arith.constant 0 : i32
      %dma_start3A_849 = tpu.memref_slice %arg7[%dma_start3A_844, %dma_start3A_847, %dma_start3A_848] : memref<2x128x128xf32, #tpu.memory_space<vmem>> -> memref<1x128x128xf32, #tpu.memory_space<vmem>>
      %dma_start3A_850 = tpu.memref_squeeze %dma_start3A_849 : memref<1x128x128xf32, #tpu.memory_space<vmem>> -> memref<128x128xf32, #tpu.memory_space<vmem>>
      %dma_start3A_851 = arith.constant 0 : i32
      %dma_start3A_852 = tpu.memref_slice %arg9[%dma_start3A_845, %dma_start3A_846, %dma_start3A_851] : memref<2x8x128xi32, #tpu.memory_space<vmem>> -> memref<1x1x128xi32, #tpu.memory_space<vmem>>
      %dma_start3A_853 = tpu.memref_squeeze %dma_start3A_852 : memref<1x1x128xi32, #tpu.memory_space<vmem>> -> memref<128xi32, #tpu.memory_space<vmem>>
      %dma_start3A_854 = arith.constant 0 : i32
      %dma_start3A_855 = arith.constant 0 : i32
      %dma_start3A_856 = tpu.memref_slice %arg10[%dma_start3A_854, %dma_start3A_855] : memref<10240x128xf32, #tpu.memory_space<vmem_shared>> -> memref<10240x128xf32, #tpu.memory_space<vmem_shared>>
      tpu.enqueue_indirect_dma source(%dma_start3A_850 : memref<128x128xf32, #tpu.memory_space<vmem>>) target(%dma_start3A_856 : memref<10240x128xf32, #tpu.memory_space<vmem_shared>>) offsets(%dma_start3A_853 : memref<128xi32, #tpu.memory_space<vmem>>) semaphore(%arg12 : memref<!tpu.dma_semaphore, #tpu.memory_space<semaphore_mem>>) {add = true}
      %dma_wait3A_857 = arith.constant 0 : i32
      %dma_wait3A_858 = arith.constant 0 : i32
      %dma_wait3A_859 = arith.constant 6 : i32
      %dma_wait3A_860 = arith.constant 0 : i32
      %dma_wait3A_861 = arith.constant 0 : i32
      %dma_wait3A_862 = tpu.memref_slice %arg7[%dma_wait3A_857, %dma_wait3A_860, %dma_wait3A_861] : memref<2x128x128xf32, #tpu.memory_space<vmem>> -> memref<1x128x128xf32, #tpu.memory_space<vmem>>
      %dma_wait3A_863 = tpu.memref_squeeze %dma_wait3A_862 : memref<1x128x128xf32, #tpu.memory_space<vmem>> -> memref<128x128xf32, #tpu.memory_space<vmem>>
      %dma_wait3A_864 = arith.constant 0 : i32
      %dma_wait3A_865 = tpu.memref_slice %arg9[%dma_wait3A_858, %dma_wait3A_859, %dma_wait3A_864] : memref<2x8x128xi32, #tpu.memory_space<vmem>> -> memref<1x1x128xi32, #tpu.memory_space<vmem>>
      %dma_wait3A_866 = tpu.memref_squeeze %dma_wait3A_865 : memref<1x1x128xi32, #tpu.memory_space<vmem>> -> memref<128xi32, #tpu.memory_space<vmem>>
      %dma_wait3A_867 = arith.constant 0 : i32
      %dma_wait3A_868 = arith.constant 0 : i32
      %dma_wait3A_869 = tpu.memref_slice %arg10[%dma_wait3A_867, %dma_wait3A_868] : memref<10240x128xf32, #tpu.memory_space<vmem_shared>> -> memref<10240x128xf32, #tpu.memory_space<vmem_shared>>
      tpu.wait_indirect_dma semaphore(%arg12 : memref<!tpu.dma_semaphore, #tpu.memory_space<semaphore_mem>>) src(%dma_wait3A_863 : memref<128x128xf32, #tpu.memory_space<vmem>>) dst(%dma_wait3A_869 : memref<10240x128xf32, #tpu.memory_space<vmem_shared>>)
      %dma_start3A_870 = arith.constant 1 : i32
      %dma_start3A_871 = arith.constant 0 : i32
      %dma_start3A_872 = arith.constant 0 : i32
      %dma_start3A_873 = arith.constant 0 : i32
      %dma_start3A_874 = arith.constant 0 : i32
      %dma_start3A_875 = tpu.memref_slice %arg7[%dma_start3A_872, %dma_start3A_873, %dma_start3A_874] : memref<2x128x128xf32, #tpu.memory_space<vmem>> -> memref<1x64x128xf32, #tpu.memory_space<vmem>>
      %dma_start3A_876 = tpu.memref_squeeze %dma_start3A_875 : memref<1x64x128xf32, #tpu.memory_space<vmem>> -> memref<64x128xf32, #tpu.memory_space<vmem>>
      %dma_start3A_877 = arith.constant 0 : i32
      %dma_start3A_878 = tpu.memref_slice %arg8[%dma_start3A_870, %dma_start3A_871, %dma_start3A_877] : memref<2x8x128xi32, #tpu.memory_space<vmem>> -> memref<1x1x64xi32, #tpu.memory_space<vmem>>
      %dma_start3A_879 = tpu.memref_squeeze %dma_start3A_878 : memref<1x1x64xi32, #tpu.memory_space<vmem>> -> memref<64xi32, #tpu.memory_space<vmem>>
      %dma_start3A_880 = arith.constant 0 : i32
      %dma_start3A_881 = arith.constant 0 : i32
      %dma_start3A_882 = tpu.memref_slice %arg2[%dma_start3A_880, %dma_start3A_881] : memref<10000x128xf32, #tpu.memory_space<hbm>> -> memref<10000x128xf32, #tpu.memory_space<hbm>>
      tpu.enqueue_indirect_dma source(%dma_start3A_882 : memref<10000x128xf32, #tpu.memory_space<hbm>>) target(%dma_start3A_876 : memref<64x128xf32, #tpu.memory_space<vmem>>) offsets(%dma_start3A_879 : memref<64xi32, #tpu.memory_space<vmem>>) semaphore(%arg11 : memref<!tpu.dma_semaphore, #tpu.memory_space<semaphore_mem>>)
      %dma_start3A_883 = arith.constant 1 : i32
      %dma_start3A_884 = arith.constant 0 : i32
      %dma_start3A_885 = arith.constant 0 : i32
      %dma_start3A_886 = arith.constant 64 : i32
      %dma_start3A_887 = arith.constant 0 : i32
      %dma_start3A_888 = tpu.memref_slice %arg7[%dma_start3A_885, %dma_start3A_886, %dma_start3A_887] : memref<2x128x128xf32, #tpu.memory_space<vmem>> -> memref<1x64x128xf32, #tpu.memory_space<vmem>>
      %dma_start3A_889 = tpu.memref_squeeze %dma_start3A_888 : memref<1x64x128xf32, #tpu.memory_space<vmem>> -> memref<64x128xf32, #tpu.memory_space<vmem>>
      %dma_start3A_890 = arith.constant 64 : i32
      %dma_start3A_891 = tpu.memref_slice %arg8[%dma_start3A_883, %dma_start3A_884, %dma_start3A_890] : memref<2x8x128xi32, #tpu.memory_space<vmem>> -> memref<1x1x64xi32, #tpu.memory_space<vmem>>
      %dma_start3A_892 = tpu.memref_squeeze %dma_start3A_891 : memref<1x1x64xi32, #tpu.memory_space<vmem>> -> memref<64xi32, #tpu.memory_space<vmem>>
      %dma_start3A_893 = arith.constant 0 : i32
      %dma_start3A_894 = arith.constant 0 : i32
      %dma_start3A_895 = tpu.memref_slice %arg2[%dma_start3A_893, %dma_start3A_894] : memref<10000x128xf32, #tpu.memory_space<hbm>> -> memref<10000x128xf32, #tpu.memory_space<hbm>>
      tpu.enqueue_indirect_dma source(%dma_start3A_895 : memref<10000x128xf32, #tpu.memory_space<hbm>>) target(%dma_start3A_889 : memref<64x128xf32, #tpu.memory_space<vmem>>) offsets(%dma_start3A_892 : memref<64xi32, #tpu.memory_space<vmem>>) semaphore(%arg11 : memref<!tpu.dma_semaphore, #tpu.memory_space<semaphore_mem>>)
      %dma_wait3A_896 = arith.constant 0 : i32
      %dma_wait3A_897 = arith.constant 7 : i32
      %dma_wait3A_898 = arith.constant 1 : i32
      %dma_wait3A_899 = arith.constant 0 : i32
      %dma_wait3A_900 = arith.constant 0 : i32
      %dma_wait3A_901 = tpu.memref_slice %arg7[%dma_wait3A_898, %dma_wait3A_899, %dma_wait3A_900] : memref<2x128x128xf32, #tpu.memory_space<vmem>> -> memref<1x64x128xf32, #tpu.memory_space<vmem>>
      %dma_wait3A_902 = tpu.memref_squeeze %dma_wait3A_901 : memref<1x64x128xf32, #tpu.memory_space<vmem>> -> memref<64x128xf32, #tpu.memory_space<vmem>>
      %dma_wait3A_903 = arith.constant 0 : i32
      %dma_wait3A_904 = tpu.memref_slice %arg8[%dma_wait3A_896, %dma_wait3A_897, %dma_wait3A_903] : memref<2x8x128xi32, #tpu.memory_space<vmem>> -> memref<1x1x64xi32, #tpu.memory_space<vmem>>
      %dma_wait3A_905 = tpu.memref_squeeze %dma_wait3A_904 : memref<1x1x64xi32, #tpu.memory_space<vmem>> -> memref<64xi32, #tpu.memory_space<vmem>>
      %dma_wait3A_906 = arith.constant 0 : i32
      %dma_wait3A_907 = arith.constant 0 : i32
      %dma_wait3A_908 = tpu.memref_slice %arg2[%dma_wait3A_906, %dma_wait3A_907] : memref<10000x128xf32, #tpu.memory_space<hbm>> -> memref<10000x128xf32, #tpu.memory_space<hbm>>
      tpu.wait_indirect_dma semaphore(%arg11 : memref<!tpu.dma_semaphore, #tpu.memory_space<semaphore_mem>>) src(%dma_wait3A_908 : memref<10000x128xf32, #tpu.memory_space<hbm>>) dst(%dma_wait3A_902 : memref<64x128xf32, #tpu.memory_space<vmem>>)
      %dma_wait3A_909 = arith.constant 0 : i32
      %dma_wait3A_910 = arith.constant 7 : i32
      %dma_wait3A_911 = arith.constant 1 : i32
      %dma_wait3A_912 = arith.constant 64 : i32
      %dma_wait3A_913 = arith.constant 0 : i32
      %dma_wait3A_914 = tpu.memref_slice %arg7[%dma_wait3A_911, %dma_wait3A_912, %dma_wait3A_913] : memref<2x128x128xf32, #tpu.memory_space<vmem>> -> memref<1x64x128xf32, #tpu.memory_space<vmem>>
      %dma_wait3A_915 = tpu.memref_squeeze %dma_wait3A_914 : memref<1x64x128xf32, #tpu.memory_space<vmem>> -> memref<64x128xf32, #tpu.memory_space<vmem>>
      %dma_wait3A_916 = arith.constant 64 : i32
      %dma_wait3A_917 = tpu.memref_slice %arg8[%dma_wait3A_909, %dma_wait3A_910, %dma_wait3A_916] : memref<2x8x128xi32, #tpu.memory_space<vmem>> -> memref<1x1x64xi32, #tpu.memory_space<vmem>>
      %dma_wait3A_918 = tpu.memref_squeeze %dma_wait3A_917 : memref<1x1x64xi32, #tpu.memory_space<vmem>> -> memref<64xi32, #tpu.memory_space<vmem>>
      %dma_wait3A_919 = arith.constant 0 : i32
      %dma_wait3A_920 = arith.constant 0 : i32
      %dma_wait3A_921 = tpu.memref_slice %arg2[%dma_wait3A_919, %dma_wait3A_920] : memref<10000x128xf32, #tpu.memory_space<hbm>> -> memref<10000x128xf32, #tpu.memory_space<hbm>>
      tpu.wait_indirect_dma semaphore(%arg11 : memref<!tpu.dma_semaphore, #tpu.memory_space<semaphore_mem>>) src(%dma_wait3A_921 : memref<10000x128xf32, #tpu.memory_space<hbm>>) dst(%dma_wait3A_915 : memref<64x128xf32, #tpu.memory_space<vmem>>)
      %dma_start3A_922 = arith.constant 1 : i32
      %dma_start3A_923 = arith.constant 0 : i32
      %dma_start3A_924 = arith.constant 7 : i32
      %dma_start3A_925 = arith.constant 0 : i32
      %dma_start3A_926 = arith.constant 0 : i32
      %dma_start3A_927 = tpu.memref_slice %arg7[%dma_start3A_922, %dma_start3A_925, %dma_start3A_926] : memref<2x128x128xf32, #tpu.memory_space<vmem>> -> memref<1x128x128xf32, #tpu.memory_space<vmem>>
      %dma_start3A_928 = tpu.memref_squeeze %dma_start3A_927 : memref<1x128x128xf32, #tpu.memory_space<vmem>> -> memref<128x128xf32, #tpu.memory_space<vmem>>
      %dma_start3A_929 = arith.constant 0 : i32
      %dma_start3A_930 = tpu.memref_slice %arg9[%dma_start3A_923, %dma_start3A_924, %dma_start3A_929] : memref<2x8x128xi32, #tpu.memory_space<vmem>> -> memref<1x1x128xi32, #tpu.memory_space<vmem>>
      %dma_start3A_931 = tpu.memref_squeeze %dma_start3A_930 : memref<1x1x128xi32, #tpu.memory_space<vmem>> -> memref<128xi32, #tpu.memory_space<vmem>>
      %dma_start3A_932 = arith.constant 0 : i32
      %dma_start3A_933 = arith.constant 0 : i32
      %dma_start3A_934 = tpu.memref_slice %arg10[%dma_start3A_932, %dma_start3A_933] : memref<10240x128xf32, #tpu.memory_space<vmem_shared>> -> memref<10240x128xf32, #tpu.memory_space<vmem_shared>>
      tpu.enqueue_indirect_dma source(%dma_start3A_928 : memref<128x128xf32, #tpu.memory_space<vmem>>) target(%dma_start3A_934 : memref<10240x128xf32, #tpu.memory_space<vmem_shared>>) offsets(%dma_start3A_931 : memref<128xi32, #tpu.memory_space<vmem>>) semaphore(%arg12 : memref<!tpu.dma_semaphore, #tpu.memory_space<semaphore_mem>>) {add = true}
      %dma_wait3A_935 = arith.constant 1 : i32
      %dma_wait3A_936 = arith.constant 0 : i32
      %dma_wait3A_937 = arith.constant 7 : i32
      %dma_wait3A_938 = arith.constant 0 : i32
      %dma_wait3A_939 = arith.constant 0 : i32
      %dma_wait3A_940 = tpu.memref_slice %arg7[%dma_wait3A_935, %dma_wait3A_938, %dma_wait3A_939] : memref<2x128x128xf32, #tpu.memory_space<vmem>> -> memref<1x128x128xf32, #tpu.memory_space<vmem>>
      %dma_wait3A_941 = tpu.memref_squeeze %dma_wait3A_940 : memref<1x128x128xf32, #tpu.memory_space<vmem>> -> memref<128x128xf32, #tpu.memory_space<vmem>>
      %dma_wait3A_942 = arith.constant 0 : i32
      %dma_wait3A_943 = tpu.memref_slice %arg9[%dma_wait3A_936, %dma_wait3A_937, %dma_wait3A_942] : memref<2x8x128xi32, #tpu.memory_space<vmem>> -> memref<1x1x128xi32, #tpu.memory_space<vmem>>
      %dma_wait3A_944 = tpu.memref_squeeze %dma_wait3A_943 : memref<1x1x128xi32, #tpu.memory_space<vmem>> -> memref<128xi32, #tpu.memory_space<vmem>>
      %dma_wait3A_945 = arith.constant 0 : i32
      %dma_wait3A_946 = arith.constant 0 : i32
      %dma_wait3A_947 = tpu.memref_slice %arg10[%dma_wait3A_945, %dma_wait3A_946] : memref<10240x128xf32, #tpu.memory_space<vmem_shared>> -> memref<10240x128xf32, #tpu.memory_space<vmem_shared>>
      tpu.wait_indirect_dma semaphore(%arg12 : memref<!tpu.dma_semaphore, #tpu.memory_space<semaphore_mem>>) src(%dma_wait3A_941 : memref<128x128xf32, #tpu.memory_space<vmem>>) dst(%dma_wait3A_947 : memref<10240x128xf32, #tpu.memory_space<vmem_shared>>)
      %dma_start3A_948 = arith.constant 1 : i32
      %dma_start3A_949 = arith.constant 1 : i32
      %dma_start3A_950 = arith.constant 1 : i32
      %dma_start3A_951 = arith.constant 0 : i32
      %dma_start3A_952 = arith.constant 0 : i32
      %dma_start3A_953 = tpu.memref_slice %arg7[%dma_start3A_950, %dma_start3A_951, %dma_start3A_952] : memref<2x128x128xf32, #tpu.memory_space<vmem>> -> memref<1x64x128xf32, #tpu.memory_space<vmem>>
      %dma_start3A_954 = tpu.memref_squeeze %dma_start3A_953 : memref<1x64x128xf32, #tpu.memory_space<vmem>> -> memref<64x128xf32, #tpu.memory_space<vmem>>
      %dma_start3A_955 = arith.constant 0 : i32
      %dma_start3A_956 = tpu.memref_slice %arg8[%dma_start3A_948, %dma_start3A_949, %dma_start3A_955] : memref<2x8x128xi32, #tpu.memory_space<vmem>> -> memref<1x1x64xi32, #tpu.memory_space<vmem>>
      %dma_start3A_957 = tpu.memref_squeeze %dma_start3A_956 : memref<1x1x64xi32, #tpu.memory_space<vmem>> -> memref<64xi32, #tpu.memory_space<vmem>>
      %dma_start3A_958 = arith.constant 0 : i32
      %dma_start3A_959 = arith.constant 0 : i32
      %dma_start3A_960 = tpu.memref_slice %arg2[%dma_start3A_958, %dma_start3A_959] : memref<10000x128xf32, #tpu.memory_space<hbm>> -> memref<10000x128xf32, #tpu.memory_space<hbm>>
      tpu.enqueue_indirect_dma source(%dma_start3A_960 : memref<10000x128xf32, #tpu.memory_space<hbm>>) target(%dma_start3A_954 : memref<64x128xf32, #tpu.memory_space<vmem>>) offsets(%dma_start3A_957 : memref<64xi32, #tpu.memory_space<vmem>>) semaphore(%arg11 : memref<!tpu.dma_semaphore, #tpu.memory_space<semaphore_mem>>)
      %dma_start3A_961 = arith.constant 1 : i32
      %dma_start3A_962 = arith.constant 1 : i32
      %dma_start3A_963 = arith.constant 1 : i32
      %dma_start3A_964 = arith.constant 64 : i32
      %dma_start3A_965 = arith.constant 0 : i32
      %dma_start3A_966 = tpu.memref_slice %arg7[%dma_start3A_963, %dma_start3A_964, %dma_start3A_965] : memref<2x128x128xf32, #tpu.memory_space<vmem>> -> memref<1x64x128xf32, #tpu.memory_space<vmem>>
      %dma_start3A_967 = tpu.memref_squeeze %dma_start3A_966 : memref<1x64x128xf32, #tpu.memory_space<vmem>> -> memref<64x128xf32, #tpu.memory_space<vmem>>
      %dma_start3A_968 = arith.constant 64 : i32
      %dma_start3A_969 = tpu.memref_slice %arg8[%dma_start3A_961, %dma_start3A_962, %dma_start3A_968] : memref<2x8x128xi32, #tpu.memory_space<vmem>> -> memref<1x1x64xi32, #tpu.memory_space<vmem>>
      %dma_start3A_970 = tpu.memref_squeeze %dma_start3A_969 : memref<1x1x64xi32, #tpu.memory_space<vmem>> -> memref<64xi32, #tpu.memory_space<vmem>>
      %dma_start3A_971 = arith.constant 0 : i32
      %dma_start3A_972 = arith.constant 0 : i32
      %dma_start3A_973 = tpu.memref_slice %arg2[%dma_start3A_971, %dma_start3A_972] : memref<10000x128xf32, #tpu.memory_space<hbm>> -> memref<10000x128xf32, #tpu.memory_space<hbm>>
      tpu.enqueue_indirect_dma source(%dma_start3A_973 : memref<10000x128xf32, #tpu.memory_space<hbm>>) target(%dma_start3A_967 : memref<64x128xf32, #tpu.memory_space<vmem>>) offsets(%dma_start3A_970 : memref<64xi32, #tpu.memory_space<vmem>>) semaphore(%arg11 : memref<!tpu.dma_semaphore, #tpu.memory_space<semaphore_mem>>)
      %dma_wait3A_974 = arith.constant 1 : i32
      %dma_wait3A_975 = arith.constant 0 : i32
      %dma_wait3A_976 = arith.constant 0 : i32
      %dma_wait3A_977 = arith.constant 0 : i32
      %dma_wait3A_978 = arith.constant 0 : i32
      %dma_wait3A_979 = tpu.memref_slice %arg7[%dma_wait3A_976, %dma_wait3A_977, %dma_wait3A_978] : memref<2x128x128xf32, #tpu.memory_space<vmem>> -> memref<1x64x128xf32, #tpu.memory_space<vmem>>
      %dma_wait3A_980 = tpu.memref_squeeze %dma_wait3A_979 : memref<1x64x128xf32, #tpu.memory_space<vmem>> -> memref<64x128xf32, #tpu.memory_space<vmem>>
      %dma_wait3A_981 = arith.constant 0 : i32
      %dma_wait3A_982 = tpu.memref_slice %arg8[%dma_wait3A_974, %dma_wait3A_975, %dma_wait3A_981] : memref<2x8x128xi32, #tpu.memory_space<vmem>> -> memref<1x1x64xi32, #tpu.memory_space<vmem>>
      %dma_wait3A_983 = tpu.memref_squeeze %dma_wait3A_982 : memref<1x1x64xi32, #tpu.memory_space<vmem>> -> memref<64xi32, #tpu.memory_space<vmem>>
      %dma_wait3A_984 = arith.constant 0 : i32
      %dma_wait3A_985 = arith.constant 0 : i32
      %dma_wait3A_986 = tpu.memref_slice %arg2[%dma_wait3A_984, %dma_wait3A_985] : memref<10000x128xf32, #tpu.memory_space<hbm>> -> memref<10000x128xf32, #tpu.memory_space<hbm>>
      tpu.wait_indirect_dma semaphore(%arg11 : memref<!tpu.dma_semaphore, #tpu.memory_space<semaphore_mem>>) src(%dma_wait3A_986 : memref<10000x128xf32, #tpu.memory_space<hbm>>) dst(%dma_wait3A_980 : memref<64x128xf32, #tpu.memory_space<vmem>>)
      %dma_wait3A_987 = arith.constant 1 : i32
      %dma_wait3A_988 = arith.constant 0 : i32
      %dma_wait3A_989 = arith.constant 0 : i32
      %dma_wait3A_990 = arith.constant 64 : i32
      %dma_wait3A_991 = arith.constant 0 : i32
      %dma_wait3A_992 = tpu.memref_slice %arg7[%dma_wait3A_989, %dma_wait3A_990, %dma_wait3A_991] : memref<2x128x128xf32, #tpu.memory_space<vmem>> -> memref<1x64x128xf32, #tpu.memory_space<vmem>>
      %dma_wait3A_993 = tpu.memref_squeeze %dma_wait3A_992 : memref<1x64x128xf32, #tpu.memory_space<vmem>> -> memref<64x128xf32, #tpu.memory_space<vmem>>
      %dma_wait3A_994 = arith.constant 64 : i32
      %dma_wait3A_995 = tpu.memref_slice %arg8[%dma_wait3A_987, %dma_wait3A_988, %dma_wait3A_994] : memref<2x8x128xi32, #tpu.memory_space<vmem>> -> memref<1x1x64xi32, #tpu.memory_space<vmem>>
      %dma_wait3A_996 = tpu.memref_squeeze %dma_wait3A_995 : memref<1x1x64xi32, #tpu.memory_space<vmem>> -> memref<64xi32, #tpu.memory_space<vmem>>
      %dma_wait3A_997 = arith.constant 0 : i32
      %dma_wait3A_998 = arith.constant 0 : i32
      %dma_wait3A_999 = tpu.memref_slice %arg2[%dma_wait3A_997, %dma_wait3A_998] : memref<10000x128xf32, #tpu.memory_space<hbm>> -> memref<10000x128xf32, #tpu.memory_space<hbm>>
      tpu.wait_indirect_dma semaphore(%arg11 : memref<!tpu.dma_semaphore, #tpu.memory_space<semaphore_mem>>) src(%dma_wait3A_999 : memref<10000x128xf32, #tpu.memory_space<hbm>>) dst(%dma_wait3A_993 : memref<64x128xf32, #tpu.memory_space<vmem>>)
      %dma_start3A_1000 = arith.constant 0 : i32
      %dma_start3A_1001 = arith.constant 1 : i32
      %dma_start3A_1002 = arith.constant 0 : i32
      %dma_start3A_1003 = arith.constant 0 : i32
      %dma_start3A_1004 = arith.constant 0 : i32
      %dma_start3A_1005 = tpu.memref_slice %arg7[%dma_start3A_1000, %dma_start3A_1003, %dma_start3A_1004] : memref<2x128x128xf32, #tpu.memory_space<vmem>> -> memref<1x128x128xf32, #tpu.memory_space<vmem>>
      %dma_start3A_1006 = tpu.memref_squeeze %dma_start3A_1005 : memref<1x128x128xf32, #tpu.memory_space<vmem>> -> memref<128x128xf32, #tpu.memory_space<vmem>>
      %dma_start3A_1007 = arith.constant 0 : i32
      %dma_start3A_1008 = tpu.memref_slice %arg9[%dma_start3A_1001, %dma_start3A_1002, %dma_start3A_1007] : memref<2x8x128xi32, #tpu.memory_space<vmem>> -> memref<1x1x128xi32, #tpu.memory_space<vmem>>
      %dma_start3A_1009 = tpu.memref_squeeze %dma_start3A_1008 : memref<1x1x128xi32, #tpu.memory_space<vmem>> -> memref<128xi32, #tpu.memory_space<vmem>>
      %dma_start3A_1010 = arith.constant 0 : i32
      %dma_start3A_1011 = arith.constant 0 : i32
      %dma_start3A_1012 = tpu.memref_slice %arg10[%dma_start3A_1010, %dma_start3A_1011] : memref<10240x128xf32, #tpu.memory_space<vmem_shared>> -> memref<10240x128xf32, #tpu.memory_space<vmem_shared>>
      tpu.enqueue_indirect_dma source(%dma_start3A_1006 : memref<128x128xf32, #tpu.memory_space<vmem>>) target(%dma_start3A_1012 : memref<10240x128xf32, #tpu.memory_space<vmem_shared>>) offsets(%dma_start3A_1009 : memref<128xi32, #tpu.memory_space<vmem>>) semaphore(%arg12 : memref<!tpu.dma_semaphore, #tpu.memory_space<semaphore_mem>>) {add = true}
      %dma_wait3A_1013 = arith.constant 0 : i32
      %dma_wait3A_1014 = arith.constant 1 : i32
      %dma_wait3A_1015 = arith.constant 0 : i32
      %dma_wait3A_1016 = arith.constant 0 : i32
      %dma_wait3A_1017 = arith.constant 0 : i32
      %dma_wait3A_1018 = tpu.memref_slice %arg7[%dma_wait3A_1013, %dma_wait3A_1016, %dma_wait3A_1017] : memref<2x128x128xf32, #tpu.memory_space<vmem>> -> memref<1x128x128xf32, #tpu.memory_space<vmem>>
      %dma_wait3A_1019 = tpu.memref_squeeze %dma_wait3A_1018 : memref<1x128x128xf32, #tpu.memory_space<vmem>> -> memref<128x128xf32, #tpu.memory_space<vmem>>
      %dma_wait3A_1020 = arith.constant 0 : i32
      %dma_wait3A_1021 = tpu.memref_slice %arg9[%dma_wait3A_1014, %dma_wait3A_1015, %dma_wait3A_1020] : memref<2x8x128xi32, #tpu.memory_space<vmem>> -> memref<1x1x128xi32, #tpu.memory_space<vmem>>
      %dma_wait3A_1022 = tpu.memref_squeeze %dma_wait3A_1021 : memref<1x1x128xi32, #tpu.memory_space<vmem>> -> memref<128xi32, #tpu.memory_space<vmem>>
      %dma_wait3A_1023 = arith.constant 0 : i32
      %dma_wait3A_1024 = arith.constant 0 : i32
      %dma_wait3A_1025 = tpu.memref_slice %arg10[%dma_wait3A_1023, %dma_wait3A_1024] : memref<10240x128xf32, #tpu.memory_space<vmem_shared>> -> memref<10240x128xf32, #tpu.memory_space<vmem_shared>>
      tpu.wait_indirect_dma semaphore(%arg12 : memref<!tpu.dma_semaphore, #tpu.memory_space<semaphore_mem>>) src(%dma_wait3A_1019 : memref<128x128xf32, #tpu.memory_space<vmem>>) dst(%dma_wait3A_1025 : memref<10240x128xf32, #tpu.memory_space<vmem_shared>>)
      %dma_start3A_1026 = arith.constant 1 : i32
      %dma_start3A_1027 = arith.constant 2 : i32
      %dma_start3A_1028 = arith.constant 0 : i32
      %dma_start3A_1029 = arith.constant 0 : i32
      %dma_start3A_1030 = arith.constant 0 : i32
      %dma_start3A_1031 = tpu.memref_slice %arg7[%dma_start3A_1028, %dma_start3A_1029, %dma_start3A_1030] : memref<2x128x128xf32, #tpu.memory_space<vmem>> -> memref<1x64x128xf32, #tpu.memory_space<vmem>>
      %dma_start3A_1032 = tpu.memref_squeeze %dma_start3A_1031 : memref<1x64x128xf32, #tpu.memory_space<vmem>> -> memref<64x128xf32, #tpu.memory_space<vmem>>
      %dma_start3A_1033 = arith.constant 0 : i32
      %dma_start3A_1034 = tpu.memref_slice %arg8[%dma_start3A_1026, %dma_start3A_1027, %dma_start3A_1033] : memref<2x8x128xi32, #tpu.memory_space<vmem>> -> memref<1x1x64xi32, #tpu.memory_space<vmem>>
      %dma_start3A_1035 = tpu.memref_squeeze %dma_start3A_1034 : memref<1x1x64xi32, #tpu.memory_space<vmem>> -> memref<64xi32, #tpu.memory_space<vmem>>
      %dma_start3A_1036 = arith.constant 0 : i32
      %dma_start3A_1037 = arith.constant 0 : i32
      %dma_start3A_1038 = tpu.memref_slice %arg2[%dma_start3A_1036, %dma_start3A_1037] : memref<10000x128xf32, #tpu.memory_space<hbm>> -> memref<10000x128xf32, #tpu.memory_space<hbm>>
      tpu.enqueue_indirect_dma source(%dma_start3A_1038 : memref<10000x128xf32, #tpu.memory_space<hbm>>) target(%dma_start3A_1032 : memref<64x128xf32, #tpu.memory_space<vmem>>) offsets(%dma_start3A_1035 : memref<64xi32, #tpu.memory_space<vmem>>) semaphore(%arg11 : memref<!tpu.dma_semaphore, #tpu.memory_space<semaphore_mem>>)
      %dma_start3A_1039 = arith.constant 1 : i32
      %dma_start3A_1040 = arith.constant 2 : i32
      %dma_start3A_1041 = arith.constant 0 : i32
      %dma_start3A_1042 = arith.constant 64 : i32
      %dma_start3A_1043 = arith.constant 0 : i32
      %dma_start3A_1044 = tpu.memref_slice %arg7[%dma_start3A_1041, %dma_start3A_1042, %dma_start3A_1043] : memref<2x128x128xf32, #tpu.memory_space<vmem>> -> memref<1x64x128xf32, #tpu.memory_space<vmem>>
      %dma_start3A_1045 = tpu.memref_squeeze %dma_start3A_1044 : memref<1x64x128xf32, #tpu.memory_space<vmem>> -> memref<64x128xf32, #tpu.memory_space<vmem>>
      %dma_start3A_1046 = arith.constant 64 : i32
      %dma_start3A_1047 = tpu.memref_slice %arg8[%dma_start3A_1039, %dma_start3A_1040, %dma_start3A_1046] : memref<2x8x128xi32, #tpu.memory_space<vmem>> -> memref<1x1x64xi32, #tpu.memory_space<vmem>>
      %dma_start3A_1048 = tpu.memref_squeeze %dma_start3A_1047 : memref<1x1x64xi32, #tpu.memory_space<vmem>> -> memref<64xi32, #tpu.memory_space<vmem>>
      %dma_start3A_1049 = arith.constant 0 : i32
      %dma_start3A_1050 = arith.constant 0 : i32
      %dma_start3A_1051 = tpu.memref_slice %arg2[%dma_start3A_1049, %dma_start3A_1050] : memref<10000x128xf32, #tpu.memory_space<hbm>> -> memref<10000x128xf32, #tpu.memory_space<hbm>>
      tpu.enqueue_indirect_dma source(%dma_start3A_1051 : memref<10000x128xf32, #tpu.memory_space<hbm>>) target(%dma_start3A_1045 : memref<64x128xf32, #tpu.memory_space<vmem>>) offsets(%dma_start3A_1048 : memref<64xi32, #tpu.memory_space<vmem>>) semaphore(%arg11 : memref<!tpu.dma_semaphore, #tpu.memory_space<semaphore_mem>>)
      %lt3A_1052 = arith.constant 4 : i32
      %lt3A_1053 = arith.cmpi slt, %scan3A_245, %lt3A_1052 : i32
      %convert_element_type3A_1054 = arith.extui %lt3A_1053 : i1 to i32
      %cond3A_1055 = arith.constant 0 : i32
      %cond3A_1056 = arith.cmpi ne, %convert_element_type3A_1054, %cond3A_1055 : i32
      scf.if %cond3A_1056 {
        %add3A_1556 = arith.constant 1 : i32
        %add3A_1557 = arith.addi %scan3A_245, %add3A_1556 : i32
        %mul3A_1558 = arith.constant 2 : i32
        %mul3A_1559 = arith.muli %mul3A_1558, %add3A_1557 : i32
        %add3A_1560 = arith.constant 0 : i32
        %add3A_1561 = arith.addi %mul3A_1559, %add3A_1560 : i32
        %mul3A_1562 = arith.constant 8 : i32
        %mul3A_1563 = arith.muli %add3A_1561, %mul3A_1562 : i32
        %add3A_1564 = arith.addi %mul3A_2, %mul3A_1563 : i32
        %dma_start3A_1565 = arith.constant 0 : i32
        %dma_start3A_1566 = arith.constant 0 : i32
        %dma_start3A_1567 = arith.constant 0 : i32
        %dma_start3A_1568 = tpu.memref_slice %arg8[%dma_start3A_1565, %dma_start3A_1566, %dma_start3A_1567] : memref<2x8x128xi32, #tpu.memory_space<vmem>> -> memref<1x8x128xi32, #tpu.memory_space<vmem>>
        %dma_start3A_1569 = tpu.memref_squeeze %dma_start3A_1568 : memref<1x8x128xi32, #tpu.memory_space<vmem>> -> memref<8x128xi32, #tpu.memory_space<vmem>>
        %dma_start3A_1570 = arith.constant 0 : i32
        %dma_start3A_1571 = tpu.memref_slice %arg3[%add3A_1564, %dma_start3A_1570] : memref<2560x128xi32, #tpu.memory_space<hbm>> -> memref<8x128xi32, #tpu.memory_space<hbm>>
        %dma_start3A_1572 = arith.constant 0 : i32
        %dma_start3A_1573 = arith.constant 0 : i32
        %dma_start3A_1574 = tpu.memref_slice %arg8[%dma_start3A_1565, %dma_start3A_1572, %dma_start3A_1573] : memref<2x8x128xi32, #tpu.memory_space<vmem>> -> memref<1x8x128xi32, #tpu.memory_space<vmem>>
        %dma_start3A_1575 = tpu.memref_squeeze %dma_start3A_1574 : memref<1x8x128xi32, #tpu.memory_space<vmem>> -> memref<8x128xi32, #tpu.memory_space<vmem>>
        %dma_start3A_1576 = arith.constant 0 : i32
        %dma_start3A_1577 = tpu.memref_slice %arg3[%add3A_1564, %dma_start3A_1576] : memref<2560x128xi32, #tpu.memory_space<hbm>> -> memref<8x128xi32, #tpu.memory_space<hbm>>
        tpu.enqueue_dma source(%dma_start3A_1577 : memref<8x128xi32, #tpu.memory_space<hbm>>) target(%dma_start3A_1575 : memref<8x128xi32, #tpu.memory_space<vmem>>) target_semaphore(%arg13 : memref<!tpu.dma_semaphore, #tpu.memory_space<semaphore_mem>>)
        %dma_start3A_1578 = arith.constant 0 : i32
        %dma_start3A_1579 = arith.constant 0 : i32
        %dma_start3A_1580 = arith.constant 0 : i32
        %dma_start3A_1581 = tpu.memref_slice %arg9[%dma_start3A_1578, %dma_start3A_1579, %dma_start3A_1580] : memref<2x8x128xi32, #tpu.memory_space<vmem>> -> memref<1x8x128xi32, #tpu.memory_space<vmem>>
        %dma_start3A_1582 = tpu.memref_squeeze %dma_start3A_1581 : memref<1x8x128xi32, #tpu.memory_space<vmem>> -> memref<8x128xi32, #tpu.memory_space<vmem>>
        %dma_start3A_1583 = arith.constant 0 : i32
        %dma_start3A_1584 = tpu.memref_slice %arg4[%add3A_1564, %dma_start3A_1583] : memref<2560x128xi32, #tpu.memory_space<hbm>> -> memref<8x128xi32, #tpu.memory_space<hbm>>
        %dma_start3A_1585 = arith.constant 0 : i32
        %dma_start3A_1586 = arith.constant 0 : i32
        %dma_start3A_1587 = tpu.memref_slice %arg9[%dma_start3A_1578, %dma_start3A_1585, %dma_start3A_1586] : memref<2x8x128xi32, #tpu.memory_space<vmem>> -> memref<1x8x128xi32, #tpu.memory_space<vmem>>
        %dma_start3A_1588 = tpu.memref_squeeze %dma_start3A_1587 : memref<1x8x128xi32, #tpu.memory_space<vmem>> -> memref<8x128xi32, #tpu.memory_space<vmem>>
        %dma_start3A_1589 = arith.constant 0 : i32
        %dma_start3A_1590 = tpu.memref_slice %arg4[%add3A_1564, %dma_start3A_1589] : memref<2560x128xi32, #tpu.memory_space<hbm>> -> memref<8x128xi32, #tpu.memory_space<hbm>>
        tpu.enqueue_dma source(%dma_start3A_1590 : memref<8x128xi32, #tpu.memory_space<hbm>>) target(%dma_start3A_1588 : memref<8x128xi32, #tpu.memory_space<vmem>>) target_semaphore(%arg13 : memref<!tpu.dma_semaphore, #tpu.memory_space<semaphore_mem>>)
      } else {
      }
      %dma_wait3A_1057 = arith.constant 1 : i32
      %dma_wait3A_1058 = arith.constant 1 : i32
      %dma_wait3A_1059 = arith.constant 1 : i32
      %dma_wait3A_1060 = arith.constant 0 : i32
      %dma_wait3A_1061 = arith.constant 0 : i32
      %dma_wait3A_1062 = tpu.memref_slice %arg7[%dma_wait3A_1059, %dma_wait3A_1060, %dma_wait3A_1061] : memref<2x128x128xf32, #tpu.memory_space<vmem>> -> memref<1x64x128xf32, #tpu.memory_space<vmem>>
      %dma_wait3A_1063 = tpu.memref_squeeze %dma_wait3A_1062 : memref<1x64x128xf32, #tpu.memory_space<vmem>> -> memref<64x128xf32, #tpu.memory_space<vmem>>
      %dma_wait3A_1064 = arith.constant 0 : i32
      %dma_wait3A_1065 = tpu.memref_slice %arg8[%dma_wait3A_1057, %dma_wait3A_1058, %dma_wait3A_1064] : memref<2x8x128xi32, #tpu.memory_space<vmem>> -> memref<1x1x64xi32, #tpu.memory_space<vmem>>
      %dma_wait3A_1066 = tpu.memref_squeeze %dma_wait3A_1065 : memref<1x1x64xi32, #tpu.memory_space<vmem>> -> memref<64xi32, #tpu.memory_space<vmem>>
      %dma_wait3A_1067 = arith.constant 0 : i32
      %dma_wait3A_1068 = arith.constant 0 : i32
      %dma_wait3A_1069 = tpu.memref_slice %arg2[%dma_wait3A_1067, %dma_wait3A_1068] : memref<10000x128xf32, #tpu.memory_space<hbm>> -> memref<10000x128xf32, #tpu.memory_space<hbm>>
      tpu.wait_indirect_dma semaphore(%arg11 : memref<!tpu.dma_semaphore, #tpu.memory_space<semaphore_mem>>) src(%dma_wait3A_1069 : memref<10000x128xf32, #tpu.memory_space<hbm>>) dst(%dma_wait3A_1063 : memref<64x128xf32, #tpu.memory_space<vmem>>)
      %dma_wait3A_1070 = arith.constant 1 : i32
      %dma_wait3A_1071 = arith.constant 1 : i32
      %dma_wait3A_1072 = arith.constant 1 : i32
      %dma_wait3A_1073 = arith.constant 64 : i32
      %dma_wait3A_1074 = arith.constant 0 : i32
      %dma_wait3A_1075 = tpu.memref_slice %arg7[%dma_wait3A_1072, %dma_wait3A_1073, %dma_wait3A_1074] : memref<2x128x128xf32, #tpu.memory_space<vmem>> -> memref<1x64x128xf32, #tpu.memory_space<vmem>>
      %dma_wait3A_1076 = tpu.memref_squeeze %dma_wait3A_1075 : memref<1x64x128xf32, #tpu.memory_space<vmem>> -> memref<64x128xf32, #tpu.memory_space<vmem>>
      %dma_wait3A_1077 = arith.constant 64 : i32
      %dma_wait3A_1078 = tpu.memref_slice %arg8[%dma_wait3A_1070, %dma_wait3A_1071, %dma_wait3A_1077] : memref<2x8x128xi32, #tpu.memory_space<vmem>> -> memref<1x1x64xi32, #tpu.memory_space<vmem>>
      %dma_wait3A_1079 = tpu.memref_squeeze %dma_wait3A_1078 : memref<1x1x64xi32, #tpu.memory_space<vmem>> -> memref<64xi32, #tpu.memory_space<vmem>>
      %dma_wait3A_1080 = arith.constant 0 : i32
      %dma_wait3A_1081 = arith.constant 0 : i32
      %dma_wait3A_1082 = tpu.memref_slice %arg2[%dma_wait3A_1080, %dma_wait3A_1081] : memref<10000x128xf32, #tpu.memory_space<hbm>> -> memref<10000x128xf32, #tpu.memory_space<hbm>>
      tpu.wait_indirect_dma semaphore(%arg11 : memref<!tpu.dma_semaphore, #tpu.memory_space<semaphore_mem>>) src(%dma_wait3A_1082 : memref<10000x128xf32, #tpu.memory_space<hbm>>) dst(%dma_wait3A_1076 : memref<64x128xf32, #tpu.memory_space<vmem>>)
      %dma_start3A_1083 = arith.constant 1 : i32
      %dma_start3A_1084 = arith.constant 1 : i32
      %dma_start3A_1085 = arith.constant 1 : i32
      %dma_start3A_1086 = arith.constant 0 : i32
      %dma_start3A_1087 = arith.constant 0 : i32
      %dma_start3A_1088 = tpu.memref_slice %arg7[%dma_start3A_1083, %dma_start3A_1086, %dma_start3A_1087] : memref<2x128x128xf32, #tpu.memory_space<vmem>> -> memref<1x128x128xf32, #tpu.memory_space<vmem>>
      %dma_start3A_1089 = tpu.memref_squeeze %dma_start3A_1088 : memref<1x128x128xf32, #tpu.memory_space<vmem>> -> memref<128x128xf32, #tpu.memory_space<vmem>>
      %dma_start3A_1090 = arith.constant 0 : i32
      %dma_start3A_1091 = tpu.memref_slice %arg9[%dma_start3A_1084, %dma_start3A_1085, %dma_start3A_1090] : memref<2x8x128xi32, #tpu.memory_space<vmem>> -> memref<1x1x128xi32, #tpu.memory_space<vmem>>
      %dma_start3A_1092 = tpu.memref_squeeze %dma_start3A_1091 : memref<1x1x128xi32, #tpu.memory_space<vmem>> -> memref<128xi32, #tpu.memory_space<vmem>>
      %dma_start3A_1093 = arith.constant 0 : i32
      %dma_start3A_1094 = arith.constant 0 : i32
      %dma_start3A_1095 = tpu.memref_slice %arg10[%dma_start3A_1093, %dma_start3A_1094] : memref<10240x128xf32, #tpu.memory_space<vmem_shared>> -> memref<10240x128xf32, #tpu.memory_space<vmem_shared>>
      tpu.enqueue_indirect_dma source(%dma_start3A_1089 : memref<128x128xf32, #tpu.memory_space<vmem>>) target(%dma_start3A_1095 : memref<10240x128xf32, #tpu.memory_space<vmem_shared>>) offsets(%dma_start3A_1092 : memref<128xi32, #tpu.memory_space<vmem>>) semaphore(%arg12 : memref<!tpu.dma_semaphore, #tpu.memory_space<semaphore_mem>>) {add = true}
      %dma_wait3A_1096 = arith.constant 1 : i32
      %dma_wait3A_1097 = arith.constant 1 : i32
      %dma_wait3A_1098 = arith.constant 1 : i32
      %dma_wait3A_1099 = arith.constant 0 : i32
      %dma_wait3A_1100 = arith.constant 0 : i32
      %dma_wait3A_1101 = tpu.memref_slice %arg7[%dma_wait3A_1096, %dma_wait3A_1099, %dma_wait3A_1100] : memref<2x128x128xf32, #tpu.memory_space<vmem>> -> memref<1x128x128xf32, #tpu.memory_space<vmem>>
      %dma_wait3A_1102 = tpu.memref_squeeze %dma_wait3A_1101 : memref<1x128x128xf32, #tpu.memory_space<vmem>> -> memref<128x128xf32, #tpu.memory_space<vmem>>
      %dma_wait3A_1103 = arith.constant 0 : i32
      %dma_wait3A_1104 = tpu.memref_slice %arg9[%dma_wait3A_1097, %dma_wait3A_1098, %dma_wait3A_1103] : memref<2x8x128xi32, #tpu.memory_space<vmem>> -> memref<1x1x128xi32, #tpu.memory_space<vmem>>
      %dma_wait3A_1105 = tpu.memref_squeeze %dma_wait3A_1104 : memref<1x1x128xi32, #tpu.memory_space<vmem>> -> memref<128xi32, #tpu.memory_space<vmem>>
      %dma_wait3A_1106 = arith.constant 0 : i32
      %dma_wait3A_1107 = arith.constant 0 : i32
      %dma_wait3A_1108 = tpu.memref_slice %arg10[%dma_wait3A_1106, %dma_wait3A_1107] : memref<10240x128xf32, #tpu.memory_space<vmem_shared>> -> memref<10240x128xf32, #tpu.memory_space<vmem_shared>>
      tpu.wait_indirect_dma semaphore(%arg12 : memref<!tpu.dma_semaphore, #tpu.memory_space<semaphore_mem>>) src(%dma_wait3A_1102 : memref<128x128xf32, #tpu.memory_space<vmem>>) dst(%dma_wait3A_1108 : memref<10240x128xf32, #tpu.memory_space<vmem_shared>>)
      %dma_start3A_1109 = arith.constant 1 : i32
      %dma_start3A_1110 = arith.constant 3 : i32
      %dma_start3A_1111 = arith.constant 1 : i32
      %dma_start3A_1112 = arith.constant 0 : i32
      %dma_start3A_1113 = arith.constant 0 : i32
      %dma_start3A_1114 = tpu.memref_slice %arg7[%dma_start3A_1111, %dma_start3A_1112, %dma_start3A_1113] : memref<2x128x128xf32, #tpu.memory_space<vmem>> -> memref<1x64x128xf32, #tpu.memory_space<vmem>>
      %dma_start3A_1115 = tpu.memref_squeeze %dma_start3A_1114 : memref<1x64x128xf32, #tpu.memory_space<vmem>> -> memref<64x128xf32, #tpu.memory_space<vmem>>
      %dma_start3A_1116 = arith.constant 0 : i32
      %dma_start3A_1117 = tpu.memref_slice %arg8[%dma_start3A_1109, %dma_start3A_1110, %dma_start3A_1116] : memref<2x8x128xi32, #tpu.memory_space<vmem>> -> memref<1x1x64xi32, #tpu.memory_space<vmem>>
      %dma_start3A_1118 = tpu.memref_squeeze %dma_start3A_1117 : memref<1x1x64xi32, #tpu.memory_space<vmem>> -> memref<64xi32, #tpu.memory_space<vmem>>
      %dma_start3A_1119 = arith.constant 0 : i32
      %dma_start3A_1120 = arith.constant 0 : i32
      %dma_start3A_1121 = tpu.memref_slice %arg2[%dma_start3A_1119, %dma_start3A_1120] : memref<10000x128xf32, #tpu.memory_space<hbm>> -> memref<10000x128xf32, #tpu.memory_space<hbm>>
      tpu.enqueue_indirect_dma source(%dma_start3A_1121 : memref<10000x128xf32, #tpu.memory_space<hbm>>) target(%dma_start3A_1115 : memref<64x128xf32, #tpu.memory_space<vmem>>) offsets(%dma_start3A_1118 : memref<64xi32, #tpu.memory_space<vmem>>) semaphore(%arg11 : memref<!tpu.dma_semaphore, #tpu.memory_space<semaphore_mem>>)
      %dma_start3A_1122 = arith.constant 1 : i32
      %dma_start3A_1123 = arith.constant 3 : i32
      %dma_start3A_1124 = arith.constant 1 : i32
      %dma_start3A_1125 = arith.constant 64 : i32
      %dma_start3A_1126 = arith.constant 0 : i32
      %dma_start3A_1127 = tpu.memref_slice %arg7[%dma_start3A_1124, %dma_start3A_1125, %dma_start3A_1126] : memref<2x128x128xf32, #tpu.memory_space<vmem>> -> memref<1x64x128xf32, #tpu.memory_space<vmem>>
      %dma_start3A_1128 = tpu.memref_squeeze %dma_start3A_1127 : memref<1x64x128xf32, #tpu.memory_space<vmem>> -> memref<64x128xf32, #tpu.memory_space<vmem>>
      %dma_start3A_1129 = arith.constant 64 : i32
      %dma_start3A_1130 = tpu.memref_slice %arg8[%dma_start3A_1122, %dma_start3A_1123, %dma_start3A_1129] : memref<2x8x128xi32, #tpu.memory_space<vmem>> -> memref<1x1x64xi32, #tpu.memory_space<vmem>>
      %dma_start3A_1131 = tpu.memref_squeeze %dma_start3A_1130 : memref<1x1x64xi32, #tpu.memory_space<vmem>> -> memref<64xi32, #tpu.memory_space<vmem>>
      %dma_start3A_1132 = arith.constant 0 : i32
      %dma_start3A_1133 = arith.constant 0 : i32
      %dma_start3A_1134 = tpu.memref_slice %arg2[%dma_start3A_1132, %dma_start3A_1133] : memref<10000x128xf32, #tpu.memory_space<hbm>> -> memref<10000x128xf32, #tpu.memory_space<hbm>>
      tpu.enqueue_indirect_dma source(%dma_start3A_1134 : memref<10000x128xf32, #tpu.memory_space<hbm>>) target(%dma_start3A_1128 : memref<64x128xf32, #tpu.memory_space<vmem>>) offsets(%dma_start3A_1131 : memref<64xi32, #tpu.memory_space<vmem>>) semaphore(%arg11 : memref<!tpu.dma_semaphore, #tpu.memory_space<semaphore_mem>>)
      %dma_wait3A_1135 = arith.constant 1 : i32
      %dma_wait3A_1136 = arith.constant 2 : i32
      %dma_wait3A_1137 = arith.constant 0 : i32
      %dma_wait3A_1138 = arith.constant 0 : i32
      %dma_wait3A_1139 = arith.constant 0 : i32
      %dma_wait3A_1140 = tpu.memref_slice %arg7[%dma_wait3A_1137, %dma_wait3A_1138, %dma_wait3A_1139] : memref<2x128x128xf32, #tpu.memory_space<vmem>> -> memref<1x64x128xf32, #tpu.memory_space<vmem>>
      %dma_wait3A_1141 = tpu.memref_squeeze %dma_wait3A_1140 : memref<1x64x128xf32, #tpu.memory_space<vmem>> -> memref<64x128xf32, #tpu.memory_space<vmem>>
      %dma_wait3A_1142 = arith.constant 0 : i32
      %dma_wait3A_1143 = tpu.memref_slice %arg8[%dma_wait3A_1135, %dma_wait3A_1136, %dma_wait3A_1142] : memref<2x8x128xi32, #tpu.memory_space<vmem>> -> memref<1x1x64xi32, #tpu.memory_space<vmem>>
      %dma_wait3A_1144 = tpu.memref_squeeze %dma_wait3A_1143 : memref<1x1x64xi32, #tpu.memory_space<vmem>> -> memref<64xi32, #tpu.memory_space<vmem>>
      %dma_wait3A_1145 = arith.constant 0 : i32
      %dma_wait3A_1146 = arith.constant 0 : i32
      %dma_wait3A_1147 = tpu.memref_slice %arg2[%dma_wait3A_1145, %dma_wait3A_1146] : memref<10000x128xf32, #tpu.memory_space<hbm>> -> memref<10000x128xf32, #tpu.memory_space<hbm>>
      tpu.wait_indirect_dma semaphore(%arg11 : memref<!tpu.dma_semaphore, #tpu.memory_space<semaphore_mem>>) src(%dma_wait3A_1147 : memref<10000x128xf32, #tpu.memory_space<hbm>>) dst(%dma_wait3A_1141 : memref<64x128xf32, #tpu.memory_space<vmem>>)
      %dma_wait3A_1148 = arith.constant 1 : i32
      %dma_wait3A_1149 = arith.constant 2 : i32
      %dma_wait3A_1150 = arith.constant 0 : i32
      %dma_wait3A_1151 = arith.constant 64 : i32
      %dma_wait3A_1152 = arith.constant 0 : i32
      %dma_wait3A_1153 = tpu.memref_slice %arg7[%dma_wait3A_1150, %dma_wait3A_1151, %dma_wait3A_1152] : memref<2x128x128xf32, #tpu.memory_space<vmem>> -> memref<1x64x128xf32, #tpu.memory_space<vmem>>
      %dma_wait3A_1154 = tpu.memref_squeeze %dma_wait3A_1153 : memref<1x64x128xf32, #tpu.memory_space<vmem>> -> memref<64x128xf32, #tpu.memory_space<vmem>>
      %dma_wait3A_1155 = arith.constant 64 : i32
      %dma_wait3A_1156 = tpu.memref_slice %arg8[%dma_wait3A_1148, %dma_wait3A_1149, %dma_wait3A_1155] : memref<2x8x128xi32, #tpu.memory_space<vmem>> -> memref<1x1x64xi32, #tpu.memory_space<vmem>>
      %dma_wait3A_1157 = tpu.memref_squeeze %dma_wait3A_1156 : memref<1x1x64xi32, #tpu.memory_space<vmem>> -> memref<64xi32, #tpu.memory_space<vmem>>
      %dma_wait3A_1158 = arith.constant 0 : i32
      %dma_wait3A_1159 = arith.constant 0 : i32
      %dma_wait3A_1160 = tpu.memref_slice %arg2[%dma_wait3A_1158, %dma_wait3A_1159] : memref<10000x128xf32, #tpu.memory_space<hbm>> -> memref<10000x128xf32, #tpu.memory_space<hbm>>
      tpu.wait_indirect_dma semaphore(%arg11 : memref<!tpu.dma_semaphore, #tpu.memory_space<semaphore_mem>>) src(%dma_wait3A_1160 : memref<10000x128xf32, #tpu.memory_space<hbm>>) dst(%dma_wait3A_1154 : memref<64x128xf32, #tpu.memory_space<vmem>>)
      %dma_start3A_1161 = arith.constant 0 : i32
      %dma_start3A_1162 = arith.constant 1 : i32
      %dma_start3A_1163 = arith.constant 2 : i32
      %dma_start3A_1164 = arith.constant 0 : i32
      %dma_start3A_1165 = arith.constant 0 : i32
      %dma_start3A_1166 = tpu.memref_slice %arg7[%dma_start3A_1161, %dma_start3A_1164, %dma_start3A_1165] : memref<2x128x128xf32, #tpu.memory_space<vmem>> -> memref<1x128x128xf32, #tpu.memory_space<vmem>>
      %dma_start3A_1167 = tpu.memref_squeeze %dma_start3A_1166 : memref<1x128x128xf32, #tpu.memory_space<vmem>> -> memref<128x128xf32, #tpu.memory_space<vmem>>
      %dma_start3A_1168 = arith.constant 0 : i32
      %dma_start3A_1169 = tpu.memref_slice %arg9[%dma_start3A_1162, %dma_start3A_1163, %dma_start3A_1168] : memref<2x8x128xi32, #tpu.memory_space<vmem>> -> memref<1x1x128xi32, #tpu.memory_space<vmem>>
      %dma_start3A_1170 = tpu.memref_squeeze %dma_start3A_1169 : memref<1x1x128xi32, #tpu.memory_space<vmem>> -> memref<128xi32, #tpu.memory_space<vmem>>
      %dma_start3A_1171 = arith.constant 0 : i32
      %dma_start3A_1172 = arith.constant 0 : i32
      %dma_start3A_1173 = tpu.memref_slice %arg10[%dma_start3A_1171, %dma_start3A_1172] : memref<10240x128xf32, #tpu.memory_space<vmem_shared>> -> memref<10240x128xf32, #tpu.memory_space<vmem_shared>>
      tpu.enqueue_indirect_dma source(%dma_start3A_1167 : memref<128x128xf32, #tpu.memory_space<vmem>>) target(%dma_start3A_1173 : memref<10240x128xf32, #tpu.memory_space<vmem_shared>>) offsets(%dma_start3A_1170 : memref<128xi32, #tpu.memory_space<vmem>>) semaphore(%arg12 : memref<!tpu.dma_semaphore, #tpu.memory_space<semaphore_mem>>) {add = true}
      %dma_wait3A_1174 = arith.constant 0 : i32
      %dma_wait3A_1175 = arith.constant 1 : i32
      %dma_wait3A_1176 = arith.constant 2 : i32
      %dma_wait3A_1177 = arith.constant 0 : i32
      %dma_wait3A_1178 = arith.constant 0 : i32
      %dma_wait3A_1179 = tpu.memref_slice %arg7[%dma_wait3A_1174, %dma_wait3A_1177, %dma_wait3A_1178] : memref<2x128x128xf32, #tpu.memory_space<vmem>> -> memref<1x128x128xf32, #tpu.memory_space<vmem>>
      %dma_wait3A_1180 = tpu.memref_squeeze %dma_wait3A_1179 : memref<1x128x128xf32, #tpu.memory_space<vmem>> -> memref<128x128xf32, #tpu.memory_space<vmem>>
      %dma_wait3A_1181 = arith.constant 0 : i32
      %dma_wait3A_1182 = tpu.memref_slice %arg9[%dma_wait3A_1175, %dma_wait3A_1176, %dma_wait3A_1181] : memref<2x8x128xi32, #tpu.memory_space<vmem>> -> memref<1x1x128xi32, #tpu.memory_space<vmem>>
      %dma_wait3A_1183 = tpu.memref_squeeze %dma_wait3A_1182 : memref<1x1x128xi32, #tpu.memory_space<vmem>> -> memref<128xi32, #tpu.memory_space<vmem>>
      %dma_wait3A_1184 = arith.constant 0 : i32
      %dma_wait3A_1185 = arith.constant 0 : i32
      %dma_wait3A_1186 = tpu.memref_slice %arg10[%dma_wait3A_1184, %dma_wait3A_1185] : memref<10240x128xf32, #tpu.memory_space<vmem_shared>> -> memref<10240x128xf32, #tpu.memory_space<vmem_shared>>
      tpu.wait_indirect_dma semaphore(%arg12 : memref<!tpu.dma_semaphore, #tpu.memory_space<semaphore_mem>>) src(%dma_wait3A_1180 : memref<128x128xf32, #tpu.memory_space<vmem>>) dst(%dma_wait3A_1186 : memref<10240x128xf32, #tpu.memory_space<vmem_shared>>)
      %dma_start3A_1187 = arith.constant 1 : i32
      %dma_start3A_1188 = arith.constant 4 : i32
      %dma_start3A_1189 = arith.constant 0 : i32
      %dma_start3A_1190 = arith.constant 0 : i32
      %dma_start3A_1191 = arith.constant 0 : i32
      %dma_start3A_1192 = tpu.memref_slice %arg7[%dma_start3A_1189, %dma_start3A_1190, %dma_start3A_1191] : memref<2x128x128xf32, #tpu.memory_space<vmem>> -> memref<1x64x128xf32, #tpu.memory_space<vmem>>
      %dma_start3A_1193 = tpu.memref_squeeze %dma_start3A_1192 : memref<1x64x128xf32, #tpu.memory_space<vmem>> -> memref<64x128xf32, #tpu.memory_space<vmem>>
      %dma_start3A_1194 = arith.constant 0 : i32
      %dma_start3A_1195 = tpu.memref_slice %arg8[%dma_start3A_1187, %dma_start3A_1188, %dma_start3A_1194] : memref<2x8x128xi32, #tpu.memory_space<vmem>> -> memref<1x1x64xi32, #tpu.memory_space<vmem>>
      %dma_start3A_1196 = tpu.memref_squeeze %dma_start3A_1195 : memref<1x1x64xi32, #tpu.memory_space<vmem>> -> memref<64xi32, #tpu.memory_space<vmem>>
      %dma_start3A_1197 = arith.constant 0 : i32
      %dma_start3A_1198 = arith.constant 0 : i32
      %dma_start3A_1199 = tpu.memref_slice %arg2[%dma_start3A_1197, %dma_start3A_1198] : memref<10000x128xf32, #tpu.memory_space<hbm>> -> memref<10000x128xf32, #tpu.memory_space<hbm>>
      tpu.enqueue_indirect_dma source(%dma_start3A_1199 : memref<10000x128xf32, #tpu.memory_space<hbm>>) target(%dma_start3A_1193 : memref<64x128xf32, #tpu.memory_space<vmem>>) offsets(%dma_start3A_1196 : memref<64xi32, #tpu.memory_space<vmem>>) semaphore(%arg11 : memref<!tpu.dma_semaphore, #tpu.memory_space<semaphore_mem>>)
      %dma_start3A_1200 = arith.constant 1 : i32
      %dma_start3A_1201 = arith.constant 4 : i32
      %dma_start3A_1202 = arith.constant 0 : i32
      %dma_start3A_1203 = arith.constant 64 : i32
      %dma_start3A_1204 = arith.constant 0 : i32
      %dma_start3A_1205 = tpu.memref_slice %arg7[%dma_start3A_1202, %dma_start3A_1203, %dma_start3A_1204] : memref<2x128x128xf32, #tpu.memory_space<vmem>> -> memref<1x64x128xf32, #tpu.memory_space<vmem>>
      %dma_start3A_1206 = tpu.memref_squeeze %dma_start3A_1205 : memref<1x64x128xf32, #tpu.memory_space<vmem>> -> memref<64x128xf32, #tpu.memory_space<vmem>>
      %dma_start3A_1207 = arith.constant 64 : i32
      %dma_start3A_1208 = tpu.memref_slice %arg8[%dma_start3A_1200, %dma_start3A_1201, %dma_start3A_1207] : memref<2x8x128xi32, #tpu.memory_space<vmem>> -> memref<1x1x64xi32, #tpu.memory_space<vmem>>
      %dma_start3A_1209 = tpu.memref_squeeze %dma_start3A_1208 : memref<1x1x64xi32, #tpu.memory_space<vmem>> -> memref<64xi32, #tpu.memory_space<vmem>>
      %dma_start3A_1210 = arith.constant 0 : i32
      %dma_start3A_1211 = arith.constant 0 : i32
      %dma_start3A_1212 = tpu.memref_slice %arg2[%dma_start3A_1210, %dma_start3A_1211] : memref<10000x128xf32, #tpu.memory_space<hbm>> -> memref<10000x128xf32, #tpu.memory_space<hbm>>
      tpu.enqueue_indirect_dma source(%dma_start3A_1212 : memref<10000x128xf32, #tpu.memory_space<hbm>>) target(%dma_start3A_1206 : memref<64x128xf32, #tpu.memory_space<vmem>>) offsets(%dma_start3A_1209 : memref<64xi32, #tpu.memory_space<vmem>>) semaphore(%arg11 : memref<!tpu.dma_semaphore, #tpu.memory_space<semaphore_mem>>)
      %dma_wait3A_1213 = arith.constant 1 : i32
      %dma_wait3A_1214 = arith.constant 3 : i32
      %dma_wait3A_1215 = arith.constant 1 : i32
      %dma_wait3A_1216 = arith.constant 0 : i32
      %dma_wait3A_1217 = arith.constant 0 : i32
      %dma_wait3A_1218 = tpu.memref_slice %arg7[%dma_wait3A_1215, %dma_wait3A_1216, %dma_wait3A_1217] : memref<2x128x128xf32, #tpu.memory_space<vmem>> -> memref<1x64x128xf32, #tpu.memory_space<vmem>>
      %dma_wait3A_1219 = tpu.memref_squeeze %dma_wait3A_1218 : memref<1x64x128xf32, #tpu.memory_space<vmem>> -> memref<64x128xf32, #tpu.memory_space<vmem>>
      %dma_wait3A_1220 = arith.constant 0 : i32
      %dma_wait3A_1221 = tpu.memref_slice %arg8[%dma_wait3A_1213, %dma_wait3A_1214, %dma_wait3A_1220] : memref<2x8x128xi32, #tpu.memory_space<vmem>> -> memref<1x1x64xi32, #tpu.memory_space<vmem>>
      %dma_wait3A_1222 = tpu.memref_squeeze %dma_wait3A_1221 : memref<1x1x64xi32, #tpu.memory_space<vmem>> -> memref<64xi32, #tpu.memory_space<vmem>>
      %dma_wait3A_1223 = arith.constant 0 : i32
      %dma_wait3A_1224 = arith.constant 0 : i32
      %dma_wait3A_1225 = tpu.memref_slice %arg2[%dma_wait3A_1223, %dma_wait3A_1224] : memref<10000x128xf32, #tpu.memory_space<hbm>> -> memref<10000x128xf32, #tpu.memory_space<hbm>>
      tpu.wait_indirect_dma semaphore(%arg11 : memref<!tpu.dma_semaphore, #tpu.memory_space<semaphore_mem>>) src(%dma_wait3A_1225 : memref<10000x128xf32, #tpu.memory_space<hbm>>) dst(%dma_wait3A_1219 : memref<64x128xf32, #tpu.memory_space<vmem>>)
      %dma_wait3A_1226 = arith.constant 1 : i32
      %dma_wait3A_1227 = arith.constant 3 : i32
      %dma_wait3A_1228 = arith.constant 1 : i32
      %dma_wait3A_1229 = arith.constant 64 : i32
      %dma_wait3A_1230 = arith.constant 0 : i32
      %dma_wait3A_1231 = tpu.memref_slice %arg7[%dma_wait3A_1228, %dma_wait3A_1229, %dma_wait3A_1230] : memref<2x128x128xf32, #tpu.memory_space<vmem>> -> memref<1x64x128xf32, #tpu.memory_space<vmem>>
      %dma_wait3A_1232 = tpu.memref_squeeze %dma_wait3A_1231 : memref<1x64x128xf32, #tpu.memory_space<vmem>> -> memref<64x128xf32, #tpu.memory_space<vmem>>
      %dma_wait3A_1233 = arith.constant 64 : i32
      %dma_wait3A_1234 = tpu.memref_slice %arg8[%dma_wait3A_1226, %dma_wait3A_1227, %dma_wait3A_1233] : memref<2x8x128xi32, #tpu.memory_space<vmem>> -> memref<1x1x64xi32, #tpu.memory_space<vmem>>
      %dma_wait3A_1235 = tpu.memref_squeeze %dma_wait3A_1234 : memref<1x1x64xi32, #tpu.memory_space<vmem>> -> memref<64xi32, #tpu.memory_space<vmem>>
      %dma_wait3A_1236 = arith.constant 0 : i32
      %dma_wait3A_1237 = arith.constant 0 : i32
      %dma_wait3A_1238 = tpu.memref_slice %arg2[%dma_wait3A_1236, %dma_wait3A_1237] : memref<10000x128xf32, #tpu.memory_space<hbm>> -> memref<10000x128xf32, #tpu.memory_space<hbm>>
      tpu.wait_indirect_dma semaphore(%arg11 : memref<!tpu.dma_semaphore, #tpu.memory_space<semaphore_mem>>) src(%dma_wait3A_1238 : memref<10000x128xf32, #tpu.memory_space<hbm>>) dst(%dma_wait3A_1232 : memref<64x128xf32, #tpu.memory_space<vmem>>)
      %dma_start3A_1239 = arith.constant 1 : i32
      %dma_start3A_1240 = arith.constant 1 : i32
      %dma_start3A_1241 = arith.constant 3 : i32
      %dma_start3A_1242 = arith.constant 0 : i32
      %dma_start3A_1243 = arith.constant 0 : i32
      %dma_start3A_1244 = tpu.memref_slice %arg7[%dma_start3A_1239, %dma_start3A_1242, %dma_start3A_1243] : memref<2x128x128xf32, #tpu.memory_space<vmem>> -> memref<1x128x128xf32, #tpu.memory_space<vmem>>
      %dma_start3A_1245 = tpu.memref_squeeze %dma_start3A_1244 : memref<1x128x128xf32, #tpu.memory_space<vmem>> -> memref<128x128xf32, #tpu.memory_space<vmem>>
      %dma_start3A_1246 = arith.constant 0 : i32
      %dma_start3A_1247 = tpu.memref_slice %arg9[%dma_start3A_1240, %dma_start3A_1241, %dma_start3A_1246] : memref<2x8x128xi32, #tpu.memory_space<vmem>> -> memref<1x1x128xi32, #tpu.memory_space<vmem>>
      %dma_start3A_1248 = tpu.memref_squeeze %dma_start3A_1247 : memref<1x1x128xi32, #tpu.memory_space<vmem>> -> memref<128xi32, #tpu.memory_space<vmem>>
      %dma_start3A_1249 = arith.constant 0 : i32
      %dma_start3A_1250 = arith.constant 0 : i32
      %dma_start3A_1251 = tpu.memref_slice %arg10[%dma_start3A_1249, %dma_start3A_1250] : memref<10240x128xf32, #tpu.memory_space<vmem_shared>> -> memref<10240x128xf32, #tpu.memory_space<vmem_shared>>
      tpu.enqueue_indirect_dma source(%dma_start3A_1245 : memref<128x128xf32, #tpu.memory_space<vmem>>) target(%dma_start3A_1251 : memref<10240x128xf32, #tpu.memory_space<vmem_shared>>) offsets(%dma_start3A_1248 : memref<128xi32, #tpu.memory_space<vmem>>) semaphore(%arg12 : memref<!tpu.dma_semaphore, #tpu.memory_space<semaphore_mem>>) {add = true}
      %dma_wait3A_1252 = arith.constant 1 : i32
      %dma_wait3A_1253 = arith.constant 1 : i32
      %dma_wait3A_1254 = arith.constant 3 : i32
      %dma_wait3A_1255 = arith.constant 0 : i32
      %dma_wait3A_1256 = arith.constant 0 : i32
      %dma_wait3A_1257 = tpu.memref_slice %arg7[%dma_wait3A_1252, %dma_wait3A_1255, %dma_wait3A_1256] : memref<2x128x128xf32, #tpu.memory_space<vmem>> -> memref<1x128x128xf32, #tpu.memory_space<vmem>>
      %dma_wait3A_1258 = tpu.memref_squeeze %dma_wait3A_1257 : memref<1x128x128xf32, #tpu.memory_space<vmem>> -> memref<128x128xf32, #tpu.memory_space<vmem>>
      %dma_wait3A_1259 = arith.constant 0 : i32
      %dma_wait3A_1260 = tpu.memref_slice %arg9[%dma_wait3A_1253, %dma_wait3A_1254, %dma_wait3A_1259] : memref<2x8x128xi32, #tpu.memory_space<vmem>> -> memref<1x1x128xi32, #tpu.memory_space<vmem>>
      %dma_wait3A_1261 = tpu.memref_squeeze %dma_wait3A_1260 : memref<1x1x128xi32, #tpu.memory_space<vmem>> -> memref<128xi32, #tpu.memory_space<vmem>>
      %dma_wait3A_1262 = arith.constant 0 : i32
      %dma_wait3A_1263 = arith.constant 0 : i32
      %dma_wait3A_1264 = tpu.memref_slice %arg10[%dma_wait3A_1262, %dma_wait3A_1263] : memref<10240x128xf32, #tpu.memory_space<vmem_shared>> -> memref<10240x128xf32, #tpu.memory_space<vmem_shared>>
      tpu.wait_indirect_dma semaphore(%arg12 : memref<!tpu.dma_semaphore, #tpu.memory_space<semaphore_mem>>) src(%dma_wait3A_1258 : memref<128x128xf32, #tpu.memory_space<vmem>>) dst(%dma_wait3A_1264 : memref<10240x128xf32, #tpu.memory_space<vmem_shared>>)
      %dma_start3A_1265 = arith.constant 1 : i32
      %dma_start3A_1266 = arith.constant 5 : i32
      %dma_start3A_1267 = arith.constant 1 : i32
      %dma_start3A_1268 = arith.constant 0 : i32
      %dma_start3A_1269 = arith.constant 0 : i32
      %dma_start3A_1270 = tpu.memref_slice %arg7[%dma_start3A_1267, %dma_start3A_1268, %dma_start3A_1269] : memref<2x128x128xf32, #tpu.memory_space<vmem>> -> memref<1x64x128xf32, #tpu.memory_space<vmem>>
      %dma_start3A_1271 = tpu.memref_squeeze %dma_start3A_1270 : memref<1x64x128xf32, #tpu.memory_space<vmem>> -> memref<64x128xf32, #tpu.memory_space<vmem>>
      %dma_start3A_1272 = arith.constant 0 : i32
      %dma_start3A_1273 = tpu.memref_slice %arg8[%dma_start3A_1265, %dma_start3A_1266, %dma_start3A_1272] : memref<2x8x128xi32, #tpu.memory_space<vmem>> -> memref<1x1x64xi32, #tpu.memory_space<vmem>>
      %dma_start3A_1274 = tpu.memref_squeeze %dma_start3A_1273 : memref<1x1x64xi32, #tpu.memory_space<vmem>> -> memref<64xi32, #tpu.memory_space<vmem>>
      %dma_start3A_1275 = arith.constant 0 : i32
      %dma_start3A_1276 = arith.constant 0 : i32
      %dma_start3A_1277 = tpu.memref_slice %arg2[%dma_start3A_1275, %dma_start3A_1276] : memref<10000x128xf32, #tpu.memory_space<hbm>> -> memref<10000x128xf32, #tpu.memory_space<hbm>>
      tpu.enqueue_indirect_dma source(%dma_start3A_1277 : memref<10000x128xf32, #tpu.memory_space<hbm>>) target(%dma_start3A_1271 : memref<64x128xf32, #tpu.memory_space<vmem>>) offsets(%dma_start3A_1274 : memref<64xi32, #tpu.memory_space<vmem>>) semaphore(%arg11 : memref<!tpu.dma_semaphore, #tpu.memory_space<semaphore_mem>>)
      %dma_start3A_1278 = arith.constant 1 : i32
      %dma_start3A_1279 = arith.constant 5 : i32
      %dma_start3A_1280 = arith.constant 1 : i32
      %dma_start3A_1281 = arith.constant 64 : i32
      %dma_start3A_1282 = arith.constant 0 : i32
      %dma_start3A_1283 = tpu.memref_slice %arg7[%dma_start3A_1280, %dma_start3A_1281, %dma_start3A_1282] : memref<2x128x128xf32, #tpu.memory_space<vmem>> -> memref<1x64x128xf32, #tpu.memory_space<vmem>>
      %dma_start3A_1284 = tpu.memref_squeeze %dma_start3A_1283 : memref<1x64x128xf32, #tpu.memory_space<vmem>> -> memref<64x128xf32, #tpu.memory_space<vmem>>
      %dma_start3A_1285 = arith.constant 64 : i32
      %dma_start3A_1286 = tpu.memref_slice %arg8[%dma_start3A_1278, %dma_start3A_1279, %dma_start3A_1285] : memref<2x8x128xi32, #tpu.memory_space<vmem>> -> memref<1x1x64xi32, #tpu.memory_space<vmem>>
      %dma_start3A_1287 = tpu.memref_squeeze %dma_start3A_1286 : memref<1x1x64xi32, #tpu.memory_space<vmem>> -> memref<64xi32, #tpu.memory_space<vmem>>
      %dma_start3A_1288 = arith.constant 0 : i32
      %dma_start3A_1289 = arith.constant 0 : i32
      %dma_start3A_1290 = tpu.memref_slice %arg2[%dma_start3A_1288, %dma_start3A_1289] : memref<10000x128xf32, #tpu.memory_space<hbm>> -> memref<10000x128xf32, #tpu.memory_space<hbm>>
      tpu.enqueue_indirect_dma source(%dma_start3A_1290 : memref<10000x128xf32, #tpu.memory_space<hbm>>) target(%dma_start3A_1284 : memref<64x128xf32, #tpu.memory_space<vmem>>) offsets(%dma_start3A_1287 : memref<64xi32, #tpu.memory_space<vmem>>) semaphore(%arg11 : memref<!tpu.dma_semaphore, #tpu.memory_space<semaphore_mem>>)
      %dma_wait3A_1291 = arith.constant 1 : i32
      %dma_wait3A_1292 = arith.constant 4 : i32
      %dma_wait3A_1293 = arith.constant 0 : i32
      %dma_wait3A_1294 = arith.constant 0 : i32
      %dma_wait3A_1295 = arith.constant 0 : i32
      %dma_wait3A_1296 = tpu.memref_slice %arg7[%dma_wait3A_1293, %dma_wait3A_1294, %dma_wait3A_1295] : memref<2x128x128xf32, #tpu.memory_space<vmem>> -> memref<1x64x128xf32, #tpu.memory_space<vmem>>
      %dma_wait3A_1297 = tpu.memref_squeeze %dma_wait3A_1296 : memref<1x64x128xf32, #tpu.memory_space<vmem>> -> memref<64x128xf32, #tpu.memory_space<vmem>>
      %dma_wait3A_1298 = arith.constant 0 : i32
      %dma_wait3A_1299 = tpu.memref_slice %arg8[%dma_wait3A_1291, %dma_wait3A_1292, %dma_wait3A_1298] : memref<2x8x128xi32, #tpu.memory_space<vmem>> -> memref<1x1x64xi32, #tpu.memory_space<vmem>>
      %dma_wait3A_1300 = tpu.memref_squeeze %dma_wait3A_1299 : memref<1x1x64xi32, #tpu.memory_space<vmem>> -> memref<64xi32, #tpu.memory_space<vmem>>
      %dma_wait3A_1301 = arith.constant 0 : i32
      %dma_wait3A_1302 = arith.constant 0 : i32
      %dma_wait3A_1303 = tpu.memref_slice %arg2[%dma_wait3A_1301, %dma_wait3A_1302] : memref<10000x128xf32, #tpu.memory_space<hbm>> -> memref<10000x128xf32, #tpu.memory_space<hbm>>
      tpu.wait_indirect_dma semaphore(%arg11 : memref<!tpu.dma_semaphore, #tpu.memory_space<semaphore_mem>>) src(%dma_wait3A_1303 : memref<10000x128xf32, #tpu.memory_space<hbm>>) dst(%dma_wait3A_1297 : memref<64x128xf32, #tpu.memory_space<vmem>>)
      %dma_wait3A_1304 = arith.constant 1 : i32
      %dma_wait3A_1305 = arith.constant 4 : i32
      %dma_wait3A_1306 = arith.constant 0 : i32
      %dma_wait3A_1307 = arith.constant 64 : i32
      %dma_wait3A_1308 = arith.constant 0 : i32
      %dma_wait3A_1309 = tpu.memref_slice %arg7[%dma_wait3A_1306, %dma_wait3A_1307, %dma_wait3A_1308] : memref<2x128x128xf32, #tpu.memory_space<vmem>> -> memref<1x64x128xf32, #tpu.memory_space<vmem>>
      %dma_wait3A_1310 = tpu.memref_squeeze %dma_wait3A_1309 : memref<1x64x128xf32, #tpu.memory_space<vmem>> -> memref<64x128xf32, #tpu.memory_space<vmem>>
      %dma_wait3A_1311 = arith.constant 64 : i32
      %dma_wait3A_1312 = tpu.memref_slice %arg8[%dma_wait3A_1304, %dma_wait3A_1305, %dma_wait3A_1311] : memref<2x8x128xi32, #tpu.memory_space<vmem>> -> memref<1x1x64xi32, #tpu.memory_space<vmem>>
      %dma_wait3A_1313 = tpu.memref_squeeze %dma_wait3A_1312 : memref<1x1x64xi32, #tpu.memory_space<vmem>> -> memref<64xi32, #tpu.memory_space<vmem>>
      %dma_wait3A_1314 = arith.constant 0 : i32
      %dma_wait3A_1315 = arith.constant 0 : i32
      %dma_wait3A_1316 = tpu.memref_slice %arg2[%dma_wait3A_1314, %dma_wait3A_1315] : memref<10000x128xf32, #tpu.memory_space<hbm>> -> memref<10000x128xf32, #tpu.memory_space<hbm>>
      tpu.wait_indirect_dma semaphore(%arg11 : memref<!tpu.dma_semaphore, #tpu.memory_space<semaphore_mem>>) src(%dma_wait3A_1316 : memref<10000x128xf32, #tpu.memory_space<hbm>>) dst(%dma_wait3A_1310 : memref<64x128xf32, #tpu.memory_space<vmem>>)
      %dma_start3A_1317 = arith.constant 0 : i32
      %dma_start3A_1318 = arith.constant 1 : i32
      %dma_start3A_1319 = arith.constant 4 : i32
      %dma_start3A_1320 = arith.constant 0 : i32
      %dma_start3A_1321 = arith.constant 0 : i32
      %dma_start3A_1322 = tpu.memref_slice %arg7[%dma_start3A_1317, %dma_start3A_1320, %dma_start3A_1321] : memref<2x128x128xf32, #tpu.memory_space<vmem>> -> memref<1x128x128xf32, #tpu.memory_space<vmem>>
      %dma_start3A_1323 = tpu.memref_squeeze %dma_start3A_1322 : memref<1x128x128xf32, #tpu.memory_space<vmem>> -> memref<128x128xf32, #tpu.memory_space<vmem>>
      %dma_start3A_1324 = arith.constant 0 : i32
      %dma_start3A_1325 = tpu.memref_slice %arg9[%dma_start3A_1318, %dma_start3A_1319, %dma_start3A_1324] : memref<2x8x128xi32, #tpu.memory_space<vmem>> -> memref<1x1x128xi32, #tpu.memory_space<vmem>>
      %dma_start3A_1326 = tpu.memref_squeeze %dma_start3A_1325 : memref<1x1x128xi32, #tpu.memory_space<vmem>> -> memref<128xi32, #tpu.memory_space<vmem>>
      %dma_start3A_1327 = arith.constant 0 : i32
      %dma_start3A_1328 = arith.constant 0 : i32
      %dma_start3A_1329 = tpu.memref_slice %arg10[%dma_start3A_1327, %dma_start3A_1328] : memref<10240x128xf32, #tpu.memory_space<vmem_shared>> -> memref<10240x128xf32, #tpu.memory_space<vmem_shared>>
      tpu.enqueue_indirect_dma source(%dma_start3A_1323 : memref<128x128xf32, #tpu.memory_space<vmem>>) target(%dma_start3A_1329 : memref<10240x128xf32, #tpu.memory_space<vmem_shared>>) offsets(%dma_start3A_1326 : memref<128xi32, #tpu.memory_space<vmem>>) semaphore(%arg12 : memref<!tpu.dma_semaphore, #tpu.memory_space<semaphore_mem>>) {add = true}
      %dma_wait3A_1330 = arith.constant 0 : i32
      %dma_wait3A_1331 = arith.constant 1 : i32
      %dma_wait3A_1332 = arith.constant 4 : i32
      %dma_wait3A_1333 = arith.constant 0 : i32
      %dma_wait3A_1334 = arith.constant 0 : i32
      %dma_wait3A_1335 = tpu.memref_slice %arg7[%dma_wait3A_1330, %dma_wait3A_1333, %dma_wait3A_1334] : memref<2x128x128xf32, #tpu.memory_space<vmem>> -> memref<1x128x128xf32, #tpu.memory_space<vmem>>
      %dma_wait3A_1336 = tpu.memref_squeeze %dma_wait3A_1335 : memref<1x128x128xf32, #tpu.memory_space<vmem>> -> memref<128x128xf32, #tpu.memory_space<vmem>>
      %dma_wait3A_1337 = arith.constant 0 : i32
      %dma_wait3A_1338 = tpu.memref_slice %arg9[%dma_wait3A_1331, %dma_wait3A_1332, %dma_wait3A_1337] : memref<2x8x128xi32, #tpu.memory_space<vmem>> -> memref<1x1x128xi32, #tpu.memory_space<vmem>>
      %dma_wait3A_1339 = tpu.memref_squeeze %dma_wait3A_1338 : memref<1x1x128xi32, #tpu.memory_space<vmem>> -> memref<128xi32, #tpu.memory_space<vmem>>
      %dma_wait3A_1340 = arith.constant 0 : i32
      %dma_wait3A_1341 = arith.constant 0 : i32
      %dma_wait3A_1342 = tpu.memref_slice %arg10[%dma_wait3A_1340, %dma_wait3A_1341] : memref<10240x128xf32, #tpu.memory_space<vmem_shared>> -> memref<10240x128xf32, #tpu.memory_space<vmem_shared>>
      tpu.wait_indirect_dma semaphore(%arg12 : memref<!tpu.dma_semaphore, #tpu.memory_space<semaphore_mem>>) src(%dma_wait3A_1336 : memref<128x128xf32, #tpu.memory_space<vmem>>) dst(%dma_wait3A_1342 : memref<10240x128xf32, #tpu.memory_space<vmem_shared>>)
      %dma_start3A_1343 = arith.constant 1 : i32
      %dma_start3A_1344 = arith.constant 6 : i32
      %dma_start3A_1345 = arith.constant 0 : i32
      %dma_start3A_1346 = arith.constant 0 : i32
      %dma_start3A_1347 = arith.constant 0 : i32
      %dma_start3A_1348 = tpu.memref_slice %arg7[%dma_start3A_1345, %dma_start3A_1346, %dma_start3A_1347] : memref<2x128x128xf32, #tpu.memory_space<vmem>> -> memref<1x64x128xf32, #tpu.memory_space<vmem>>
      %dma_start3A_1349 = tpu.memref_squeeze %dma_start3A_1348 : memref<1x64x128xf32, #tpu.memory_space<vmem>> -> memref<64x128xf32, #tpu.memory_space<vmem>>
      %dma_start3A_1350 = arith.constant 0 : i32
      %dma_start3A_1351 = tpu.memref_slice %arg8[%dma_start3A_1343, %dma_start3A_1344, %dma_start3A_1350] : memref<2x8x128xi32, #tpu.memory_space<vmem>> -> memref<1x1x64xi32, #tpu.memory_space<vmem>>
      %dma_start3A_1352 = tpu.memref_squeeze %dma_start3A_1351 : memref<1x1x64xi32, #tpu.memory_space<vmem>> -> memref<64xi32, #tpu.memory_space<vmem>>
      %dma_start3A_1353 = arith.constant 0 : i32
      %dma_start3A_1354 = arith.constant 0 : i32
      %dma_start3A_1355 = tpu.memref_slice %arg2[%dma_start3A_1353, %dma_start3A_1354] : memref<10000x128xf32, #tpu.memory_space<hbm>> -> memref<10000x128xf32, #tpu.memory_space<hbm>>
      tpu.enqueue_indirect_dma source(%dma_start3A_1355 : memref<10000x128xf32, #tpu.memory_space<hbm>>) target(%dma_start3A_1349 : memref<64x128xf32, #tpu.memory_space<vmem>>) offsets(%dma_start3A_1352 : memref<64xi32, #tpu.memory_space<vmem>>) semaphore(%arg11 : memref<!tpu.dma_semaphore, #tpu.memory_space<semaphore_mem>>)
      %dma_start3A_1356 = arith.constant 1 : i32
      %dma_start3A_1357 = arith.constant 6 : i32
      %dma_start3A_1358 = arith.constant 0 : i32
      %dma_start3A_1359 = arith.constant 64 : i32
      %dma_start3A_1360 = arith.constant 0 : i32
      %dma_start3A_1361 = tpu.memref_slice %arg7[%dma_start3A_1358, %dma_start3A_1359, %dma_start3A_1360] : memref<2x128x128xf32, #tpu.memory_space<vmem>> -> memref<1x64x128xf32, #tpu.memory_space<vmem>>
      %dma_start3A_1362 = tpu.memref_squeeze %dma_start3A_1361 : memref<1x64x128xf32, #tpu.memory_space<vmem>> -> memref<64x128xf32, #tpu.memory_space<vmem>>
      %dma_start3A_1363 = arith.constant 64 : i32
      %dma_start3A_1364 = tpu.memref_slice %arg8[%dma_start3A_1356, %dma_start3A_1357, %dma_start3A_1363] : memref<2x8x128xi32, #tpu.memory_space<vmem>> -> memref<1x1x64xi32, #tpu.memory_space<vmem>>
      %dma_start3A_1365 = tpu.memref_squeeze %dma_start3A_1364 : memref<1x1x64xi32, #tpu.memory_space<vmem>> -> memref<64xi32, #tpu.memory_space<vmem>>
      %dma_start3A_1366 = arith.constant 0 : i32
      %dma_start3A_1367 = arith.constant 0 : i32
      %dma_start3A_1368 = tpu.memref_slice %arg2[%dma_start3A_1366, %dma_start3A_1367] : memref<10000x128xf32, #tpu.memory_space<hbm>> -> memref<10000x128xf32, #tpu.memory_space<hbm>>
      tpu.enqueue_indirect_dma source(%dma_start3A_1368 : memref<10000x128xf32, #tpu.memory_space<hbm>>) target(%dma_start3A_1362 : memref<64x128xf32, #tpu.memory_space<vmem>>) offsets(%dma_start3A_1365 : memref<64xi32, #tpu.memory_space<vmem>>) semaphore(%arg11 : memref<!tpu.dma_semaphore, #tpu.memory_space<semaphore_mem>>)
      %dma_wait3A_1369 = arith.constant 1 : i32
      %dma_wait3A_1370 = arith.constant 5 : i32
      %dma_wait3A_1371 = arith.constant 1 : i32
      %dma_wait3A_1372 = arith.constant 0 : i32
      %dma_wait3A_1373 = arith.constant 0 : i32
      %dma_wait3A_1374 = tpu.memref_slice %arg7[%dma_wait3A_1371, %dma_wait3A_1372, %dma_wait3A_1373] : memref<2x128x128xf32, #tpu.memory_space<vmem>> -> memref<1x64x128xf32, #tpu.memory_space<vmem>>
      %dma_wait3A_1375 = tpu.memref_squeeze %dma_wait3A_1374 : memref<1x64x128xf32, #tpu.memory_space<vmem>> -> memref<64x128xf32, #tpu.memory_space<vmem>>
      %dma_wait3A_1376 = arith.constant 0 : i32
      %dma_wait3A_1377 = tpu.memref_slice %arg8[%dma_wait3A_1369, %dma_wait3A_1370, %dma_wait3A_1376] : memref<2x8x128xi32, #tpu.memory_space<vmem>> -> memref<1x1x64xi32, #tpu.memory_space<vmem>>
      %dma_wait3A_1378 = tpu.memref_squeeze %dma_wait3A_1377 : memref<1x1x64xi32, #tpu.memory_space<vmem>> -> memref<64xi32, #tpu.memory_space<vmem>>
      %dma_wait3A_1379 = arith.constant 0 : i32
      %dma_wait3A_1380 = arith.constant 0 : i32
      %dma_wait3A_1381 = tpu.memref_slice %arg2[%dma_wait3A_1379, %dma_wait3A_1380] : memref<10000x128xf32, #tpu.memory_space<hbm>> -> memref<10000x128xf32, #tpu.memory_space<hbm>>
      tpu.wait_indirect_dma semaphore(%arg11 : memref<!tpu.dma_semaphore, #tpu.memory_space<semaphore_mem>>) src(%dma_wait3A_1381 : memref<10000x128xf32, #tpu.memory_space<hbm>>) dst(%dma_wait3A_1375 : memref<64x128xf32, #tpu.memory_space<vmem>>)
      %dma_wait3A_1382 = arith.constant 1 : i32
      %dma_wait3A_1383 = arith.constant 5 : i32
      %dma_wait3A_1384 = arith.constant 1 : i32
      %dma_wait3A_1385 = arith.constant 64 : i32
      %dma_wait3A_1386 = arith.constant 0 : i32
      %dma_wait3A_1387 = tpu.memref_slice %arg7[%dma_wait3A_1384, %dma_wait3A_1385, %dma_wait3A_1386] : memref<2x128x128xf32, #tpu.memory_space<vmem>> -> memref<1x64x128xf32, #tpu.memory_space<vmem>>
      %dma_wait3A_1388 = tpu.memref_squeeze %dma_wait3A_1387 : memref<1x64x128xf32, #tpu.memory_space<vmem>> -> memref<64x128xf32, #tpu.memory_space<vmem>>
      %dma_wait3A_1389 = arith.constant 64 : i32
      %dma_wait3A_1390 = tpu.memref_slice %arg8[%dma_wait3A_1382, %dma_wait3A_1383, %dma_wait3A_1389] : memref<2x8x128xi32, #tpu.memory_space<vmem>> -> memref<1x1x64xi32, #tpu.memory_space<vmem>>
      %dma_wait3A_1391 = tpu.memref_squeeze %dma_wait3A_1390 : memref<1x1x64xi32, #tpu.memory_space<vmem>> -> memref<64xi32, #tpu.memory_space<vmem>>
      %dma_wait3A_1392 = arith.constant 0 : i32
      %dma_wait3A_1393 = arith.constant 0 : i32
      %dma_wait3A_1394 = tpu.memref_slice %arg2[%dma_wait3A_1392, %dma_wait3A_1393] : memref<10000x128xf32, #tpu.memory_space<hbm>> -> memref<10000x128xf32, #tpu.memory_space<hbm>>
      tpu.wait_indirect_dma semaphore(%arg11 : memref<!tpu.dma_semaphore, #tpu.memory_space<semaphore_mem>>) src(%dma_wait3A_1394 : memref<10000x128xf32, #tpu.memory_space<hbm>>) dst(%dma_wait3A_1388 : memref<64x128xf32, #tpu.memory_space<vmem>>)
      %dma_start3A_1395 = arith.constant 1 : i32
      %dma_start3A_1396 = arith.constant 1 : i32
      %dma_start3A_1397 = arith.constant 5 : i32
      %dma_start3A_1398 = arith.constant 0 : i32
      %dma_start3A_1399 = arith.constant 0 : i32
      %dma_start3A_1400 = tpu.memref_slice %arg7[%dma_start3A_1395, %dma_start3A_1398, %dma_start3A_1399] : memref<2x128x128xf32, #tpu.memory_space<vmem>> -> memref<1x128x128xf32, #tpu.memory_space<vmem>>
      %dma_start3A_1401 = tpu.memref_squeeze %dma_start3A_1400 : memref<1x128x128xf32, #tpu.memory_space<vmem>> -> memref<128x128xf32, #tpu.memory_space<vmem>>
      %dma_start3A_1402 = arith.constant 0 : i32
      %dma_start3A_1403 = tpu.memref_slice %arg9[%dma_start3A_1396, %dma_start3A_1397, %dma_start3A_1402] : memref<2x8x128xi32, #tpu.memory_space<vmem>> -> memref<1x1x128xi32, #tpu.memory_space<vmem>>
      %dma_start3A_1404 = tpu.memref_squeeze %dma_start3A_1403 : memref<1x1x128xi32, #tpu.memory_space<vmem>> -> memref<128xi32, #tpu.memory_space<vmem>>
      %dma_start3A_1405 = arith.constant 0 : i32
      %dma_start3A_1406 = arith.constant 0 : i32
      %dma_start3A_1407 = tpu.memref_slice %arg10[%dma_start3A_1405, %dma_start3A_1406] : memref<10240x128xf32, #tpu.memory_space<vmem_shared>> -> memref<10240x128xf32, #tpu.memory_space<vmem_shared>>
      tpu.enqueue_indirect_dma source(%dma_start3A_1401 : memref<128x128xf32, #tpu.memory_space<vmem>>) target(%dma_start3A_1407 : memref<10240x128xf32, #tpu.memory_space<vmem_shared>>) offsets(%dma_start3A_1404 : memref<128xi32, #tpu.memory_space<vmem>>) semaphore(%arg12 : memref<!tpu.dma_semaphore, #tpu.memory_space<semaphore_mem>>) {add = true}
      %dma_wait3A_1408 = arith.constant 1 : i32
      %dma_wait3A_1409 = arith.constant 1 : i32
      %dma_wait3A_1410 = arith.constant 5 : i32
      %dma_wait3A_1411 = arith.constant 0 : i32
      %dma_wait3A_1412 = arith.constant 0 : i32
      %dma_wait3A_1413 = tpu.memref_slice %arg7[%dma_wait3A_1408, %dma_wait3A_1411, %dma_wait3A_1412] : memref<2x128x128xf32, #tpu.memory_space<vmem>> -> memref<1x128x128xf32, #tpu.memory_space<vmem>>
      %dma_wait3A_1414 = tpu.memref_squeeze %dma_wait3A_1413 : memref<1x128x128xf32, #tpu.memory_space<vmem>> -> memref<128x128xf32, #tpu.memory_space<vmem>>
      %dma_wait3A_1415 = arith.constant 0 : i32
      %dma_wait3A_1416 = tpu.memref_slice %arg9[%dma_wait3A_1409, %dma_wait3A_1410, %dma_wait3A_1415] : memref<2x8x128xi32, #tpu.memory_space<vmem>> -> memref<1x1x128xi32, #tpu.memory_space<vmem>>
      %dma_wait3A_1417 = tpu.memref_squeeze %dma_wait3A_1416 : memref<1x1x128xi32, #tpu.memory_space<vmem>> -> memref<128xi32, #tpu.memory_space<vmem>>
      %dma_wait3A_1418 = arith.constant 0 : i32
      %dma_wait3A_1419 = arith.constant 0 : i32
      %dma_wait3A_1420 = tpu.memref_slice %arg10[%dma_wait3A_1418, %dma_wait3A_1419] : memref<10240x128xf32, #tpu.memory_space<vmem_shared>> -> memref<10240x128xf32, #tpu.memory_space<vmem_shared>>
      tpu.wait_indirect_dma semaphore(%arg12 : memref<!tpu.dma_semaphore, #tpu.memory_space<semaphore_mem>>) src(%dma_wait3A_1414 : memref<128x128xf32, #tpu.memory_space<vmem>>) dst(%dma_wait3A_1420 : memref<10240x128xf32, #tpu.memory_space<vmem_shared>>)
      %dma_start3A_1421 = arith.constant 1 : i32
      %dma_start3A_1422 = arith.constant 7 : i32
      %dma_start3A_1423 = arith.constant 1 : i32
      %dma_start3A_1424 = arith.constant 0 : i32
      %dma_start3A_1425 = arith.constant 0 : i32
      %dma_start3A_1426 = tpu.memref_slice %arg7[%dma_start3A_1423, %dma_start3A_1424, %dma_start3A_1425] : memref<2x128x128xf32, #tpu.memory_space<vmem>> -> memref<1x64x128xf32, #tpu.memory_space<vmem>>
      %dma_start3A_1427 = tpu.memref_squeeze %dma_start3A_1426 : memref<1x64x128xf32, #tpu.memory_space<vmem>> -> memref<64x128xf32, #tpu.memory_space<vmem>>
      %dma_start3A_1428 = arith.constant 0 : i32
      %dma_start3A_1429 = tpu.memref_slice %arg8[%dma_start3A_1421, %dma_start3A_1422, %dma_start3A_1428] : memref<2x8x128xi32, #tpu.memory_space<vmem>> -> memref<1x1x64xi32, #tpu.memory_space<vmem>>
      %dma_start3A_1430 = tpu.memref_squeeze %dma_start3A_1429 : memref<1x1x64xi32, #tpu.memory_space<vmem>> -> memref<64xi32, #tpu.memory_space<vmem>>
      %dma_start3A_1431 = arith.constant 0 : i32
      %dma_start3A_1432 = arith.constant 0 : i32
      %dma_start3A_1433 = tpu.memref_slice %arg2[%dma_start3A_1431, %dma_start3A_1432] : memref<10000x128xf32, #tpu.memory_space<hbm>> -> memref<10000x128xf32, #tpu.memory_space<hbm>>
      tpu.enqueue_indirect_dma source(%dma_start3A_1433 : memref<10000x128xf32, #tpu.memory_space<hbm>>) target(%dma_start3A_1427 : memref<64x128xf32, #tpu.memory_space<vmem>>) offsets(%dma_start3A_1430 : memref<64xi32, #tpu.memory_space<vmem>>) semaphore(%arg11 : memref<!tpu.dma_semaphore, #tpu.memory_space<semaphore_mem>>)
      %dma_start3A_1434 = arith.constant 1 : i32
      %dma_start3A_1435 = arith.constant 7 : i32
      %dma_start3A_1436 = arith.constant 1 : i32
      %dma_start3A_1437 = arith.constant 64 : i32
      %dma_start3A_1438 = arith.constant 0 : i32
      %dma_start3A_1439 = tpu.memref_slice %arg7[%dma_start3A_1436, %dma_start3A_1437, %dma_start3A_1438] : memref<2x128x128xf32, #tpu.memory_space<vmem>> -> memref<1x64x128xf32, #tpu.memory_space<vmem>>
      %dma_start3A_1440 = tpu.memref_squeeze %dma_start3A_1439 : memref<1x64x128xf32, #tpu.memory_space<vmem>> -> memref<64x128xf32, #tpu.memory_space<vmem>>
      %dma_start3A_1441 = arith.constant 64 : i32
      %dma_start3A_1442 = tpu.memref_slice %arg8[%dma_start3A_1434, %dma_start3A_1435, %dma_start3A_1441] : memref<2x8x128xi32, #tpu.memory_space<vmem>> -> memref<1x1x64xi32, #tpu.memory_space<vmem>>
      %dma_start3A_1443 = tpu.memref_squeeze %dma_start3A_1442 : memref<1x1x64xi32, #tpu.memory_space<vmem>> -> memref<64xi32, #tpu.memory_space<vmem>>
      %dma_start3A_1444 = arith.constant 0 : i32
      %dma_start3A_1445 = arith.constant 0 : i32
      %dma_start3A_1446 = tpu.memref_slice %arg2[%dma_start3A_1444, %dma_start3A_1445] : memref<10000x128xf32, #tpu.memory_space<hbm>> -> memref<10000x128xf32, #tpu.memory_space<hbm>>
      tpu.enqueue_indirect_dma source(%dma_start3A_1446 : memref<10000x128xf32, #tpu.memory_space<hbm>>) target(%dma_start3A_1440 : memref<64x128xf32, #tpu.memory_space<vmem>>) offsets(%dma_start3A_1443 : memref<64xi32, #tpu.memory_space<vmem>>) semaphore(%arg11 : memref<!tpu.dma_semaphore, #tpu.memory_space<semaphore_mem>>)
      %dma_wait3A_1447 = arith.constant 1 : i32
      %dma_wait3A_1448 = arith.constant 6 : i32
      %dma_wait3A_1449 = arith.constant 0 : i32
      %dma_wait3A_1450 = arith.constant 0 : i32
      %dma_wait3A_1451 = arith.constant 0 : i32
      %dma_wait3A_1452 = tpu.memref_slice %arg7[%dma_wait3A_1449, %dma_wait3A_1450, %dma_wait3A_1451] : memref<2x128x128xf32, #tpu.memory_space<vmem>> -> memref<1x64x128xf32, #tpu.memory_space<vmem>>
      %dma_wait3A_1453 = tpu.memref_squeeze %dma_wait3A_1452 : memref<1x64x128xf32, #tpu.memory_space<vmem>> -> memref<64x128xf32, #tpu.memory_space<vmem>>
      %dma_wait3A_1454 = arith.constant 0 : i32
      %dma_wait3A_1455 = tpu.memref_slice %arg8[%dma_wait3A_1447, %dma_wait3A_1448, %dma_wait3A_1454] : memref<2x8x128xi32, #tpu.memory_space<vmem>> -> memref<1x1x64xi32, #tpu.memory_space<vmem>>
      %dma_wait3A_1456 = tpu.memref_squeeze %dma_wait3A_1455 : memref<1x1x64xi32, #tpu.memory_space<vmem>> -> memref<64xi32, #tpu.memory_space<vmem>>
      %dma_wait3A_1457 = arith.constant 0 : i32
      %dma_wait3A_1458 = arith.constant 0 : i32
      %dma_wait3A_1459 = tpu.memref_slice %arg2[%dma_wait3A_1457, %dma_wait3A_1458] : memref<10000x128xf32, #tpu.memory_space<hbm>> -> memref<10000x128xf32, #tpu.memory_space<hbm>>
      tpu.wait_indirect_dma semaphore(%arg11 : memref<!tpu.dma_semaphore, #tpu.memory_space<semaphore_mem>>) src(%dma_wait3A_1459 : memref<10000x128xf32, #tpu.memory_space<hbm>>) dst(%dma_wait3A_1453 : memref<64x128xf32, #tpu.memory_space<vmem>>)
      %dma_wait3A_1460 = arith.constant 1 : i32
      %dma_wait3A_1461 = arith.constant 6 : i32
      %dma_wait3A_1462 = arith.constant 0 : i32
      %dma_wait3A_1463 = arith.constant 64 : i32
      %dma_wait3A_1464 = arith.constant 0 : i32
      %dma_wait3A_1465 = tpu.memref_slice %arg7[%dma_wait3A_1462, %dma_wait3A_1463, %dma_wait3A_1464] : memref<2x128x128xf32, #tpu.memory_space<vmem>> -> memref<1x64x128xf32, #tpu.memory_space<vmem>>
      %dma_wait3A_1466 = tpu.memref_squeeze %dma_wait3A_1465 : memref<1x64x128xf32, #tpu.memory_space<vmem>> -> memref<64x128xf32, #tpu.memory_space<vmem>>
      %dma_wait3A_1467 = arith.constant 64 : i32
      %dma_wait3A_1468 = tpu.memref_slice %arg8[%dma_wait3A_1460, %dma_wait3A_1461, %dma_wait3A_1467] : memref<2x8x128xi32, #tpu.memory_space<vmem>> -> memref<1x1x64xi32, #tpu.memory_space<vmem>>
      %dma_wait3A_1469 = tpu.memref_squeeze %dma_wait3A_1468 : memref<1x1x64xi32, #tpu.memory_space<vmem>> -> memref<64xi32, #tpu.memory_space<vmem>>
      %dma_wait3A_1470 = arith.constant 0 : i32
      %dma_wait3A_1471 = arith.constant 0 : i32
      %dma_wait3A_1472 = tpu.memref_slice %arg2[%dma_wait3A_1470, %dma_wait3A_1471] : memref<10000x128xf32, #tpu.memory_space<hbm>> -> memref<10000x128xf32, #tpu.memory_space<hbm>>
      tpu.wait_indirect_dma semaphore(%arg11 : memref<!tpu.dma_semaphore, #tpu.memory_space<semaphore_mem>>) src(%dma_wait3A_1472 : memref<10000x128xf32, #tpu.memory_space<hbm>>) dst(%dma_wait3A_1466 : memref<64x128xf32, #tpu.memory_space<vmem>>)
      %dma_start3A_1473 = arith.constant 0 : i32
      %dma_start3A_1474 = arith.constant 1 : i32
      %dma_start3A_1475 = arith.constant 6 : i32
      %dma_start3A_1476 = arith.constant 0 : i32
      %dma_start3A_1477 = arith.constant 0 : i32
      %dma_start3A_1478 = tpu.memref_slice %arg7[%dma_start3A_1473, %dma_start3A_1476, %dma_start3A_1477] : memref<2x128x128xf32, #tpu.memory_space<vmem>> -> memref<1x128x128xf32, #tpu.memory_space<vmem>>
      %dma_start3A_1479 = tpu.memref_squeeze %dma_start3A_1478 : memref<1x128x128xf32, #tpu.memory_space<vmem>> -> memref<128x128xf32, #tpu.memory_space<vmem>>
      %dma_start3A_1480 = arith.constant 0 : i32
      %dma_start3A_1481 = tpu.memref_slice %arg9[%dma_start3A_1474, %dma_start3A_1475, %dma_start3A_1480] : memref<2x8x128xi32, #tpu.memory_space<vmem>> -> memref<1x1x128xi32, #tpu.memory_space<vmem>>
      %dma_start3A_1482 = tpu.memref_squeeze %dma_start3A_1481 : memref<1x1x128xi32, #tpu.memory_space<vmem>> -> memref<128xi32, #tpu.memory_space<vmem>>
      %dma_start3A_1483 = arith.constant 0 : i32
      %dma_start3A_1484 = arith.constant 0 : i32
      %dma_start3A_1485 = tpu.memref_slice %arg10[%dma_start3A_1483, %dma_start3A_1484] : memref<10240x128xf32, #tpu.memory_space<vmem_shared>> -> memref<10240x128xf32, #tpu.memory_space<vmem_shared>>
      tpu.enqueue_indirect_dma source(%dma_start3A_1479 : memref<128x128xf32, #tpu.memory_space<vmem>>) target(%dma_start3A_1485 : memref<10240x128xf32, #tpu.memory_space<vmem_shared>>) offsets(%dma_start3A_1482 : memref<128xi32, #tpu.memory_space<vmem>>) semaphore(%arg12 : memref<!tpu.dma_semaphore, #tpu.memory_space<semaphore_mem>>) {add = true}
      %dma_wait3A_1486 = arith.constant 1 : i32
      %dma_wait3A_1487 = arith.constant 7 : i32
      %dma_wait3A_1488 = arith.constant 1 : i32
      %dma_wait3A_1489 = arith.constant 0 : i32
      %dma_wait3A_1490 = arith.constant 0 : i32
      %dma_wait3A_1491 = tpu.memref_slice %arg7[%dma_wait3A_1488, %dma_wait3A_1489, %dma_wait3A_1490] : memref<2x128x128xf32, #tpu.memory_space<vmem>> -> memref<1x64x128xf32, #tpu.memory_space<vmem>>
      %dma_wait3A_1492 = tpu.memref_squeeze %dma_wait3A_1491 : memref<1x64x128xf32, #tpu.memory_space<vmem>> -> memref<64x128xf32, #tpu.memory_space<vmem>>
      %dma_wait3A_1493 = arith.constant 0 : i32
      %dma_wait3A_1494 = tpu.memref_slice %arg8[%dma_wait3A_1486, %dma_wait3A_1487, %dma_wait3A_1493] : memref<2x8x128xi32, #tpu.memory_space<vmem>> -> memref<1x1x64xi32, #tpu.memory_space<vmem>>
      %dma_wait3A_1495 = tpu.memref_squeeze %dma_wait3A_1494 : memref<1x1x64xi32, #tpu.memory_space<vmem>> -> memref<64xi32, #tpu.memory_space<vmem>>
      %dma_wait3A_1496 = arith.constant 0 : i32
      %dma_wait3A_1497 = arith.constant 0 : i32
      %dma_wait3A_1498 = tpu.memref_slice %arg2[%dma_wait3A_1496, %dma_wait3A_1497] : memref<10000x128xf32, #tpu.memory_space<hbm>> -> memref<10000x128xf32, #tpu.memory_space<hbm>>
      tpu.wait_indirect_dma semaphore(%arg11 : memref<!tpu.dma_semaphore, #tpu.memory_space<semaphore_mem>>) src(%dma_wait3A_1498 : memref<10000x128xf32, #tpu.memory_space<hbm>>) dst(%dma_wait3A_1492 : memref<64x128xf32, #tpu.memory_space<vmem>>)
      %dma_wait3A_1499 = arith.constant 1 : i32
      %dma_wait3A_1500 = arith.constant 7 : i32
      %dma_wait3A_1501 = arith.constant 1 : i32
      %dma_wait3A_1502 = arith.constant 64 : i32
      %dma_wait3A_1503 = arith.constant 0 : i32
      %dma_wait3A_1504 = tpu.memref_slice %arg7[%dma_wait3A_1501, %dma_wait3A_1502, %dma_wait3A_1503] : memref<2x128x128xf32, #tpu.memory_space<vmem>> -> memref<1x64x128xf32, #tpu.memory_space<vmem>>
      %dma_wait3A_1505 = tpu.memref_squeeze %dma_wait3A_1504 : memref<1x64x128xf32, #tpu.memory_space<vmem>> -> memref<64x128xf32, #tpu.memory_space<vmem>>
      %dma_wait3A_1506 = arith.constant 64 : i32
      %dma_wait3A_1507 = tpu.memref_slice %arg8[%dma_wait3A_1499, %dma_wait3A_1500, %dma_wait3A_1506] : memref<2x8x128xi32, #tpu.memory_space<vmem>> -> memref<1x1x64xi32, #tpu.memory_space<vmem>>
      %dma_wait3A_1508 = tpu.memref_squeeze %dma_wait3A_1507 : memref<1x1x64xi32, #tpu.memory_space<vmem>> -> memref<64xi32, #tpu.memory_space<vmem>>
      %dma_wait3A_1509 = arith.constant 0 : i32
      %dma_wait3A_1510 = arith.constant 0 : i32
      %dma_wait3A_1511 = tpu.memref_slice %arg2[%dma_wait3A_1509, %dma_wait3A_1510] : memref<10000x128xf32, #tpu.memory_space<hbm>> -> memref<10000x128xf32, #tpu.memory_space<hbm>>
      tpu.wait_indirect_dma semaphore(%arg11 : memref<!tpu.dma_semaphore, #tpu.memory_space<semaphore_mem>>) src(%dma_wait3A_1511 : memref<10000x128xf32, #tpu.memory_space<hbm>>) dst(%dma_wait3A_1505 : memref<64x128xf32, #tpu.memory_space<vmem>>)
      %dma_start3A_1512 = arith.constant 1 : i32
      %dma_start3A_1513 = arith.constant 1 : i32
      %dma_start3A_1514 = arith.constant 7 : i32
      %dma_start3A_1515 = arith.constant 0 : i32
      %dma_start3A_1516 = arith.constant 0 : i32
      %dma_start3A_1517 = tpu.memref_slice %arg7[%dma_start3A_1512, %dma_start3A_1515, %dma_start3A_1516] : memref<2x128x128xf32, #tpu.memory_space<vmem>> -> memref<1x128x128xf32, #tpu.memory_space<vmem>>
      %dma_start3A_1518 = tpu.memref_squeeze %dma_start3A_1517 : memref<1x128x128xf32, #tpu.memory_space<vmem>> -> memref<128x128xf32, #tpu.memory_space<vmem>>
      %dma_start3A_1519 = arith.constant 0 : i32
      %dma_start3A_1520 = tpu.memref_slice %arg9[%dma_start3A_1513, %dma_start3A_1514, %dma_start3A_1519] : memref<2x8x128xi32, #tpu.memory_space<vmem>> -> memref<1x1x128xi32, #tpu.memory_space<vmem>>
      %dma_start3A_1521 = tpu.memref_squeeze %dma_start3A_1520 : memref<1x1x128xi32, #tpu.memory_space<vmem>> -> memref<128xi32, #tpu.memory_space<vmem>>
      %dma_start3A_1522 = arith.constant 0 : i32
      %dma_start3A_1523 = arith.constant 0 : i32
      %dma_start3A_1524 = tpu.memref_slice %arg10[%dma_start3A_1522, %dma_start3A_1523] : memref<10240x128xf32, #tpu.memory_space<vmem_shared>> -> memref<10240x128xf32, #tpu.memory_space<vmem_shared>>
      tpu.enqueue_indirect_dma source(%dma_start3A_1518 : memref<128x128xf32, #tpu.memory_space<vmem>>) target(%dma_start3A_1524 : memref<10240x128xf32, #tpu.memory_space<vmem_shared>>) offsets(%dma_start3A_1521 : memref<128xi32, #tpu.memory_space<vmem>>) semaphore(%arg12 : memref<!tpu.dma_semaphore, #tpu.memory_space<semaphore_mem>>) {add = true}
      %dma_wait3A_1525 = arith.constant 0 : i32
      %dma_wait3A_1526 = arith.constant 1 : i32
      %dma_wait3A_1527 = arith.constant 6 : i32
      %dma_wait3A_1528 = arith.constant 0 : i32
      %dma_wait3A_1529 = arith.constant 0 : i32
      %dma_wait3A_1530 = tpu.memref_slice %arg7[%dma_wait3A_1525, %dma_wait3A_1528, %dma_wait3A_1529] : memref<2x128x128xf32, #tpu.memory_space<vmem>> -> memref<1x128x128xf32, #tpu.memory_space<vmem>>
      %dma_wait3A_1531 = tpu.memref_squeeze %dma_wait3A_1530 : memref<1x128x128xf32, #tpu.memory_space<vmem>> -> memref<128x128xf32, #tpu.memory_space<vmem>>
      %dma_wait3A_1532 = arith.constant 0 : i32
      %dma_wait3A_1533 = tpu.memref_slice %arg9[%dma_wait3A_1526, %dma_wait3A_1527, %dma_wait3A_1532] : memref<2x8x128xi32, #tpu.memory_space<vmem>> -> memref<1x1x128xi32, #tpu.memory_space<vmem>>
      %dma_wait3A_1534 = tpu.memref_squeeze %dma_wait3A_1533 : memref<1x1x128xi32, #tpu.memory_space<vmem>> -> memref<128xi32, #tpu.memory_space<vmem>>
      %dma_wait3A_1535 = arith.constant 0 : i32
      %dma_wait3A_1536 = arith.constant 0 : i32
      %dma_wait3A_1537 = tpu.memref_slice %arg10[%dma_wait3A_1535, %dma_wait3A_1536] : memref<10240x128xf32, #tpu.memory_space<vmem_shared>> -> memref<10240x128xf32, #tpu.memory_space<vmem_shared>>
      tpu.wait_indirect_dma semaphore(%arg12 : memref<!tpu.dma_semaphore, #tpu.memory_space<semaphore_mem>>) src(%dma_wait3A_1531 : memref<128x128xf32, #tpu.memory_space<vmem>>) dst(%dma_wait3A_1537 : memref<10240x128xf32, #tpu.memory_space<vmem_shared>>)
      %dma_wait3A_1538 = arith.constant 1 : i32
      %dma_wait3A_1539 = arith.constant 1 : i32
      %dma_wait3A_1540 = arith.constant 7 : i32
      %dma_wait3A_1541 = arith.constant 0 : i32
      %dma_wait3A_1542 = arith.constant 0 : i32
      %dma_wait3A_1543 = tpu.memref_slice %arg7[%dma_wait3A_1538, %dma_wait3A_1541, %dma_wait3A_1542] : memref<2x128x128xf32, #tpu.memory_space<vmem>> -> memref<1x128x128xf32, #tpu.memory_space<vmem>>
      %dma_wait3A_1544 = tpu.memref_squeeze %dma_wait3A_1543 : memref<1x128x128xf32, #tpu.memory_space<vmem>> -> memref<128x128xf32, #tpu.memory_space<vmem>>
      %dma_wait3A_1545 = arith.constant 0 : i32
      %dma_wait3A_1546 = tpu.memref_slice %arg9[%dma_wait3A_1539, %dma_wait3A_1540, %dma_wait3A_1545] : memref<2x8x128xi32, #tpu.memory_space<vmem>> -> memref<1x1x128xi32, #tpu.memory_space<vmem>>
      %dma_wait3A_1547 = tpu.memref_squeeze %dma_wait3A_1546 : memref<1x1x128xi32, #tpu.memory_space<vmem>> -> memref<128xi32, #tpu.memory_space<vmem>>
      %dma_wait3A_1548 = arith.constant 0 : i32
      %dma_wait3A_1549 = arith.constant 0 : i32
      %dma_wait3A_1550 = tpu.memref_slice %arg10[%dma_wait3A_1548, %dma_wait3A_1549] : memref<10240x128xf32, #tpu.memory_space<vmem_shared>> -> memref<10240x128xf32, #tpu.memory_space<vmem_shared>>
      tpu.wait_indirect_dma semaphore(%arg12 : memref<!tpu.dma_semaphore, #tpu.memory_space<semaphore_mem>>) src(%dma_wait3A_1544 : memref<128x128xf32, #tpu.memory_space<vmem>>) dst(%dma_wait3A_1550 : memref<10240x128xf32, #tpu.memory_space<vmem_shared>>)
      %lt3A_1551 = arith.constant 4 : i32
      %lt3A_1552 = arith.cmpi slt, %scan3A_245, %lt3A_1551 : i32
      %convert_element_type3A_1553 = arith.extui %lt3A_1552 : i1 to i32
      %cond3A_1554 = arith.constant 0 : i32
      %cond3A_1555 = arith.cmpi ne, %convert_element_type3A_1553, %cond3A_1554 : i32
      scf.if %cond3A_1555 {
        %add3A_1556 = arith.constant 1 : i32
        %add3A_1557 = arith.addi %scan3A_245, %add3A_1556 : i32
        %mul3A_1558 = arith.constant 2 : i32
        %mul3A_1559 = arith.muli %mul3A_1558, %add3A_1557 : i32
        %add3A_1560 = arith.constant 1 : i32
        %add3A_1561 = arith.addi %mul3A_1559, %add3A_1560 : i32
        %mul3A_1562 = arith.constant 8 : i32
        %mul3A_1563 = arith.muli %add3A_1561, %mul3A_1562 : i32
        %add3A_1564 = arith.addi %mul3A_2, %mul3A_1563 : i32
        %dma_start3A_1565 = arith.constant 1 : i32
        %dma_start3A_1566 = arith.constant 0 : i32
        %dma_start3A_1567 = arith.constant 0 : i32
        %dma_start3A_1568 = tpu.memref_slice %arg8[%dma_start3A_1565, %dma_start3A_1566, %dma_start3A_1567] : memref<2x8x128xi32, #tpu.memory_space<vmem>> -> memref<1x8x128xi32, #tpu.memory_space<vmem>>
        %dma_start3A_1569 = tpu.memref_squeeze %dma_start3A_1568 : memref<1x8x128xi32, #tpu.memory_space<vmem>> -> memref<8x128xi32, #tpu.memory_space<vmem>>
        %dma_start3A_1570 = arith.constant 0 : i32
        %dma_start3A_1571 = tpu.memref_slice %arg3[%add3A_1564, %dma_start3A_1570] : memref<2560x128xi32, #tpu.memory_space<hbm>> -> memref<8x128xi32, #tpu.memory_space<hbm>>
        %dma_start3A_1572 = arith.constant 0 : i32
        %dma_start3A_1573 = arith.constant 0 : i32
        %dma_start3A_1574 = tpu.memref_slice %arg8[%dma_start3A_1565, %dma_start3A_1572, %dma_start3A_1573] : memref<2x8x128xi32, #tpu.memory_space<vmem>> -> memref<1x8x128xi32, #tpu.memory_space<vmem>>
        %dma_start3A_1575 = tpu.memref_squeeze %dma_start3A_1574 : memref<1x8x128xi32, #tpu.memory_space<vmem>> -> memref<8x128xi32, #tpu.memory_space<vmem>>
        %dma_start3A_1576 = arith.constant 0 : i32
        %dma_start3A_1577 = tpu.memref_slice %arg3[%add3A_1564, %dma_start3A_1576] : memref<2560x128xi32, #tpu.memory_space<hbm>> -> memref<8x128xi32, #tpu.memory_space<hbm>>
        tpu.enqueue_dma source(%dma_start3A_1577 : memref<8x128xi32, #tpu.memory_space<hbm>>) target(%dma_start3A_1575 : memref<8x128xi32, #tpu.memory_space<vmem>>) target_semaphore(%arg13 : memref<!tpu.dma_semaphore, #tpu.memory_space<semaphore_mem>>)
        %dma_start3A_1578 = arith.constant 1 : i32
        %dma_start3A_1579 = arith.constant 0 : i32
        %dma_start3A_1580 = arith.constant 0 : i32
        %dma_start3A_1581 = tpu.memref_slice %arg9[%dma_start3A_1578, %dma_start3A_1579, %dma_start3A_1580] : memref<2x8x128xi32, #tpu.memory_space<vmem>> -> memref<1x8x128xi32, #tpu.memory_space<vmem>>
        %dma_start3A_1582 = tpu.memref_squeeze %dma_start3A_1581 : memref<1x8x128xi32, #tpu.memory_space<vmem>> -> memref<8x128xi32, #tpu.memory_space<vmem>>
        %dma_start3A_1583 = arith.constant 0 : i32
        %dma_start3A_1584 = tpu.memref_slice %arg4[%add3A_1564, %dma_start3A_1583] : memref<2560x128xi32, #tpu.memory_space<hbm>> -> memref<8x128xi32, #tpu.memory_space<hbm>>
        %dma_start3A_1585 = arith.constant 0 : i32
        %dma_start3A_1586 = arith.constant 0 : i32
        %dma_start3A_1587 = tpu.memref_slice %arg9[%dma_start3A_1578, %dma_start3A_1585, %dma_start3A_1586] : memref<2x8x128xi32, #tpu.memory_space<vmem>> -> memref<1x8x128xi32, #tpu.memory_space<vmem>>
        %dma_start3A_1588 = tpu.memref_squeeze %dma_start3A_1587 : memref<1x8x128xi32, #tpu.memory_space<vmem>> -> memref<8x128xi32, #tpu.memory_space<vmem>>
        %dma_start3A_1589 = arith.constant 0 : i32
        %dma_start3A_1590 = tpu.memref_slice %arg4[%add3A_1564, %dma_start3A_1589] : memref<2560x128xi32, #tpu.memory_space<hbm>> -> memref<8x128xi32, #tpu.memory_space<hbm>>
        tpu.enqueue_dma source(%dma_start3A_1590 : memref<8x128xi32, #tpu.memory_space<hbm>>) target(%dma_start3A_1588 : memref<8x128xi32, #tpu.memory_space<vmem>>) target_semaphore(%arg13 : memref<!tpu.dma_semaphore, #tpu.memory_space<semaphore_mem>>)
      } else {
      }
    }
    %scan3A_218 = arith.constant 5 : i32
    %barrier3A_219 = arith.constant 0 : index
    tpu.barrier barrier_id(%barrier3A_219)
    %add3A_220 = arith.constant 0 : i32
    %add3A_221 = arith.addi %arg1, %add3A_220 : i32
    %lt3A = arith.constant 25 : i32
    %lt3A_222 = arith.cmpi slt, %add3A_221, %lt3A : i32
    %convert_element_type3A = arith.extui %lt3A_222 : i1 to i32
    %cond3A = arith.constant 0 : i32
    %cond3A_223 = arith.cmpi ne, %convert_element_type3A, %cond3A : i32
    scf.if %cond3A_223 {
      %eq3A = arith.constant 0 : i32
      %eq3A_245 = arith.cmpi eq, %arg0, %eq3A : i32
      %convert_element_type3A_246 = arith.extui %eq3A_245 : i1 to i32
      %cond3A_247 = arith.constant 0 : i32
      %cond3A_248 = arith.cmpi ne, %convert_element_type3A_246, %cond3A_247 : i32
      scf.if %cond3A_248 {
        %mul3A_254 = arith.constant 400 : i32
        %mul3A_255 = arith.muli %add3A_221, %mul3A_254 : i32
        %mul3A_256 = arith.constant 400 : i32
        %mul3A_257 = arith.muli %add3A_221, %mul3A_256 : i32
        %dma_start3A_258 = arith.constant 0 : i32
        %dma_start3A_259 = tpu.memref_slice %arg5[%mul3A_257, %dma_start3A_258] : memref<10000x128xf32, #tpu.memory_space<hbm>> -> memref<400x128xf32, #tpu.memory_space<hbm>>
        %dma_start3A_260 = arith.constant 0 : i32
        %dma_start3A_261 = tpu.memref_slice %arg10[%mul3A_255, %dma_start3A_260] : memref<10240x128xf32, #tpu.memory_space<vmem_shared>> -> memref<400x128xf32, #tpu.memory_space<vmem_shared>>
        tpu.enqueue_dma source(%dma_start3A_261 : memref<400x128xf32, #tpu.memory_space<vmem_shared>>) target(%dma_start3A_259 : memref<400x128xf32, #tpu.memory_space<hbm>>) target_semaphore(%arg11 : memref<!tpu.dma_semaphore, #tpu.memory_space<semaphore_mem>>)
      } else {
      }
      %eq3A_249 = arith.constant 1 : i32
      %eq3A_250 = arith.cmpi eq, %arg0, %eq3A_249 : i32
      %convert_element_type3A_251 = arith.extui %eq3A_250 : i1 to i32
      %cond3A_252 = arith.constant 0 : i32
      %cond3A_253 = arith.cmpi ne, %convert_element_type3A_251, %cond3A_252 : i32
      scf.if %cond3A_253 {
        %mul3A_254 = arith.constant 400 : i32
        %mul3A_255 = arith.muli %add3A_221, %mul3A_254 : i32
        %mul3A_256 = arith.constant 400 : i32
        %mul3A_257 = arith.muli %add3A_221, %mul3A_256 : i32
        %dma_start3A_258 = arith.constant 0 : i32
        %dma_start3A_259 = tpu.memref_slice %arg6[%mul3A_257, %dma_start3A_258] : memref<10000x128xf32, #tpu.memory_space<hbm>> -> memref<400x128xf32, #tpu.memory_space<hbm>>
        %dma_start3A_260 = arith.constant 0 : i32
        %dma_start3A_261 = tpu.memref_slice %arg10[%mul3A_255, %dma_start3A_260] : memref<10240x128xf32, #tpu.memory_space<vmem_shared>> -> memref<400x128xf32, #tpu.memory_space<vmem_shared>>
        tpu.enqueue_dma source(%dma_start3A_261 : memref<400x128xf32, #tpu.memory_space<vmem_shared>>) target(%dma_start3A_259 : memref<400x128xf32, #tpu.memory_space<hbm>>) target_semaphore(%arg11 : memref<!tpu.dma_semaphore, #tpu.memory_space<semaphore_mem>>)
      } else {
      }
    } else {
    }
    %add3A_224 = arith.constant 16 : i32
    %add3A_225 = arith.addi %arg1, %add3A_224 : i32
    %lt3A_226 = arith.constant 25 : i32
    %lt3A_227 = arith.cmpi slt, %add3A_225, %lt3A_226 : i32
    %convert_element_type3A_228 = arith.extui %lt3A_227 : i1 to i32
    %cond3A_229 = arith.constant 0 : i32
    %cond3A_230 = arith.cmpi ne, %convert_element_type3A_228, %cond3A_229 : i32
    scf.if %cond3A_230 {
      %eq3A = arith.constant 0 : i32
      %eq3A_245 = arith.cmpi eq, %arg0, %eq3A : i32
      %convert_element_type3A_246 = arith.extui %eq3A_245 : i1 to i32
      %cond3A_247 = arith.constant 0 : i32
      %cond3A_248 = arith.cmpi ne, %convert_element_type3A_246, %cond3A_247 : i32
      scf.if %cond3A_248 {
        %mul3A_254 = arith.constant 400 : i32
        %mul3A_255 = arith.muli %add3A_225, %mul3A_254 : i32
        %mul3A_256 = arith.constant 400 : i32
        %mul3A_257 = arith.muli %add3A_225, %mul3A_256 : i32
        %dma_start3A_258 = arith.constant 0 : i32
        %dma_start3A_259 = tpu.memref_slice %arg5[%mul3A_257, %dma_start3A_258] : memref<10000x128xf32, #tpu.memory_space<hbm>> -> memref<400x128xf32, #tpu.memory_space<hbm>>
        %dma_start3A_260 = arith.constant 0 : i32
        %dma_start3A_261 = tpu.memref_slice %arg10[%mul3A_255, %dma_start3A_260] : memref<10240x128xf32, #tpu.memory_space<vmem_shared>> -> memref<400x128xf32, #tpu.memory_space<vmem_shared>>
        tpu.enqueue_dma source(%dma_start3A_261 : memref<400x128xf32, #tpu.memory_space<vmem_shared>>) target(%dma_start3A_259 : memref<400x128xf32, #tpu.memory_space<hbm>>) target_semaphore(%arg11 : memref<!tpu.dma_semaphore, #tpu.memory_space<semaphore_mem>>)
      } else {
      }
      %eq3A_249 = arith.constant 1 : i32
      %eq3A_250 = arith.cmpi eq, %arg0, %eq3A_249 : i32
      %convert_element_type3A_251 = arith.extui %eq3A_250 : i1 to i32
      %cond3A_252 = arith.constant 0 : i32
      %cond3A_253 = arith.cmpi ne, %convert_element_type3A_251, %cond3A_252 : i32
      scf.if %cond3A_253 {
        %mul3A_254 = arith.constant 400 : i32
        %mul3A_255 = arith.muli %add3A_225, %mul3A_254 : i32
        %mul3A_256 = arith.constant 400 : i32
        %mul3A_257 = arith.muli %add3A_225, %mul3A_256 : i32
        %dma_start3A_258 = arith.constant 0 : i32
        %dma_start3A_259 = tpu.memref_slice %arg6[%mul3A_257, %dma_start3A_258] : memref<10000x128xf32, #tpu.memory_space<hbm>> -> memref<400x128xf32, #tpu.memory_space<hbm>>
        %dma_start3A_260 = arith.constant 0 : i32
        %dma_start3A_261 = tpu.memref_slice %arg10[%mul3A_255, %dma_start3A_260] : memref<10240x128xf32, #tpu.memory_space<vmem_shared>> -> memref<400x128xf32, #tpu.memory_space<vmem_shared>>
        tpu.enqueue_dma source(%dma_start3A_261 : memref<400x128xf32, #tpu.memory_space<vmem_shared>>) target(%dma_start3A_259 : memref<400x128xf32, #tpu.memory_space<hbm>>) target_semaphore(%arg11 : memref<!tpu.dma_semaphore, #tpu.memory_space<semaphore_mem>>)
      } else {
      }
    } else {
    }
    %add3A_231 = arith.constant 0 : i32
    %add3A_232 = arith.addi %arg1, %add3A_231 : i32
    %lt3A_233 = arith.constant 25 : i32
    %lt3A_234 = arith.cmpi slt, %add3A_232, %lt3A_233 : i32
    %convert_element_type3A_235 = arith.extui %lt3A_234 : i1 to i32
    %cond3A_236 = arith.constant 0 : i32
    %cond3A_237 = arith.cmpi ne, %convert_element_type3A_235, %cond3A_236 : i32
    scf.if %cond3A_237 {
      %dma_wait3A_245 = arith.constant 0 : i32
      %dma_wait3A_246 = arith.constant 0 : i32
      %dma_wait3A_247 = tpu.memref_slice %arg5[%dma_wait3A_245, %dma_wait3A_246] : memref<10000x128xf32, #tpu.memory_space<hbm>> -> memref<400x128xf32, #tpu.memory_space<hbm>>
      %dma_wait3A_248 = arith.constant 0 : i32
      %dma_wait3A_249 = arith.constant 0 : i32
      %dma_wait3A_250 = tpu.memref_slice %arg10[%dma_wait3A_248, %dma_wait3A_249] : memref<10240x128xf32, #tpu.memory_space<vmem_shared>> -> memref<400x128xf32, #tpu.memory_space<vmem_shared>>
      tpu.wait_dma2 semaphore(%arg11 : memref<!tpu.dma_semaphore, #tpu.memory_space<semaphore_mem>>) src(%dma_wait3A_250 : memref<400x128xf32, #tpu.memory_space<vmem_shared>>) dst(%dma_wait3A_247 : memref<400x128xf32, #tpu.memory_space<hbm>>)
    } else {
    }
    %add3A_238 = arith.constant 16 : i32
    %add3A_239 = arith.addi %arg1, %add3A_238 : i32
    %lt3A_240 = arith.constant 25 : i32
    %lt3A_241 = arith.cmpi slt, %add3A_239, %lt3A_240 : i32
    %convert_element_type3A_242 = arith.extui %lt3A_241 : i1 to i32
    %cond3A_243 = arith.constant 0 : i32
    %cond3A_244 = arith.cmpi ne, %convert_element_type3A_242, %cond3A_243 : i32
    scf.if %cond3A_244 {
      %dma_wait3A_245 = arith.constant 0 : i32
      %dma_wait3A_246 = arith.constant 0 : i32
      %dma_wait3A_247 = tpu.memref_slice %arg5[%dma_wait3A_245, %dma_wait3A_246] : memref<10000x128xf32, #tpu.memory_space<hbm>> -> memref<400x128xf32, #tpu.memory_space<hbm>>
      %dma_wait3A_248 = arith.constant 0 : i32
      %dma_wait3A_249 = arith.constant 0 : i32
      %dma_wait3A_250 = tpu.memref_slice %arg10[%dma_wait3A_248, %dma_wait3A_249] : memref<10240x128xf32, #tpu.memory_space<vmem_shared>> -> memref<400x128xf32, #tpu.memory_space<vmem_shared>>
      tpu.wait_dma2 semaphore(%arg11 : memref<!tpu.dma_semaphore, #tpu.memory_space<semaphore_mem>>) src(%dma_wait3A_250 : memref<400x128xf32, #tpu.memory_space<vmem_shared>>) dst(%dma_wait3A_247 : memref<400x128xf32, #tpu.memory_space<hbm>>)
    } else {
    }
    return
  }
}

module attributes {stable_mosaic.version = 14 : i64} {
  func.func @_combine_body(%arg0: i32, %arg1: memref<2000x128xf32, #tpu.memory_space<vmem>>, %arg2: memref<128x128xf32, #tpu.memory_space<vmem>>, %arg3: memref<2000x128xf32, #tpu.memory_space<vmem>>, %arg4: memref<2000x128xf32, #tpu.memory_space<vmem>>, %arg5: memref<2000x128xf32, #tpu.memory_space<vmem>>) attributes {dimension_semantics = [#tpu.dimension_semantics<arbitrary>], iteration_bounds = array<i64: 5>, scalar_prefetch = 0 : i64, scratch_operands = 0 : i64, tpu.core_type = #tpu.core_type<tc>, window_params = [{transform_indices = @transform_0, window_bounds = array<i64: 2000, 128>}, {pipeline_mode = #tpu.pipeline_mode<synchronous>, transform_indices = @transform_1, window_bounds = array<i64: 128, 128>}, {transform_indices = @transform_2, window_bounds = array<i64: 2000, 128>}, {transform_indices = @transform_3, window_bounds = array<i64: 2000, 128>}, {transform_indices = @transform_4, window_bounds = array<i64: 2000, 128>}]} {
    %get3A = arith.constant 0 : index
    %get3A_0 = arith.constant 0 : index
    %get3A_1 = vector.load %arg1[%get3A, %get3A_0] : memref<2000x128xf32, #tpu.memory_space<vmem>>, vector<2000x128xf32>
    %get3A_2 = arith.constant 0 : index
    %get3A_3 = arith.constant 0 : index
    %get3A_4 = vector.load %arg2[%get3A_2, %get3A_3] : memref<128x128xf32, #tpu.memory_space<vmem>>, vector<128x128xf32>
    %dot_general3A = arith.constant dense<0.000000e+00> : vector<2000x128xf32>
    %dot_general3A_5 = tpu.matmul %get3A_1, %get3A_4, %dot_general3A {dimension_numbers = #tpu.dot_dimension_numbers<[1], [0], [0], [1], [0, 0, 1, 1], [], []>, transpose_lhs_hint = false} : vector<2000x128xf32>, vector<128x128xf32>, vector<2000x128xf32> -> vector<2000x128xf32>
    %get3A_6 = arith.constant 0 : index
    %get3A_7 = arith.constant 0 : index
    %get3A_8 = vector.load %arg3[%get3A_6, %get3A_7] : memref<2000x128xf32, #tpu.memory_space<vmem>>, vector<2000x128xf32>
    %add3A = arith.addf %dot_general3A_5, %get3A_8 : vector<2000x128xf32>
    %get3A_9 = arith.constant 0 : index
    %get3A_10 = arith.constant 0 : index
    %get3A_11 = vector.load %arg4[%get3A_9, %get3A_10] : memref<2000x128xf32, #tpu.memory_space<vmem>>, vector<2000x128xf32>
    %add3A_12 = arith.addf %add3A, %get3A_11 : vector<2000x128xf32>
    %swap3A = arith.constant 0 : index
    %swap3A_13 = arith.constant 0 : index
    %swap3A_14 = vector.load %arg5[%swap3A, %swap3A_13] : memref<2000x128xf32, #tpu.memory_space<vmem>>, vector<2000x128xf32>
    tpu.vector_store %arg5[%swap3A, %swap3A_13], %add3A_12 {strides = array<i32>} : memref<2000x128xf32, #tpu.memory_space<vmem>>, vector<2000x128xf32>,
    return
  }
  func.func @transform_0(%arg0: i32) -> (i32, i32) {
    %c0_i32 = arith.constant 0 : i32
    %c0_i32_0 = arith.constant 0 : i32
    return %arg0, %c0_i32 : i32, i32
  }
  func.func @transform_1(%arg0: i32) -> (i32, i32) {
    %c0_i32 = arith.constant 0 : i32
    %c0_i32_0 = arith.constant 0 : i32
    %c0_i32_1 = arith.constant 0 : i32
    return %c0_i32, %c0_i32_0 : i32, i32
  }
  func.func @transform_2(%arg0: i32) -> (i32, i32) {
    %c0_i32 = arith.constant 0 : i32
    %c0_i32_0 = arith.constant 0 : i32
    return %arg0, %c0_i32 : i32, i32
  }
  func.func @transform_3(%arg0: i32) -> (i32, i32) {
    %c0_i32 = arith.constant 0 : i32
    %c0_i32_0 = arith.constant 0 : i32
    return %arg0, %c0_i32 : i32, i32
  }
  func.func @transform_4(%arg0: i32) -> (i32, i32) {
    %c0_i32 = arith.constant 0 : i32
    %c0_i32_0 = arith.constant 0 : i32
    return %arg0, %c0_i32 : i32, i32
  }
}

</mosaic_0001>

<sc_bundles>
// kernel: kernel.4.cloned.1.call-start
scs
__scs_entry_jumppad:
0x0: {  	(pc) =	sbr.rel $0x88, $3  }
0x1: {  	(tag) =	ssettag $0x0;
	lr =	simm.s32 $0x1  }
0x2: {  	[smem:$0x3F9E] =	sst lr;
	_ =	strace $0xD0000000  }
0x3: {  	_ = 	snop  }
0x4: {  	_ = 	snop  }
0x5: {  	_ = 	snop  }
0x6: {  	_ = 	snop  }
0x7: {  	_ = 	snop  }
__scs_overlays_trampoline_lowered:
0x8: {  	[smem:$0x3FAD] =	sst s0  }
0x9: {  	[smem:$0x3FAE] =	sst s1  }
0xa: {  	[smem:$0x3FAF] =	sst s2  }
0xb: {  	[smem:$0x3FB0] =	sst s3  }
0xc: {  	[smem:$0x3FB1] =	sst s4  }
0xd: {  	[smem:$0x3FB2] =	sst s5  }
0xe: {  	[smem:$0x3FB3] =	sst s6  }
0xf: {  	[smem:$0x3FB4] =	sst s7  }
0x10: {  	[smem:$0x3FB5] =	sst s8  }
0x11: {  	[smem:$0x3FB6] =	sst s9;
	s0 =	simm.s32 @!p0 $0x0  }
0x12: {  	s1 =	sld [smem:$0x3F9C];
	s0 =	simm.s32 @p0 $0x1  }
0x13: {  	[smem:$0x3FB7] =	sst s0;
	s0 =	simm.s32 @!p1 $0x0  }
0x14: {  	s2 =	sld [smem:$0x3F9B];
	s0 =	simm.s32 @p1 $0x1  }
0x15: {  	[smem:$0x3FB8] =	sst s0;
	s0 =	simm.s32 @!p2 $0x0  }
0x16: {  	s3 =	sld [smem:$0x3FDB];
	s0 =	simm.s32 @p2 $0x1  }
0x17: {  	s4 =	simm.s32 $0x1BF5;
	[smem:$0x3FBA] =	sst s0  }
0x18: {  	s0 =	sld [smem:$0x3F9D];
	_ =	swait.ge [sflag:s4], $0x0  }
0x19: {  	s7 =	sld [smem:$0x3F9E]  }
0x1a: {  	s8 =	sadd.s32 $0xFFFFE003, lr  }
0x1b: {  	s9 =	sadd.s32 $0xFFFFFEF7, lr;
	s5 =	simm.s32 $0xFFFFFFFF;
	p2 =	slt.u32 s8, $0xFFFFF086  }
0x1c: {  	p1 =	slt.u32 s9, $0xF7A;
	s5 =	simm.s32 @!p2 $0x0  }
0x1d: {  	s5 =	simm.s32 @p1 $0x1;
	p0 =	seq.s32 s7, s2  }
0x1e: {  	s7 =	smul.u32 @!p0 $0xF7A, s2;
	p2 =	seq.s32 @!p0 s5, $0x0  }
0x1f: {  	s9 =	smul.u32 $0xF7A, s1;
	s8 =	simm.s32 @!p0 $0x1BF5;
	p2 =	por !p2, p0  }
0x20: {  	[sflag:s8] =	ssyncset.s32 @!p0 $0xFFFFF086;
	s6 =	sadd.s32 @!p0 s3, s7;
	s7 =	simm.s32 @!p0 $0x108  }
0x21: {  	s3 =	sadd.s32 s3, s9;
	s6 =	sadd.s32 @!p0 $0x88, s6;
	s7 =	simm.s32 @p2 $0x1082  }
0x22: {  	[simem:s7], [sflag:s8] =	dma.local @!p0 [hbm:s6], $0xF7A  }
0x23: {  	s9 =	sor.u32 $0xD0000000, s2;
	s6 =	simm.s32 $0x108;
	_ =	swait.ge @!p0 [sflag:s8], $0x0  }
0x24: {  	s3 =	sadd.s32 $0x88, s3;
	s6 =	simm.s32 @!p1 $0x1082;
	[sflag:s4] =	ssyncset.s32 $0xFFFFF086  }
0x25: {  	[simem:s6], [sflag:s4] =	dma.local [hbm:s3], $0xF7A  }
0x26: {  	[smem:$0x3F9E] =	sst s1;
	(tag) =	ssettag s2;
	_ =	strace s9  }
0x27: {  	s1 =	sld [smem:$0x3FAE]  }
0x28: {  	s2 =	sld [smem:$0x3FAF]  }
0x29: {  	s4 =	sld [smem:$0x3FB1]  }
0x2a: {  	p0 =	seq.s32 s5, $0x0;
	s5 =	sld [smem:$0x3FB2]  }
0x2b: {  	s6 =	sld [smem:$0x3FB3]  }
0x2c: {  	s7 =	sld [smem:$0x3FB4]  }
0x2d: {  	s3 =	simm.s32 $0x108;
	s8 =	sld [smem:$0x3FB5]  }
0x2e: {  	s3 =	simm.s32 @!p0 $0x1082;
	s9 =	sld [smem:$0x3FB6]  }
0x2f: {  	lr =	sadd.s32 s0, s3;
	s0 =	sld [smem:$0x3FAD]  }
0x30: {  	s3 =	sld [smem:$0x3FB0]  }
0x31: {  	[smem:$0x3FB9] =	sst s10  }
0x32: {  	s10 =	sld [smem:$0x3FB7];
	_ =	sdelay $0x3  }
0x33: {  	p0 =	seq.s32 s10, $0x1;
	s10 =	sld [smem:$0x3FB9];
	_ =	sdelay $0x3  }
0x34: {  	[smem:$0x3FB9] =	sst s10  }
0x35: {  	s10 =	sld [smem:$0x3FB8];
	_ =	sdelay $0x3  }
0x36: {  	p1 =	seq.s32 s10, $0x1;
	s10 =	sld [smem:$0x3FB9];
	_ =	sdelay $0x3  }
0x37: {  	[smem:$0x3FB9] =	sst s10  }
0x38: {  	s10 =	sld [smem:$0x3FBA]  }
0x39: {  	_ = 	snop;
	(pc) =	sbr.ind lr, $3  }
0x3a: {  	_ = 	snop  }
0x3b: {  	_ = 	snop  }
0x3c: {  	p2 =	seq.s32 s10, $0x1;
	s10 =	sld [smem:$0x3FB9]  }
0x3d: {  	_ =	shalt  }
0x3e: {  	_ =	shalt  }
0x3f: {  	_ =	shalt  }
0x40: {  	_ =	shalt  }
0x41: {  	_ =	shalt  }
0x42: {  	_ =	shalt  }
0x43: {  	_ =	shalt  }
0x44: {  	_ =	shalt  }
0x45: {  	_ =	shalt  }
0x46: {  	_ =	shalt  }
0x47: {  	_ =	shalt  }
0x48: {  	_ =	shalt  }
0x49: {  	_ =	shalt  }
0x4a: {  	_ =	shalt  }
0x4b: {  	_ =	shalt  }
0x4c: {  	_ =	shalt  }
0x4d: {  	_ =	shalt  }
0x4e: {  	_ =	shalt  }
0x4f: {  	_ =	shalt  }
0x50: {  	_ =	shalt  }
0x51: {  	_ =	shalt  }
0x52: {  	_ =	shalt  }
0x53: {  	_ =	shalt  }
0x54: {  	_ =	shalt  }
0x55: {  	_ =	shalt  }
0x56: {  	_ =	shalt  }
0x57: {  	_ =	shalt  }
0x58: {  	_ =	shalt  }
0x59: {  	_ =	shalt  }
0x5a: {  	_ =	shalt  }
0x5b: {  	_ =	shalt  }
0x5c: {  	_ =	shalt  }
0x5d: {  	_ =	shalt  }
0x5e: {  	_ =	shalt  }
0x5f: {  	_ =	shalt  }
0x60: {  	_ =	shalt  }
0x61: {  	_ =	shalt  }
0x62: {  	_ =	shalt  }
0x63: {  	_ =	shalt  }
0x64: {  	_ =	shalt  }
0x65: {  	_ =	shalt  }
0x66: {  	_ =	shalt  }
0x67: {  	_ =	shalt  }
0x68: {  	_ =	shalt  }
0x69: {  	_ =	shalt  }
0x6a: {  	_ =	shalt  }
0x6b: {  	_ =	shalt  }
0x6c: {  	_ =	shalt  }
0x6d: {  	_ =	shalt  }
0x6e: {  	_ =	shalt  }
0x6f: {  	_ =	shalt  }
0x70: {  	_ =	shalt  }
0x71: {  	_ =	shalt  }
0x72: {  	_ =	shalt  }
0x73: {  	_ =	shalt  }
0x74: {  	_ =	shalt  }
0x75: {  	_ =	shalt  }
0x76: {  	_ =	shalt  }
0x77: {  	_ =	shalt  }
0x78: {  	_ =	shalt  }
0x79: {  	_ =	shalt  }
0x7a: {  	_ =	shalt  }
0x7b: {  	_ =	shalt  }
0x7c: {  	_ =	shalt  }
0x7d: {  	_ =	shalt  }
0x7e: {  	_ =	shalt  }
0x7f: {  	_ =	shalt  }
0x80: {  	_ =	shalt  }
0x81: {  	_ =	shalt  }
0x82: {  	_ =	shalt  }
0x83: {  	_ =	shalt  }
0x84: {  	_ =	shalt  }
0x85: {  	_ =	shalt  }
0x86: {  	_ =	shalt  }
0x87: {  	_ =	shalt  }
.Lfunc_end0:
.L_simem_size_0:
called_computation_lowered:
.L_overlay_start_0:
0x88: {  	s2 =	sld [smem:$0x3FD9]  }
0x89: {  	s3 =	sld [smem:$0x3FFE];
	_ =	sdelay $0x1  }
0x8a: {  	s1 =	srdreg.scid  }
0x8b: {  	s0 =	sand.u32 $0x1, s1  }
0x8c: {  	s17 =	sshll.u32 s0, $0xA;
	s2 =	sadd.s32 s3, s2  }
0x8d: {  	s2 =	sadd.s32 s2, s17  }
0x8e: {  	[smem:$0x3FC5] =	sst s2  }
0x8f: {  	_ = 	snop  }
0x90: {  	s2 =	sld [smem:$0x3FC9]  }
0x91: {  	s18 =	sld [smem:$0x3FD0];
	(tm) =	ssettm $0x1  }
0x92: {  	s4 =	sld [smem:$0x3FFB];
	_ =	sdelay $0x3  }
0x93: {  	_ =	strace s4  }
0x94: {  	s4 =	sld [smem:$0x3FFC];
	_ =	sdelay $0x3  }
0x95: {  	_ =	strace s4  }
0x96: {  	s4 =	sld [smem:$0x3FFD];
	_ =	sdelay $0x3  }
0x97: {  	_ =	strace s4  }
0x98: {  	_ =	strace $0x8FFFFFFF  }
0x99: {  	s19 =	sld [smem:$0x3FDB];
	_ =	sdelay $0x1  }
0x9a: {  	s5 =	simm.s32 $_scs_section_size  }
0x9b: {  	s6 =	simm.s32 $_size__tile_overlayer_lowered;
	s7 =	simm.s32 $_tile_overlayer_lowered  }
0x9c: {  	s22 =	simm.s32 $0x1BFF;
	s21 =	sshll.u32 s7, $0x1;
	s4 =	sadd.s32 s5, s19  }
0x9d: {  	s8 =	simm.s32 $0x0;
	s20 =	sshll.u32 s6, $0x1;
	s6 =	sadd.s32 s21, s4  }
0x9e: {  	[timem:s8], [sflag:s22] =	dma.local [hbm:s6], s20  }
0x9f: {  	_ =	swait.ge [sflag:s22], s20  }
0xa0: {  	s5 =	ssub.s32 $0x0, s20;
	[sflag:s22] =	ssyncset.done $0x0  }
0xa1: {  	[sflag:s22] =	ssyncadd.s32 s5;
	_ =	sdelay $0x1  }
0xa2: {  	s23 =	simm.s32 $0x1B8B  }
0xa3: {  	_ =	swait.ge [sflag:s23], $0x1  }
0xa4: {  	[sflag:s23] =	ssyncset.done $0x0  }
0xa5: {  	s25 =	simm.s32 $0x1B8E;
	s24 =	sld [smem:$0x3FFE];
	[sflag:s23] =	ssyncadd.s32 $0xFFFFFFFF  }
0xa6: {  	s26 =	simm.s32 $execute0_lowered;
	[smem:$0x3FD2] =	sst s25  }
0xa7: {  	s6 =	sshll.u32 s26, $0x1;
	_ =	strace $0x80000046;
	[dreg:$0x1] =	wrdreg $0xFFFFFFFF  }
0xa8: {  	s28 =	simm.s32 $_size_execute0_lowered;
	s4 =	sadd.s32 s4, s6;
	[dreg:$0x0] =	wrdreg $0x0  }
0xa9: {  	s6 =	sshll.u32 s28, $0x1;
	[dreg:$0x2] =	wrdreg s4  }
0xaa: {  	[dreg:$0x3] =	wrdreg s6  }
0xab: {  	[dreg:$0x4] =	wrdreg $0xC0  }
0xac: {  	_ =	task [dreg:s8], $0x5FFFF  }
0xad: {  	[dreg:$0x1] =	wrdreg $0xFFFFFFFF  }
0xae: {  	[dreg:$0x0] =	wrdreg $0x60  }
0xaf: {  	[dreg:$0x2] =	wrdreg s2  }
0xb0: {  	[dreg:$0x3] =	wrdreg s24  }
0xb1: {  	[dreg:$0x4] =	wrdreg s18  }
0xb2: {  	[dreg:$0x5] =	wrdreg $0x90000  }
0xb3: {  	[dreg:$0x6] =	wrdreg $0x9  }
0xb4: {  	_ =	task.clear_ibuf [dreg:s8], $0x7FFFF;
	_ =	strace $0x90000046  }
0xb5: {  	s29 =	simm.s32 $0x9;
	_ =	strace $0x80000048  }
0xb6: {  	_ =	swait.ge [sflag:s29], $0x1  }
0xb7: {  	[sflag:s29] =	ssyncadd.s32 $0xFFFFFFFF  }
0xb8: {  	_ =	strace $0x90000048  }
0xb9: {  	_ =	sfence  }
0xba: {  	s30 =	sld [smem:$0x0];
	_ =	sdelay $0x2  }
0xbb: {  	s31 =	sshll.u32 s1, $0xD;
	s1 =	sshrl.u32 s1, $0x2  }
0xbc: {  	s3 =	sand.u32 $0x4000, s31;
	s1 =	sadd.s32 s1, s30  }
0xbd: {  	s0 =	sor.u32 s3, s0;
	s1 =	sshll.u32 s1, $0x11  }
0xbe: {  	s0 =	sor.u32 s1, s0  }
0xbf: {  	s0 =	sadd.s32 $0x8F2B, s0  }
0xc0: {  	[sflag:s0] =	ssyncadd.remote.s32 $0x1  }
0xc1: {  	_ =	sfence.sel $0xFFFF  }
0xc2: {  	[dreg:$0x0] =	wrdreg $0xFFFFFFFF;
	(pc) =	sbr.abs _section_cstart, $3  }
0xc3: {  	[dreg:$0x1] =	wrdreg $0xFFFFFFFF  }
0xc4: {  	_ =	task.clear_ibuf [dreg:s8], $0x2FFFF;
	_ =	strace $0x9FFFFFFF  }
0xc5: {  	(tm) =	ssettm $0x7FFFFFFF  }
tec
execute0_lowered:
.L_overlay_start_1:
0x0: {  	(tag) =	ssettag $0x1  }
0x1: {  	s1 =	rddreg [dreg:$0x0]  }
0x2: {  	s0 =	rddreg [dreg:$0x1]  }
0x3: {  	s11 =	rddreg [dreg:$0x2]  }
0x4: {  	s3 =	rddreg [dreg:$0x3];
	s2 =	srdreg.scid;
	s5 =	simm.s32 $0x0  }
0x5: {  	s12 =	stileid.u32;
	s28 =	simm.s32 $0x8C00;
	s29 =	simm.s32 $0x1  }
0x6: {  	s30 =	simm.s32 $0x3;
	s31 =	simm.s32 $0x40;
	s9 =	smul.u32 $0x50000, s12  }
0x7: {  	s2 =	sand.u32 $0x1, s2;
	[smem:$0x7FF] =	sst s5;
	s17 =	smul.u32 $0x32000, s12  }
0x8: {  	s7 =	sadd.s32 $0x1000, s0;
	s10 =	sadd.s32 $0xB000, s0;
	s19 =	smul.u32 $0x1900, s12  }
0x9: {  	s13 =	sadd.s32 $0x15000, s0;
	s20 =	sor.u32 $0x10, s12;
	s24 =	smul.u32 $0x500, s12  }
0xa: {  	p1 =	sgt.u32 s12, $0x8;
	p2 =	slt.u32 s12, $0x9;
	s4 =	sshll.u32 s2, $0x4  }
0xb: {  	_ =	strace $0x80000047;
	s6 =	ssub.s32 $0x2, s2;
	s21 =	smul.u32 $0x32000, s20  }
0xc: {  	p0 =	seq.s32 s2, $0x1;
	s2 =	smul.u32 $0x5000, s2;
	[dreg:$0x5] =	wrdreg s13  }
0xd: {  	s4 =	sor.u32 s12, s4;
	s8 =	sshrl.u32 s6, $0x1;
	s9 =	sshrl.u32 s9, $0x2  }
0xe: {  	s23 =	sadd.s32 s11, s19;
	s11 =	simm.s32 $0x8740;
	s12 =	simm.s32 $0x8E80  }
0xf: {  	s4 =	smul.u32 $0x500, s4;
	s0 =	ssub.s32 s6, s8;
	s9 =	sadd.s32 s9, s3  }
0x10: {  	s8 =	smul.u32 $0x1900, s20;
	s22 =	sshrl.u32 s21, $0x2;
	[dreg:$0x11] =	wrdreg s23  }
0x11: {  	s6 =	sadd.s32 s13, s19;
	s23 =	simm.s32 $0x8640;
	[dreg:$0x9] =	wrdreg s9  }
0x12: {  	s19 =	simm.s32 $0x8680;
	s16 =	sadd.s32 $0x4000, s9;
	[dreg:$0x12] =	wrdreg s6  }
0x13: {  	s13 =	simm.s32 $0x8780;
	s18 =	sadd.s32 $0x8000, s9;
	[dreg:$0xb] =	wrdreg s16  }
0x14: {  	s20 =	simm.s32 $0x0;
	s0 =	smax.u32 s0, $0x1;
	[dreg:$0xc] =	wrdreg s18  }
0x15: {  	s6 =	simm.s32 $0x6000;
	s25 =	sadd.s32 s7, s4;
	[dreg:$0xf] =	wrdreg s8  }
0x16: {  	s26 =	sor.u32 $0x80, s4;
	s4 =	sadd.s32 s10, s4;
	[dreg:$0x13] =	wrdreg s0  }
0x17: {  	s18 =	simm.s32 $0x4000;
	s8 =	simm.s32 $0x8E00;
	[dreg:$0x6] =	wrdreg s25  }
0x18: {  	[dreg:$0x7] =	wrdreg s4;
	s14 =	sadd.s32 s7, s26;
	s15 =	sadd.s32 s10, s26  }
0x19: {  	s4 =	sshrl.u32 s17, $0x2;
	s25 =	sadd.s32 s2, s10;
	s2 =	sadd.s32 s2, s7  }
0x1a: {  	s7 =	simm.s32 $0x86C0;
	s17 =	simm.s32 $0x8F80;
	[dreg:$0x8] =	wrdreg s14  }
0x1b: {  	[dreg:$0xa] =	wrdreg s15;
	s14 =	sadd.s32 $0xC000, s9;
	s9 =	sadd.s32 $0x10000, s9  }
0x1c: {  	s4 =	sadd.s32 s4, s3;
	s21 =	sadd.s32 s24, s25;
	[dreg:$0xd] =	wrdreg s14  }
.Ltmp0:
0x1d: {  	s25 =	simm.s32 $0x80;
	[dreg:$0xe] =	wrdreg s9;
	(pc) =	sbr.rel .LBB2_1-.Ltmp0, $4  }
0x1e: {  	s15 =	simm.s32 $0x8F00;
	[dreg:$0x10] =	wrdreg s4;
	s4 =	sadd.s32 s22, s3  }
0x1f: {  	s22 =	sadd.s32 s24, s2;
	s2 =	simm.s32 $0x2000;
	s24 =	simm.s32 $0x8D80  }
0x20: {  	s9 =	simm.s32 $0x8700;
	s14 =	simm.s32 $0x87C0;
	s26 =	sshrl.u32 s4, $0x3  }
0x21: {  	v0 =	vimm.f32 $0.0e+00;
	s4 =	simm.s32 $0x2;
	[dreg:$0x14] =	wrdreg s26;
	s26 =	simm.s32 $0x8400  }
.LBB2_9:
0x22: {  	s16 =	rddreg [dreg:$0xf]  }
0x23: {  	s0 =	sadd.s32 s0, s16;
	s16 =	rddreg [dreg:$0x14]  }
0x24: {  	[hbm:s0], [sflag:s10] =	dma.local [spmem:s16], $0x1900  }
0x25: {  	_ =	swait.ge [sflag:s29], $0x1900  }
0x26: {  	[sflag:s29] =	ssyncset.done $0x0  }
0x27: {  	[sflag:s29] =	ssyncadd.s32 $0xFFFFE700  }
.LBB2_10:
0x28: {  	_ =	swait.ge [sflag:s29], $0x1900  }
0x29: {  	s20 =	sadd.s32 $0x1, s20;
	s0 =	rddreg [dreg:$0x13]  }
0x2a: {  	p3 =	sne.s32 s20, s0  }
.Ltmp1:
0x2b: {  	_ = 	snop;
	(pc) =	sbr.rel @!p3 .LBB2_11-.Ltmp1, $3  }
0x2c: {  	_ =	sdelay $0x1  }
0x2d: {  	[sflag:s29] =	ssyncset.done $0x0  }
0x2e: {  	[sflag:s29] =	ssyncadd.s32 $0xFFFFE700  }
.LBB2_1:
0x2f: {  	[dreg:$0x15] =	wrdreg s20  }
0x30: {  	s0 =	rddreg [dreg:$0x6];
	s10 =	simm.s32 $0x8000  }
0x31: {  	[tilespmem:s10], [sflag:$0x3] =	stream.linear.gather [hbm4b:s0+s5], $0x400, $0x38;
	[tilespmem:$0x1D000] =	vst v63  }
0x32: {  	s16 =	rddreg [dreg:$0x7];
	s20 =	simm.s32 $0x8800  }
0x33: {  	[tilespmem:s20], [sflag:$0x3] =	stream.linear.gather [hbm4b:s16+s5], $0x400, $0x38;
	[tilespmem:$0x1D000] =	vst v63  }
0x34: {  	s16 =	rddreg [dreg:$0x8]  }
0x35: {  	[tilespmem:s26], [sflag:$0x3] =	stream.linear.gather [hbm4b:s16+s5], $0x400, $0x38;
	[tilespmem:$0x1D000] =	vst v63  }
0x36: {  	s20 =	rddreg [dreg:$0xa]  }
0x37: {  	[tilespmem:s28], [sflag:$0x3] =	stream.linear.gather [hbm4b:s20+s5], $0x400, $0x38;
	[tilespmem:$0x1D000] =	vst v63  }
0x38: {  	s10 =	simm.s32 $0x200;
	s20 =	simm.s32 $0x0  }
.LBB2_2:
0x39: {  	p3 =	sne.s32 s10, $0xFE00;
	[tilespmem:s20+$0x70] =	vst v0  }
0x3a: {  	[tilespmem:s20+$0x0] =	vst v0  }
0x3b: {  	[tilespmem:s20+$0x10] =	vst v0  }
.Ltmp2:
0x3c: {  	[tilespmem:s20+$0x20] =	vst v0;
	(pc) =	sbr.rel @p3 .LBB2_2-.Ltmp2, $4  }
0x3d: {  	[tilespmem:s20+$0x30] =	vst v0  }
0x3e: {  	[tilespmem:s20+$0x40] =	vst v0  }
0x3f: {  	[tilespmem:s20+$0x50] =	vst v0  }
0x40: {  	[tilespmem:s20+$0x60] =	vst v0;
	s20 =	sshra.s32 s10, $0x2;
	s10 =	sadd.s32 $0x200, s10  }
0x41: {  	[tilespmem:s20+$0x70] =	vst v0  }
0x42: {  	[tilespmem:s20+$0x0] =	vst v0  }
0x43: {  	[tilespmem:s20+$0x10] =	vst v0  }
0x44: {  	[tilespmem:s20+$0x20] =	vst v0  }
0x45: {  	[tilespmem:s20+$0x30] =	vst v0  }
0x46: {  	[tilespmem:s20+$0x40] =	vst v0  }
0x47: {  	[tilespmem:s20+$0x50] =	vst v0  }
0x48: {  	[tilespmem:s20+$0x60] =	vst v0;
	s20 =	simm.s32 $0x0;
	s0 =	rddreg [dreg:$0x9]  }
0x49: {  	[spmem:s0] =	stream.linear.scatter [tilespmem:s20], [sflag:$0x1], $0x4000, $0x38;
	[tilespmem:$0x1D000] =	vst v63  }
0x4a: {  	s10 =	rddreg [dreg:$0xb]  }
0x4b: {  	[spmem:s10] =	stream.linear.scatter [tilespmem:s20], [sflag:$0x1], $0x4000, $0x38;
	[tilespmem:$0x1D000] =	vst v63  }
0x4c: {  	s16 =	rddreg [dreg:$0xc]  }
0x4d: {  	[spmem:s16] =	stream.linear.scatter [tilespmem:s20], [sflag:$0x1], $0x4000, $0x38;
	[tilespmem:$0x1D000] =	vst v63  }
0x4e: {  	s10 =	rddreg [dreg:$0xd]  }
0x4f: {  	[spmem:s10] =	stream.linear.scatter [tilespmem:s20], [sflag:$0x1], $0x4000, $0x38;
	[tilespmem:$0x1D000] =	vst v63  }
0x50: {  	s16 =	rddreg [dreg:$0xe]  }
0x51: {  	[spmem:s16] =	stream.linear.scatter [tilespmem:s20], [sflag:$0x1], $0x4000, $0x38;
	[tilespmem:$0x1D000] =	vst v63  }
0x52: {  	_ =	swait.ge [sflag:s29], $0x4000  }
0x53: {  	[sflag:s29] =	ssyncset.done $0x0  }
0x54: {  	[sflag:s29] =	ssyncadd.s32 $0xFFFFC000  }
0x55: {  	_ =	swait.ge [sflag:s29], $0x4000  }
0x56: {  	[sflag:s29] =	ssyncset.done $0x0  }
0x57: {  	[sflag:s29] =	ssyncadd.s32 $0xFFFFC000  }
0x58: {  	_ =	swait.ge [sflag:s29], $0x4000  }
0x59: {  	[sflag:s29] =	ssyncset.done $0x0  }
0x5a: {  	[sflag:s29] =	ssyncadd.s32 $0xFFFFC000  }
0x5b: {  	_ =	swait.ge [sflag:s29], $0x4000  }
0x5c: {  	[sflag:s29] =	ssyncset.done $0x0  }
0x5d: {  	[sflag:s29] =	ssyncadd.s32 $0xFFFFC000  }
0x5e: {  	_ =	swait.ge [sflag:s29], $0x4000  }
0x5f: {  	[sflag:s29] =	ssyncset.done $0x0  }
0x60: {  	[sflag:s29] =	ssyncadd.s32 $0xFFFFC000  }
0x61: {  	[bflag:$0x0] =	sbarrier.arrive $0xFFFF  }
.LBB2_4:
0x62: {  	_ =	swait.ge [sflag:s30], $0x400  }
0x63: {  	[sflag:s30] =	ssyncset.done $0x0  }
0x64: {  	[sflag:s30] =	ssyncadd.s32 $0xFFFFFC00  }
0x65: {  	_ =	swait.ge [sflag:s30], $0x400  }
0x66: {  	[sflag:s30] =	ssyncset.done $0x0  }
0x67: {  	[sflag:s30] =	ssyncadd.s32 $0xFFFFFC00  }
0x68: {  	_ =	swait.ge [sflag:s30], $0x400  }
0x69: {  	[sflag:s30] =	ssyncset.done $0x0  }
0x6a: {  	[sflag:s30] =	ssyncadd.s32 $0xFFFFFC00  }
0x6b: {  	_ =	swait.ge [sflag:s30], $0x400  }
0x6c: {  	[sflag:s30] =	ssyncset.done $0x0  }
0x6d: {  	s0 =	simm.s32 $0x8000;
	[sflag:s30] =	ssyncadd.s32 $0xFFFFFC00  }
0x6e: {  	[tilespmem:s5], [sflag:$0x1] =	stream.indirect.gather [hbm4b:s1+s31], $0x80, s0, s31, $0xb8;
	[tilespmem:$0x1D000] =	vst v63  }
0x6f: {  	s16 =	simm.s32 $0x8040  }
0x70: {  	[tilespmem:s2], [sflag:$0x1] =	stream.indirect.gather [hbm4b:s1+s31], $0x80, s16, s31, $0xb8;
	[tilespmem:$0x1D000] =	vst v63  }
0x71: {  	s10 =	simm.s32 $0x8080  }
0x72: {  	[tilespmem:s18], [sflag:$0x1] =	stream.indirect.gather [hbm4b:s1+s31], $0x80, s10, s31, $0xb8;
	[tilespmem:$0x1D000] =	vst v63  }
0x73: {  	s16 =	simm.s32 $0x80C0  }
0x74: {  	[tilespmem:s6], [sflag:$0x1] =	stream.indirect.gather [hbm4b:s1+s31], $0x80, s16, s31, $0xb8;
	[tilespmem:$0x1D000] =	vst v63  }
0x75: {  	_ =	swait.ge [sflag:s29], $0x2000  }
0x76: {  	[sflag:s29] =	ssyncset.done $0x0  }
0x77: {  	[sflag:s29] =	ssyncadd.s32 $0xFFFFE000  }
0x78: {  	_ =	swait.ge [sflag:s29], $0x2000  }
0x79: {  	[sflag:s29] =	ssyncset.done $0x0  }
0x7a: {  	s10 =	simm.s32 $0x8800;
	[sflag:s29] =	ssyncadd.s32 $0xFFFFE000  }
0x7b: {  	[spmem:s3] =	stream.indirect.scatter.add.f32 [tilespmem:s5], [sflag:$0x2], $0x80, s10, s25, $0xb8;
	[tilespmem:$0x1D000] =	vst v63  }
0x7c: {  	_ =	swait.ge [sflag:s4], $0x4000  }
0x7d: {  	[sflag:s4] =	ssyncset.done $0x0  }
0x7e: {  	s16 =	simm.s32 $0x8100;
	[sflag:s4] =	ssyncadd.s32 $0xFFFFC000  }
0x7f: {  	[tilespmem:s5], [sflag:$0x1] =	stream.indirect.gather [hbm4b:s1+s31], $0x80, s16, s31, $0xb8;
	[tilespmem:$0x1D000] =	vst v63  }
0x80: {  	s10 =	simm.s32 $0x8140  }
0x81: {  	[tilespmem:s2], [sflag:$0x1] =	stream.indirect.gather [hbm4b:s1+s31], $0x80, s10, s31, $0xb8;
	[tilespmem:$0x1D000] =	vst v63  }
0x82: {  	_ =	swait.ge [sflag:s29], $0x2000  }
0x83: {  	[sflag:s29] =	ssyncset.done $0x0  }
0x84: {  	[sflag:s29] =	ssyncadd.s32 $0xFFFFE000  }
0x85: {  	_ =	swait.ge [sflag:s29], $0x2000  }
0x86: {  	[sflag:s29] =	ssyncset.done $0x0  }
0x87: {  	s16 =	simm.s32 $0x8880;
	[sflag:s29] =	ssyncadd.s32 $0xFFFFE000  }
0x88: {  	[spmem:s3] =	stream.indirect.scatter.add.f32 [tilespmem:s18], [sflag:$0x2], $0x80, s16, s25, $0xb8;
	[tilespmem:$0x1D000] =	vst v63  }
0x89: {  	_ =	swait.ge [sflag:s4], $0x4000  }
0x8a: {  	[sflag:s4] =	ssyncset.done $0x0  }
0x8b: {  	s10 =	simm.s32 $0x8180;
	[sflag:s4] =	ssyncadd.s32 $0xFFFFC000  }
0x8c: {  	[tilespmem:s18], [sflag:$0x1] =	stream.indirect.gather [hbm4b:s1+s31], $0x80, s10, s31, $0xb8;
	[tilespmem:$0x1D000] =	vst v63  }
0x8d: {  	s16 =	simm.s32 $0x81C0  }
0x8e: {  	[tilespmem:s6], [sflag:$0x1] =	stream.indirect.gather [hbm4b:s1+s31], $0x80, s16, s31, $0xb8;
	[tilespmem:$0x1D000] =	vst v63  }
0x8f: {  	_ =	swait.ge [sflag:s29], $0x2000  }
0x90: {  	[sflag:s29] =	ssyncset.done $0x0  }
0x91: {  	[sflag:s29] =	ssyncadd.s32 $0xFFFFE000  }
0x92: {  	_ =	swait.ge [sflag:s29], $0x2000  }
0x93: {  	[sflag:s29] =	ssyncset.done $0x0  }
0x94: {  	s10 =	simm.s32 $0x8900;
	[sflag:s29] =	ssyncadd.s32 $0xFFFFE000  }
0x95: {  	[spmem:s3] =	stream.indirect.scatter.add.f32 [tilespmem:s5], [sflag:$0x2], $0x80, s10, s25, $0xb8;
	[tilespmem:$0x1D000] =	vst v63  }
0x96: {  	_ =	swait.ge [sflag:s4], $0x4000  }
0x97: {  	[sflag:s4] =	ssyncset.done $0x0  }
0x98: {  	s16 =	simm.s32 $0x8200;
	[sflag:s4] =	ssyncadd.s32 $0xFFFFC000  }
0x99: {  	[tilespmem:s5], [sflag:$0x1] =	stream.indirect.gather [hbm4b:s1+s31], $0x80, s16, s31, $0xb8;
	[tilespmem:$0x1D000] =	vst v63  }
0x9a: {  	s10 =	simm.s32 $0x8240  }
0x9b: {  	[tilespmem:s2], [sflag:$0x1] =	stream.indirect.gather [hbm4b:s1+s31], $0x80, s10, s31, $0xb8;
	[tilespmem:$0x1D000] =	vst v63  }
0x9c: {  	_ =	swait.ge [sflag:s29], $0x2000  }
0x9d: {  	[sflag:s29] =	ssyncset.done $0x0  }
0x9e: {  	[sflag:s29] =	ssyncadd.s32 $0xFFFFE000  }
0x9f: {  	_ =	swait.ge [sflag:s29], $0x2000  }
0xa0: {  	[sflag:s29] =	ssyncset.done $0x0  }
0xa1: {  	s16 =	simm.s32 $0x8980;
	[sflag:s29] =	ssyncadd.s32 $0xFFFFE000  }
0xa2: {  	[spmem:s3] =	stream.indirect.scatter.add.f32 [tilespmem:s18], [sflag:$0x2], $0x80, s16, s25, $0xb8;
	[tilespmem:$0x1D000] =	vst v63  }
0xa3: {  	_ =	swait.ge [sflag:s4], $0x4000  }
0xa4: {  	[sflag:s4] =	ssyncset.done $0x0  }
0xa5: {  	s10 =	simm.s32 $0x8280;
	[sflag:s4] =	ssyncadd.s32 $0xFFFFC000  }
0xa6: {  	[tilespmem:s18], [sflag:$0x1] =	stream.indirect.gather [hbm4b:s1+s31], $0x80, s10, s31, $0xb8;
	[tilespmem:$0x1D000] =	vst v63  }
0xa7: {  	s16 =	simm.s32 $0x82C0  }
0xa8: {  	[tilespmem:s6], [sflag:$0x1] =	stream.indirect.gather [hbm4b:s1+s31], $0x80, s16, s31, $0xb8;
	[tilespmem:$0x1D000] =	vst v63  }
0xa9: {  	_ =	swait.ge [sflag:s29], $0x2000  }
0xaa: {  	[sflag:s29] =	ssyncset.done $0x0  }
0xab: {  	[sflag:s29] =	ssyncadd.s32 $0xFFFFE000  }
0xac: {  	_ =	swait.ge [sflag:s29], $0x2000  }
0xad: {  	[sflag:s29] =	ssyncset.done $0x0  }
0xae: {  	s10 =	simm.s32 $0x8A00;
	[sflag:s29] =	ssyncadd.s32 $0xFFFFE000  }
0xaf: {  	[spmem:s3] =	stream.indirect.scatter.add.f32 [tilespmem:s5], [sflag:$0x2], $0x80, s10, s25, $0xb8;
	[tilespmem:$0x1D000] =	vst v63  }
0xb0: {  	_ =	swait.ge [sflag:s4], $0x4000  }
0xb1: {  	[sflag:s4] =	ssyncset.done $0x0  }
0xb2: {  	s16 =	simm.s32 $0x8300;
	[sflag:s4] =	ssyncadd.s32 $0xFFFFC000  }
0xb3: {  	[tilespmem:s5], [sflag:$0x1] =	stream.indirect.gather [hbm4b:s1+s31], $0x80, s16, s31, $0xb8;
	[tilespmem:$0x1D000] =	vst v63  }
0xb4: {  	s10 =	simm.s32 $0x8340  }
0xb5: {  	[tilespmem:s2], [sflag:$0x1] =	stream.indirect.gather [hbm4b:s1+s31], $0x80, s10, s31, $0xb8;
	[tilespmem:$0x1D000] =	vst v63  }
0xb6: {  	_ =	swait.ge [sflag:s29], $0x2000  }
0xb7: {  	[sflag:s29] =	ssyncset.done $0x0  }
0xb8: {  	[sflag:s29] =	ssyncadd.s32 $0xFFFFE000  }
0xb9: {  	_ =	swait.ge [sflag:s29], $0x2000  }
0xba: {  	[sflag:s29] =	ssyncset.done $0x0  }
0xbb: {  	s16 =	simm.s32 $0x8A80;
	[sflag:s29] =	ssyncadd.s32 $0xFFFFE000  }
0xbc: {  	[spmem:s3] =	stream.indirect.scatter.add.f32 [tilespmem:s18], [sflag:$0x2], $0x80, s16, s25, $0xb8;
	[tilespmem:$0x1D000] =	vst v63  }
0xbd: {  	_ =	swait.ge [sflag:s4], $0x4000  }
0xbe: {  	[sflag:s4] =	ssyncset.done $0x0  }
0xbf: {  	s10 =	simm.s32 $0x8380;
	[sflag:s4] =	ssyncadd.s32 $0xFFFFC000  }
0xc0: {  	[tilespmem:s18], [sflag:$0x1] =	stream.indirect.gather [hbm4b:s1+s31], $0x80, s10, s31, $0xb8;
	[tilespmem:$0x1D000] =	vst v63  }
0xc1: {  	s16 =	simm.s32 $0x83C0  }
0xc2: {  	[tilespmem:s6], [sflag:$0x1] =	stream.indirect.gather [hbm4b:s1+s31], $0x80, s16, s31, $0xb8;
	[tilespmem:$0x1D000] =	vst v63  }
0xc3: {  	_ =	swait.ge [sflag:s29], $0x2000  }
0xc4: {  	[sflag:s29] =	ssyncset.done $0x0  }
0xc5: {  	[sflag:s29] =	ssyncadd.s32 $0xFFFFE000  }
0xc6: {  	_ =	swait.ge [sflag:s29], $0x2000  }
0xc7: {  	[sflag:s29] =	ssyncset.done $0x0  }
0xc8: {  	s10 =	simm.s32 $0x8B00;
	[sflag:s29] =	ssyncadd.s32 $0xFFFFE000  }
0xc9: {  	[spmem:s3] =	stream.indirect.scatter.add.f32 [tilespmem:s5], [sflag:$0x2], $0x80, s10, s25, $0xb8;
	[tilespmem:$0x1D000] =	vst v63  }
0xca: {  	_ =	swait.ge [sflag:s4], $0x4000  }
0xcb: {  	[sflag:s4] =	ssyncset.done $0x0  }
0xcc: {  	[sflag:s4] =	ssyncadd.s32 $0xFFFFC000  }
0xcd: {  	[tilespmem:s5], [sflag:$0x1] =	stream.indirect.gather [hbm4b:s1+s31], $0x80, s26, s31, $0xb8;
	[tilespmem:$0x1D000] =	vst v63  }
0xce: {  	s16 =	simm.s32 $0x8440  }
0xcf: {  	[tilespmem:s2], [sflag:$0x1] =	stream.indirect.gather [hbm4b:s1+s31], $0x80, s16, s31, $0xb8;
	[tilespmem:$0x1D000] =	vst v63  }
0xd0: {  	_ =	swait.ge [sflag:s29], $0x2000  }
0xd1: {  	[sflag:s29] =	ssyncset.done $0x0  }
0xd2: {  	[sflag:s29] =	ssyncadd.s32 $0xFFFFE000  }
0xd3: {  	_ =	swait.ge [sflag:s29], $0x2000  }
0xd4: {  	[sflag:s29] =	ssyncset.done $0x0  }
0xd5: {  	s10 =	simm.s32 $0x8B80;
	[sflag:s29] =	ssyncadd.s32 $0xFFFFE000  }
0xd6: {  	[spmem:s3] =	stream.indirect.scatter.add.f32 [tilespmem:s18], [sflag:$0x2], $0x80, s10, s25, $0xb8;
	[tilespmem:$0x1D000] =	vst v63  }
0xd7: {  	_ =	swait.ge [sflag:s4], $0x4000  }
0xd8: {  	[sflag:s4] =	ssyncset.done $0x0  }
0xd9: {  	s16 =	simm.s32 $0x8480;
	[sflag:s4] =	ssyncadd.s32 $0xFFFFC000  }
0xda: {  	[tilespmem:s18], [sflag:$0x1] =	stream.indirect.gather [hbm4b:s1+s31], $0x80, s16, s31, $0xb8;
	[tilespmem:$0x1D000] =	vst v63  }
0xdb: {  	s10 =	simm.s32 $0x84C0  }
0xdc: {  	[tilespmem:s6], [sflag:$0x1] =	stream.indirect.gather [hbm4b:s1+s31], $0x80, s10, s31, $0xb8;
	[tilespmem:$0x1D000] =	vst v63  }
0xdd: {  	_ =	swait.ge [sflag:s29], $0x2000  }
0xde: {  	[sflag:s29] =	ssyncset.done $0x0  }
0xdf: {  	[sflag:s29] =	ssyncadd.s32 $0xFFFFE000  }
0xe0: {  	_ =	swait.ge [sflag:s29], $0x2000  }
0xe1: {  	[sflag:s29] =	ssyncset.done $0x0  }
0xe2: {  	[sflag:s29] =	ssyncadd.s32 $0xFFFFE000  }
0xe3: {  	[spmem:s3] =	stream.indirect.scatter.add.f32 [tilespmem:s5], [sflag:$0x2], $0x80, s28, s25, $0xb8;
	[tilespmem:$0x1D000] =	vst v63  }
0xe4: {  	_ =	swait.ge [sflag:s4], $0x4000  }
0xe5: {  	[sflag:s4] =	ssyncset.done $0x0  }
0xe6: {  	p3 =	seq.s32 s20, $0x400;
	s16 =	simm.s32 $0x8500;
	[sflag:s4] =	ssyncadd.s32 $0xFFFFC000  }
0xe7: {  	[tilespmem:s5], [sflag:$0x1] =	stream.indirect.gather [hbm4b:s1+s31], $0x80, s16, s31, $0xb8;
	[tilespmem:$0x1D000] =	vst v63  }
0xe8: {  	s0 =	sadd.s32 @!p3 s20, s22;
	s10 =	simm.s32 $0x8540  }
0xe9: {  	[tilespmem:s2], [sflag:$0x1] =	stream.indirect.gather [hbm4b:s1+s31], $0x80, s10, s31, $0xb8;
	[tilespmem:$0x1D000] =	vst v63  }
0xea: {  	s0 =	sadd.s32 @!p3 $0x100, s0;
	s16 =	simm.s32 @!p3 $0x8000;
	s10 =	simm.s32 @!p3 $0x0  }
0xeb: {  	[tilespmem:s16], [sflag:$0x3] =	stream.linear.gather @!p3 [hbm4b:s0+s10], $0x400, $0x38;
	[tilespmem:$0x1D000] =	vst v63  }
0xec: {  	s0 =	sadd.s32 @!p3 s20, s21  }
0xed: {  	s16 =	simm.s32 @!p3 $0x8800;
	s0 =	sadd.s32 @!p3 $0x100, s0  }
0xee: {  	[tilespmem:s16], [sflag:$0x3] =	stream.linear.gather @!p3 [hbm4b:s0+s10], $0x400, $0x38;
	[tilespmem:$0x1D000] =	vst v63  }
0xef: {  	_ =	swait.ge [sflag:s29], $0x2000  }
0xf0: {  	[sflag:s29] =	ssyncset.done $0x0  }
0xf1: {  	[sflag:s29] =	ssyncadd.s32 $0xFFFFE000  }
0xf2: {  	_ =	swait.ge [sflag:s29], $0x2000  }
0xf3: {  	[sflag:s29] =	ssyncset.done $0x0  }
0xf4: {  	s16 =	simm.s32 $0x8C80;
	[sflag:s29] =	ssyncadd.s32 $0xFFFFE000  }
0xf5: {  	[spmem:s3] =	stream.indirect.scatter.add.f32 [tilespmem:s18], [sflag:$0x2], $0x80, s16, s25, $0xb8;
	[tilespmem:$0x1D000] =	vst v63  }
0xf6: {  	_ =	swait.ge [sflag:s4], $0x4000  }
0xf7: {  	[sflag:s4] =	ssyncset.done $0x0  }
0xf8: {  	s10 =	simm.s32 $0x8580;
	[sflag:s4] =	ssyncadd.s32 $0xFFFFC000  }
0xf9: {  	[tilespmem:s18], [sflag:$0x1] =	stream.indirect.gather [hbm4b:s1+s31], $0x80, s10, s31, $0xb8;
	[tilespmem:$0x1D000] =	vst v63  }
0xfa: {  	s16 =	simm.s32 $0x85C0  }
0xfb: {  	[tilespmem:s6], [sflag:$0x1] =	stream.indirect.gather [hbm4b:s1+s31], $0x80, s16, s31, $0xb8;
	[tilespmem:$0x1D000] =	vst v63  }
0xfc: {  	_ =	swait.ge [sflag:s29], $0x2000  }
0xfd: {  	[sflag:s29] =	ssyncset.done $0x0  }
0xfe: {  	[sflag:s29] =	ssyncadd.s32 $0xFFFFE000  }
0xff: {  	_ =	swait.ge [sflag:s29], $0x2000  }
0x100: {  	[sflag:s29] =	ssyncset.done $0x0  }
0x101: {  	s10 =	simm.s32 $0x8D00;
	[sflag:s29] =	ssyncadd.s32 $0xFFFFE000  }
0x102: {  	[spmem:s3] =	stream.indirect.scatter.add.f32 [tilespmem:s5], [sflag:$0x2], $0x80, s10, s25, $0xb8;
	[tilespmem:$0x1D000] =	vst v63  }
0x103: {  	_ =	swait.ge [sflag:s4], $0x4000  }
0x104: {  	[sflag:s4] =	ssyncset.done $0x0  }
0x105: {  	s16 =	simm.s32 $0x8600;
	[sflag:s4] =	ssyncadd.s32 $0xFFFFC000  }
0x106: {  	[tilespmem:s5], [sflag:$0x1] =	stream.indirect.gather [hbm4b:s1+s31], $0x80, s16, s31, $0xb8;
	[tilespmem:$0x1D000] =	vst v63  }
0x107: {  	_ = 	snop  }
0x108: {  	[tilespmem:s2], [sflag:$0x1] =	stream.indirect.gather [hbm4b:s1+s31], $0x80, s23, s31, $0xb8;
	[tilespmem:$0x1D000] =	vst v63  }
0x109: {  	_ =	swait.ge [sflag:s29], $0x2000  }
0x10a: {  	[sflag:s29] =	ssyncset.done $0x0  }
0x10b: {  	[sflag:s29] =	ssyncadd.s32 $0xFFFFE000  }
0x10c: {  	_ =	swait.ge [sflag:s29], $0x2000  }
0x10d: {  	[sflag:s29] =	ssyncset.done $0x0  }
0x10e: {  	[sflag:s29] =	ssyncadd.s32 $0xFFFFE000  }
0x10f: {  	[spmem:s3] =	stream.indirect.scatter.add.f32 [tilespmem:s18], [sflag:$0x2], $0x80, s24, s25, $0xb8;
	[tilespmem:$0x1D000] =	vst v63  }
0x110: {  	_ =	swait.ge [sflag:s4], $0x4000  }
0x111: {  	[sflag:s4] =	ssyncset.done $0x0  }
0x112: {  	[sflag:s4] =	ssyncadd.s32 $0xFFFFC000  }
0x113: {  	[tilespmem:s18], [sflag:$0x1] =	stream.indirect.gather [hbm4b:s1+s31], $0x80, s19, s31, $0xb8;
	[tilespmem:$0x1D000] =	vst v63  }
0x114: {  	_ = 	snop  }
0x115: {  	[tilespmem:s6], [sflag:$0x1] =	stream.indirect.gather [hbm4b:s1+s31], $0x80, s7, s31, $0xb8;
	[tilespmem:$0x1D000] =	vst v63  }
0x116: {  	_ =	swait.ge [sflag:s29], $0x2000  }
0x117: {  	[sflag:s29] =	ssyncset.done $0x0  }
0x118: {  	[sflag:s29] =	ssyncadd.s32 $0xFFFFE000  }
0x119: {  	_ =	swait.ge [sflag:s29], $0x2000  }
0x11a: {  	[sflag:s29] =	ssyncset.done $0x0  }
0x11b: {  	[sflag:s29] =	ssyncadd.s32 $0xFFFFE000  }
0x11c: {  	[spmem:s3] =	stream.indirect.scatter.add.f32 [tilespmem:s5], [sflag:$0x2], $0x80, s8, s25, $0xb8;
	[tilespmem:$0x1D000] =	vst v63  }
0x11d: {  	_ =	swait.ge [sflag:s4], $0x4000  }
0x11e: {  	[sflag:s4] =	ssyncset.done $0x0  }
0x11f: {  	[sflag:s4] =	ssyncadd.s32 $0xFFFFC000  }
0x120: {  	[tilespmem:s5], [sflag:$0x1] =	stream.indirect.gather [hbm4b:s1+s31], $0x80, s9, s31, $0xb8;
	[tilespmem:$0x1D000] =	vst v63  }
0x121: {  	_ = 	snop  }
0x122: {  	[tilespmem:s2], [sflag:$0x1] =	stream.indirect.gather [hbm4b:s1+s31], $0x80, s11, s31, $0xb8;
	[tilespmem:$0x1D000] =	vst v63  }
0x123: {  	_ =	swait.ge [sflag:s29], $0x2000  }
0x124: {  	[sflag:s29] =	ssyncset.done $0x0  }
0x125: {  	[sflag:s29] =	ssyncadd.s32 $0xFFFFE000  }
0x126: {  	_ =	swait.ge [sflag:s29], $0x2000  }
0x127: {  	[sflag:s29] =	ssyncset.done $0x0  }
0x128: {  	[sflag:s29] =	ssyncadd.s32 $0xFFFFE000  }
0x129: {  	[spmem:s3] =	stream.indirect.scatter.add.f32 [tilespmem:s18], [sflag:$0x2], $0x80, s12, s25, $0xb8;
	[tilespmem:$0x1D000] =	vst v63  }
0x12a: {  	_ =	swait.ge [sflag:s4], $0x4000  }
0x12b: {  	[sflag:s4] =	ssyncset.done $0x0  }
0x12c: {  	[sflag:s4] =	ssyncadd.s32 $0xFFFFC000  }
0x12d: {  	[tilespmem:s18], [sflag:$0x1] =	stream.indirect.gather [hbm4b:s1+s31], $0x80, s13, s31, $0xb8;
	[tilespmem:$0x1D000] =	vst v63  }
0x12e: {  	_ = 	snop  }
0x12f: {  	[tilespmem:s6], [sflag:$0x1] =	stream.indirect.gather [hbm4b:s1+s31], $0x80, s14, s31, $0xb8;
	[tilespmem:$0x1D000] =	vst v63  }
0x130: {  	_ =	swait.ge [sflag:s29], $0x2000  }
0x131: {  	[sflag:s29] =	ssyncset.done $0x0  }
0x132: {  	[sflag:s29] =	ssyncadd.s32 $0xFFFFE000  }
0x133: {  	_ =	swait.ge [sflag:s29], $0x2000  }
0x134: {  	[sflag:s29] =	ssyncset.done $0x0  }
0x135: {  	[sflag:s29] =	ssyncadd.s32 $0xFFFFE000  }
0x136: {  	[spmem:s3] =	stream.indirect.scatter.add.f32 [tilespmem:s5], [sflag:$0x2], $0x80, s15, s25, $0xb8;
	[tilespmem:$0x1D000] =	vst v63  }
0x137: {  	_ =	swait.ge [sflag:s29], $0x2000  }
0x138: {  	[sflag:s29] =	ssyncset.done $0x0  }
0x139: {  	[sflag:s29] =	ssyncadd.s32 $0xFFFFE000  }
0x13a: {  	_ =	swait.ge [sflag:s29], $0x2000  }
0x13b: {  	[sflag:s29] =	ssyncset.done $0x0  }
0x13c: {  	[sflag:s29] =	ssyncadd.s32 $0xFFFFE000  }
0x13d: {  	[spmem:s3] =	stream.indirect.scatter.add.f32 [tilespmem:s18], [sflag:$0x2], $0x80, s17, s25, $0xb8;
	[tilespmem:$0x1D000] =	vst v63  }
0x13e: {  	_ =	swait.ge [sflag:s4], $0x4000  }
.Ltmp3:
0x13f: {  	[sflag:s4] =	ssyncset.done $0x0;
	(pc) =	sbr.rel @p3 .LBB2_6-.Ltmp3, $4  }
0x140: {  	[sflag:s4] =	ssyncadd.s32 $0xFFFFC000  }
0x141: {  	_ =	swait.ge [sflag:s4], $0x4000  }
0x142: {  	[sflag:s4] =	ssyncset.done $0x0  }
0x143: {  	[sflag:s4] =	ssyncadd.s32 $0xFFFFC000  }
.Ltmp4:
0x144: {  	s0 =	sadd.s32 s20, s22;
	(pc) =	sbr.rel .LBB2_4-.Ltmp4, $4  }
0x145: {  	s16 =	sadd.s32 s20, s21;
	s0 =	sadd.s32 $0x180, s0  }
0x146: {  	[tilespmem:s26], [sflag:$0x3] =	stream.linear.gather [hbm4b:s0+s5], $0x400, $0x38;
	[tilespmem:$0x1D000] =	vst v63  }
0x147: {  	s20 =	sadd.s32 $0x100, s20;
	s0 =	sadd.s32 $0x180, s16  }
0x148: {  	[tilespmem:s28], [sflag:$0x3] =	stream.linear.gather [hbm4b:s0+s5], $0x400, $0x38;
	[tilespmem:$0x1D000] =	vst v63  }
.LBB2_6:
.Ltmp5:
0x149: {  	(pc) =	sbr.rel @!p0 .LBB2_7-.Ltmp5, $4  }
0x14a: {  	_ = 	snop  }
0x14b: {  	s0 =	stileid.u32;
	[bflag:$0x0] =	sbarrier.arrive $0xFFFF  }
0x14c: {  	s0 =	sshll.u32 s0, $0x6;
	s10 =	rddreg [dreg:$0x10]  }
0x14d: {  	s20 =	sshrl.u32 s10, $0x3;
	s10 =	sor.u32 $0x1C01, s0  }
.Ltmp6:
0x14e: {  	(pc) =	sbr.rel @p1 .LBB2_10-.Ltmp6, $4  }
.Ltmp7:
0x14f: {  	s10 =	sor.u32 $0x1C01, s0;
	s16 =	rddreg [dreg:$0x12];
	(pc) =	sbr.rel @!p1 .LBB2_9-.Ltmp7, $4  }
0x150: {  	[hbm:s16], [sflag:s10] =	dma.local [spmem:s20], $0x1900  }
0x151: {  	s0 =	rddreg [dreg:$0x5]  }
0x152: {  	s20 =	rddreg [dreg:$0x15]  }
0x153: {  	_ = 	snop  }
.LBB2_7:
.Ltmp8:
0x154: {  	(pc) =	sbr.rel @p2 .LBB2_9-.Ltmp8, $4  }
.Ltmp9:
0x155: {  	s0 =	rddreg [dreg:$0x11];
	(pc) =	sbr.rel @!p2 .LBB2_10-.Ltmp9, $4  }
0x156: {  	[hbm:s0], [sflag:s10] =	dma.local [spmem:s20], $0x1900  }
0x157: {  	s0 =	rddreg [dreg:$0x2]  }
0x158: {  	s20 =	rddreg [dreg:$0x15]  }
0x159: {  	_ = 	snop  }
.LBB2_11:
0x15a: {  	_ =	sfence.sel $0x180000  }
0x15b: {  	[bflag:$0x0] =	sbarrier.arrive $0xFFFF  }
0x15c: {  	_ =	strace $0x90000047  }
0x15d: {  	s0 =	stileid.u32;
	[bflag:$0x2] =	sbarrier.arrive $0xFFFF  }
0x15e: {  	p0 =	sne.s32 s0, $0x0;
	s0 =	rddreg [dreg:$0x4]  }
0x15f: {  	s0 =	sadd.s32 @!p0 $0x100000, s0  }
0x160: {  	[sflag:s0] =	ssyncadd.tile.s32 @!p0 $0x1;
	_ =	shalt  }
.Lfunc_end2:
_tile_overlayer_lowered:
.L_overlay_start_2:
0x161: {  	(tag) =	ssettag $0x2  }
0x162: {  	s0 =	rddreg [dreg:$0x0];
	s2 =	stileid.u32  }
0x163: {  	s1 =	rddreg [dreg:$0x1];
	p0 =	sne.s32 s2, $0x0  }
0x164: {  	s3 =	rddreg [dreg:$0x2];
	[bflag:$0x3] =	sbarrier.arrive $0xFFFF;
	s2 =	simm.s32 @!p0 $0x1C04  }
0x165: {  	[timem:s3], [sflag:s2] =	dma.local @!p0 [hbm:s0], s1  }
0x166: {  	s0 =	simm.s32 @!p0 $0x4  }
0x167: {  	_ =	swait.ge @!p0 [sflag:s0], s1  }
0x168: {  	s1 =	ssub.s32 @!p0 $0x0, s1;
	[sflag:s0] =	ssyncset.done @!p0 $0x0  }
0x169: {  	[sflag:s0] =	ssyncadd.s32 @!p0 s1  }
0x16a: {  	[bflag:$0x3] =	sbarrier.arrive $0xFFFF  }
0x16b: {  	_ =	shalt  }

</sc_bundles>
